<compile_context>
chip_gen: v7x
topology: tpu7x:2x2x1
jax: 0.10.2.dev20260603
libtpu: 0.0.44.dev20260713+nightly
codegen_flags: <defaults>
</compile_context>

<pallas_src>
import functools
import math

import jax
import jax.numpy as jnp
from jax import lax
from jax.experimental import pallas as pl
from jax.experimental.pallas import tpu as pltpu
from jax.experimental.pallas import tpu_sc as plsc

_D = 64
_SCALE = float(math.sqrt(_D))
_NC, _NS = 2, 16
_NW = _NC * _NS
_IB = 128
_L = 16
_NBUF = 5


@functools.lru_cache(maxsize=None)
def _make_kernel(R, C):
    n_ti = R // _IB
    n_tk = _D // 8
    n_units = C
    assert n_units % _NBUF == 0 and n_ti == _NW

    mesh = plsc.VectorSubcoreMesh(core_axis_name="c", subcore_axis_name="s")

    @functools.partial(
        pl.kernel,
        out_type=jax.ShapeDtypeStruct((C, n_tk, n_ti, 8, _IB), jnp.float32),
        mesh=mesh,
        compiler_params=pltpu.CompilerParams(
            use_tc_tiling_on_sc=False, needs_layout_passes=False
        ),
        scratch_types=[
            pltpu.VMEM((C, _IB), jnp.int32),
            [pltpu.VMEM((_IB, _D), jnp.float32) for _ in range(_NBUF)],
            [pltpu.VMEM((n_tk, 1, 8, _IB + 1), jnp.float32) for _ in range(_NBUF)],
            [pltpu.SemaphoreType.DMA for _ in range(_NBUF)],
            [pltpu.SemaphoreType.DMA for _ in range(_NBUF)],
        ],
    )
    def emb_kernel(xt_hbm, lut_hbm, out_hbm, idx_v, gbufs, tbufs, gsems, osems):
        wid = lax.axis_index("s") * _NC + lax.axis_index("c")

        pltpu.sync_copy(xt_hbm.at[:, pl.ds(wid * _IB, _IB)], idx_v)

        def fire_gather(u, b):
            pltpu.async_copy(lut_hbm.at[idx_v.at[u]], gbufs[b], gsems[b])

        def drain_gather(b):
            pltpu.make_async_copy(
                lut_hbm.at[pl.ds(0, _IB)], gbufs[b], gsems[b]
            ).wait()

        def out_slice(u):
            return out_hbm.at[u, :, pl.ds(wid, 1)]

        def tbuf_src(b):
            return tbufs[b].at[:, :, :, pl.ds(0, _IB)]

        def wait_out(b):
            pltpu.make_async_copy(tbuf_src(b), out_slice(0), osems[b]).wait()

        for pb in range(_NBUF - 1):
            fire_gather(pb, pb)

        iota = lax.iota(jnp.int32, _L)

        @pl.loop(0, n_units // _NBUF)
        def _(it):
            for b in range(_NBUF):
                u = it * _NBUF + b
                drain_gather(b)

                @pl.when(u >= _NBUF)
                def _():
                    wait_out(b)

                @plsc.parallel_loop(0, _IB, unroll=8)
                def _(i):
                    ivec = jnp.full((_L,), i, jnp.int32)
                    for j in range(_D // _L):
                        cols = iota + j * _L
                        v = gbufs[b][i, pl.ds(j * _L, _L)] * _SCALE
                        tk_v = lax.shift_right_logical(cols, 3)
                        r_v = lax.bitwise_and(cols, jnp.int32(7))
                        plsc.store_scatter(
                            tbufs[b],
                            [tk_v, jnp.zeros((_L,), jnp.int32), r_v, ivec],
                            v,
                        )

                pltpu.async_copy(tbuf_src(b), out_slice(u), osems[b])
                nu = u + (_NBUF - 1)

                @pl.when(nu < n_units)
                def _():
                    fire_gather(nu, (b + _NBUF - 1) % _NBUF)

        for b in range(_NBUF):
            wait_out(b)

    return emb_kernel


def kernel(x, lut):
    R, C = x.shape
    outp = _make_kernel(R, C)(x.T, lut)
    return outp.transpose(2, 4, 0, 1, 3).reshape(R, C, _D)

# --- scband reference (transcript-rebuilt; emitter-appended) ---
"""Pipeline reference for scband-embeddings-2327872274690 (READ-ONLY COPY).

The authoritative reference and input builder live on the scoring server;
editing this copy changes nothing except your own understanding.
"""

import jax, jax.numpy as jnp
import numpy as np
import math

D_MODEL = 64
VOCAB_SIZE = 1000000

def setup_inputs(seed: int = 0) -> dict:
    key = jax.random.key(seed)
    k1, k2 = jax.random.split(key)
    x = jax.random.randint(k1, (4096, 200), 0, VOCAB_SIZE, dtype=jnp.int64 if jax.config.jax_enable_x64 else jnp.int32)
    lut = jax.random.normal(k2, (VOCAB_SIZE, D_MODEL), dtype=jnp.float32) * 0.02
    return {"x": x, "lut": lut}

def reference(x, lut):
    # Embeddings.forward: self.lut(x) * math.sqrt(self.d_model)
    emb = jnp.take(lut, x, axis=0)
    return emb * math.sqrt(D_MODEL)

if __name__ == "__main__":
    import jax
    _d = setup_inputs()
    print(jax.jit(kernel)(*tuple(_d.values())))

</pallas_src>

<mosaic_0001>
#map = affine_map<(d0, d1) -> (0, 0)>
#map1 = affine_map<(d0, d1) -> (0, 0, 0, 0, 0)>
module attributes {stable_mosaic.version = 14 : i64} {
  func.func @emb_kernel(%arg0: i32, %arg1: i32, %arg2: memref<200x4096xi32, #tpu.memory_space<hbm>>, %arg3: memref<1000000x64xf32, #tpu.memory_space<hbm>>, %arg4: memref<200x8x32x8x128xf32, #tpu.memory_space<hbm>>, %arg5: memref<200x128xi32, #tpu.memory_space<vmem>>, %arg6: memref<128x64xf32, #tpu.memory_space<vmem>>, %arg7: memref<128x64xf32, #tpu.memory_space<vmem>>, %arg8: memref<128x64xf32, #tpu.memory_space<vmem>>, %arg9: memref<128x64xf32, #tpu.memory_space<vmem>>, %arg10: memref<128x64xf32, #tpu.memory_space<vmem>>, %arg11: memref<8x1x8x129xf32, #tpu.memory_space<vmem>>, %arg12: memref<8x1x8x129xf32, #tpu.memory_space<vmem>>, %arg13: memref<8x1x8x129xf32, #tpu.memory_space<vmem>>, %arg14: memref<8x1x8x129xf32, #tpu.memory_space<vmem>>, %arg15: memref<8x1x8x129xf32, #tpu.memory_space<vmem>>, %arg16: memref<!tpu.dma_semaphore, #tpu.memory_space<semaphore_mem>>, %arg17: memref<!tpu.dma_semaphore, #tpu.memory_space<semaphore_mem>>, %arg18: memref<!tpu.dma_semaphore, #tpu.memory_space<semaphore_mem>>, %arg19: memref<!tpu.dma_semaphore, #tpu.memory_space<semaphore_mem>>, %arg20: memref<!tpu.dma_semaphore, #tpu.memory_space<semaphore_mem>>, %arg21: memref<!tpu.dma_semaphore, #tpu.memory_space<semaphore_mem>>, %arg22: memref<!tpu.dma_semaphore, #tpu.memory_space<semaphore_mem>>, %arg23: memref<!tpu.dma_semaphore, #tpu.memory_space<semaphore_mem>>, %arg24: memref<!tpu.dma_semaphore, #tpu.memory_space<semaphore_mem>>, %arg25: memref<!tpu.dma_semaphore, #tpu.memory_space<semaphore_mem>>) attributes {dimension_semantics = [#tpu.dimension_semantics<core_parallel>, #tpu.dimension_semantics<subcore_parallel>], iteration_bounds = array<i64: 2, 16>, scalar_prefetch = 0 : i64, scratch_operands = 21 : i64, tpu.core_type = #tpu.core_type<sc_vector_subcore>, window_params = [{transform_indices = #map}, {transform_indices = #map}, {transform_indices = #map1}]} {
    %mul3A = arith.constant 2 : i32
    %mul3A_0 = arith.muli %arg1, %mul3A : i32
    %add3A = arith.addi %mul3A_0, %arg0 : i32
    %mul3A_1 = arith.constant 128 : i32
    %mul3A_2 = arith.muli %add3A, %mul3A_1 : i32
    "tpu.region"() ({
      %run_scoped3A = tpu.sem_alloc : memref<!tpu.dma_semaphore, #tpu.memory_space<semaphore_mem>>
      %dma_start3A_138 = arith.constant 0 : i32
      %dma_start3A_139 = tpu.memref_slice %arg2[%dma_start3A_138, %mul3A_2] : memref<200x4096xi32, #tpu.memory_space<hbm>> -> memref<200x128xi32, #tpu.memory_space<hbm>>
      %dma_start3A_140 = arith.constant 0 : i32
      %dma_start3A_141 = tpu.memref_slice %arg2[%dma_start3A_140, %mul3A_2] : memref<200x4096xi32, #tpu.memory_space<hbm>> -> memref<200x128xi32, #tpu.memory_space<hbm>>
      tpu.enqueue_dma source(%dma_start3A_141 : memref<200x128xi32, #tpu.memory_space<hbm>>) target(%arg5 : memref<200x128xi32, #tpu.memory_space<vmem>>) target_semaphore(%run_scoped3A : memref<!tpu.dma_semaphore, #tpu.memory_space<semaphore_mem>>)
      %dma_wait3A_142 = arith.constant 0 : i32
      %dma_wait3A_143 = tpu.memref_slice %arg2[%dma_wait3A_142, %mul3A_2] : memref<200x4096xi32, #tpu.memory_space<hbm>> -> memref<200x128xi32, #tpu.memory_space<hbm>>
      %dma_wait3A_144 = arith.constant 0 : i32
      %dma_wait3A_145 = tpu.memref_slice %arg2[%dma_wait3A_144, %mul3A_2] : memref<200x4096xi32, #tpu.memory_space<hbm>> -> memref<200x128xi32, #tpu.memory_space<hbm>>
      tpu.wait_dma2 semaphore(%run_scoped3A : memref<!tpu.dma_semaphore, #tpu.memory_space<semaphore_mem>>) src(%dma_wait3A_145 : memref<200x128xi32, #tpu.memory_space<hbm>>) dst(%arg5 : memref<200x128xi32, #tpu.memory_space<vmem>>)
      tpu.yield
    }) : () -> ()
    %dma_start3A = arith.constant 0 : i32
    %dma_start3A_3 = arith.constant 0 : i32
    %dma_start3A_4 = tpu.memref_slice %arg5[%dma_start3A, %dma_start3A_3] : memref<200x128xi32, #tpu.memory_space<vmem>> -> memref<1x128xi32, #tpu.memory_space<vmem>>
    %dma_start3A_5 = tpu.memref_squeeze %dma_start3A_4 : memref<1x128xi32, #tpu.memory_space<vmem>> -> memref<128xi32, #tpu.memory_space<vmem>>
    %dma_start3A_6 = arith.constant 0 : i32
    %dma_start3A_7 = arith.constant 0 : i32
    %dma_start3A_8 = tpu.memref_slice %arg3[%dma_start3A_6, %dma_start3A_7] : memref<1000000x64xf32, #tpu.memory_space<hbm>> -> memref<1000000x64xf32, #tpu.memory_space<hbm>>
    tpu.enqueue_indirect_dma source(%dma_start3A_8 : memref<1000000x64xf32, #tpu.memory_space<hbm>>) target(%arg6 : memref<128x64xf32, #tpu.memory_space<vmem>>) offsets(%dma_start3A_5 : memref<128xi32, #tpu.memory_space<vmem>>) semaphore(%arg16 : memref<!tpu.dma_semaphore, #tpu.memory_space<semaphore_mem>>)
    %dma_start3A_9 = arith.constant 1 : i32
    %dma_start3A_10 = arith.constant 0 : i32
    %dma_start3A_11 = tpu.memref_slice %arg5[%dma_start3A_9, %dma_start3A_10] : memref<200x128xi32, #tpu.memory_space<vmem>> -> memref<1x128xi32, #tpu.memory_space<vmem>>
    %dma_start3A_12 = tpu.memref_squeeze %dma_start3A_11 : memref<1x128xi32, #tpu.memory_space<vmem>> -> memref<128xi32, #tpu.memory_space<vmem>>
    %dma_start3A_13 = arith.constant 0 : i32
    %dma_start3A_14 = arith.constant 0 : i32
    %dma_start3A_15 = tpu.memref_slice %arg3[%dma_start3A_13, %dma_start3A_14] : memref<1000000x64xf32, #tpu.memory_space<hbm>> -> memref<1000000x64xf32, #tpu.memory_space<hbm>>
    tpu.enqueue_indirect_dma source(%dma_start3A_15 : memref<1000000x64xf32, #tpu.memory_space<hbm>>) target(%arg7 : memref<128x64xf32, #tpu.memory_space<vmem>>) offsets(%dma_start3A_12 : memref<128xi32, #tpu.memory_space<vmem>>) semaphore(%arg17 : memref<!tpu.dma_semaphore, #tpu.memory_space<semaphore_mem>>)
    %dma_start3A_16 = arith.constant 2 : i32
    %dma_start3A_17 = arith.constant 0 : i32
    %dma_start3A_18 = tpu.memref_slice %arg5[%dma_start3A_16, %dma_start3A_17] : memref<200x128xi32, #tpu.memory_space<vmem>> -> memref<1x128xi32, #tpu.memory_space<vmem>>
    %dma_start3A_19 = tpu.memref_squeeze %dma_start3A_18 : memref<1x128xi32, #tpu.memory_space<vmem>> -> memref<128xi32, #tpu.memory_space<vmem>>
    %dma_start3A_20 = arith.constant 0 : i32
    %dma_start3A_21 = arith.constant 0 : i32
    %dma_start3A_22 = tpu.memref_slice %arg3[%dma_start3A_20, %dma_start3A_21] : memref<1000000x64xf32, #tpu.memory_space<hbm>> -> memref<1000000x64xf32, #tpu.memory_space<hbm>>
    tpu.enqueue_indirect_dma source(%dma_start3A_22 : memref<1000000x64xf32, #tpu.memory_space<hbm>>) target(%arg8 : memref<128x64xf32, #tpu.memory_space<vmem>>) offsets(%dma_start3A_19 : memref<128xi32, #tpu.memory_space<vmem>>) semaphore(%arg18 : memref<!tpu.dma_semaphore, #tpu.memory_space<semaphore_mem>>)
    %dma_start3A_23 = arith.constant 3 : i32
    %dma_start3A_24 = arith.constant 0 : i32
    %dma_start3A_25 = tpu.memref_slice %arg5[%dma_start3A_23, %dma_start3A_24] : memref<200x128xi32, #tpu.memory_space<vmem>> -> memref<1x128xi32, #tpu.memory_space<vmem>>
    %dma_start3A_26 = tpu.memref_squeeze %dma_start3A_25 : memref<1x128xi32, #tpu.memory_space<vmem>> -> memref<128xi32, #tpu.memory_space<vmem>>
    %dma_start3A_27 = arith.constant 0 : i32
    %dma_start3A_28 = arith.constant 0 : i32
    %dma_start3A_29 = tpu.memref_slice %arg3[%dma_start3A_27, %dma_start3A_28] : memref<1000000x64xf32, #tpu.memory_space<hbm>> -> memref<1000000x64xf32, #tpu.memory_space<hbm>>
    tpu.enqueue_indirect_dma source(%dma_start3A_29 : memref<1000000x64xf32, #tpu.memory_space<hbm>>) target(%arg9 : memref<128x64xf32, #tpu.memory_space<vmem>>) offsets(%dma_start3A_26 : memref<128xi32, #tpu.memory_space<vmem>>) semaphore(%arg19 : memref<!tpu.dma_semaphore, #tpu.memory_space<semaphore_mem>>)
    %iota3A = tpu.iota {dimensions = array<i32: 0>} : vector<16xi32>
    %scan3A = arith.constant 0 : i32
    %scan3A_30 = arith.constant 40 : i32
    %scan3A_31 = arith.addi %scan3A, %scan3A_30 : i32
    %scan3A_32 = arith.constant 1 : i32
    scf.for %scan3A_138 = %scan3A to %scan3A_31 step %scan3A_32  : i32 {
      %mul3A_139 = arith.constant 1 : i32
      %mul3A_140 = arith.muli %scan3A_138, %mul3A_139 : i32
      %add3A_141 = arith.constant 0 : i32
      %add3A_142 = arith.addi %add3A_141, %mul3A_140 : i32
      %mul3A_143 = arith.constant 5 : i32
      %mul3A_144 = arith.muli %add3A_142, %mul3A_143 : i32
      %add3A_145 = arith.constant 0 : i32
      %add3A_146 = arith.addi %mul3A_144, %add3A_145 : i32
      %dma_wait3A_147 = arith.constant 0 : i32
      %dma_wait3A_148 = arith.constant 0 : i32
      %dma_wait3A_149 = tpu.memref_slice %arg3[%dma_wait3A_147, %dma_wait3A_148] : memref<1000000x64xf32, #tpu.memory_space<hbm>> -> memref<128x64xf32, #tpu.memory_space<hbm>>
      %dma_wait3A_150 = arith.constant 0 : i32
      %dma_wait3A_151 = arith.constant 0 : i32
      %dma_wait3A_152 = tpu.memref_slice %arg3[%dma_wait3A_150, %dma_wait3A_151] : memref<1000000x64xf32, #tpu.memory_space<hbm>> -> memref<128x64xf32, #tpu.memory_space<hbm>>
      tpu.wait_dma2 semaphore(%arg16 : memref<!tpu.dma_semaphore, #tpu.memory_space<semaphore_mem>>) src(%dma_wait3A_152 : memref<128x64xf32, #tpu.memory_space<hbm>>) dst(%arg6 : memref<128x64xf32, #tpu.memory_space<vmem>>)
      %ge3A = arith.constant 5 : i32
      %ge3A_153 = arith.cmpi sge, %add3A_146, %ge3A : i32
      %convert_element_type3A = arith.extui %ge3A_153 : i1 to i32
      %cond3A = arith.constant 0 : i32
      %cond3A_154 = arith.cmpi ne, %convert_element_type3A, %cond3A : i32
      scf.if %cond3A_154 {
        %dma_wait3A_363 = arith.constant 0 : i32
        %dma_wait3A_364 = arith.constant 0 : i32
        %dma_wait3A_365 = arith.constant 0 : i32
        %dma_wait3A_366 = arith.constant 0 : i32
        %dma_wait3A_367 = arith.constant 0 : i32
        %dma_wait3A_368 = tpu.memref_slice %arg11[%dma_wait3A_364, %dma_wait3A_365, %dma_wait3A_366, %dma_wait3A_367] : memref<8x1x8x129xf32, #tpu.memory_space<vmem>> -> memref<8x1x8x128xf32, #tpu.memory_space<vmem>>
        %dma_wait3A_369 = arith.constant 0 : i32
        %dma_wait3A_370 = arith.constant 0 : i32
        %dma_wait3A_371 = arith.constant 0 : i32
        %dma_wait3A_372 = tpu.memref_slice %arg4[%dma_wait3A_363, %dma_wait3A_369, %add3A, %dma_wait3A_370, %dma_wait3A_371] : memref<200x8x32x8x128xf32, #tpu.memory_space<hbm>> -> memref<1x8x1x8x128xf32, #tpu.memory_space<hbm>>
        %dma_wait3A_373 = tpu.memref_squeeze %dma_wait3A_372 : memref<1x8x1x8x128xf32, #tpu.memory_space<hbm>> -> memref<8x1x8x128xf32, #tpu.memory_space<hbm>>
        %dma_wait3A_374 = arith.constant 0 : i32
        %dma_wait3A_375 = arith.constant 0 : i32
        %dma_wait3A_376 = arith.constant 0 : i32
        %dma_wait3A_377 = tpu.memref_slice %arg4[%dma_wait3A_363, %dma_wait3A_374, %add3A, %dma_wait3A_375, %dma_wait3A_376] : memref<200x8x32x8x128xf32, #tpu.memory_space<hbm>> -> memref<1x8x1x8x128xf32, #tpu.memory_space<hbm>>
        %dma_wait3A_378 = tpu.memref_squeeze %dma_wait3A_377 : memref<1x8x1x8x128xf32, #tpu.memory_space<hbm>> -> memref<8x1x8x128xf32, #tpu.memory_space<hbm>>
        %dma_wait3A_379 = arith.constant 0 : i32
        %dma_wait3A_380 = arith.constant 0 : i32
        %dma_wait3A_381 = arith.constant 0 : i32
        %dma_wait3A_382 = arith.constant 0 : i32
        %dma_wait3A_383 = tpu.memref_slice %arg11[%dma_wait3A_379, %dma_wait3A_380, %dma_wait3A_381, %dma_wait3A_382] : memref<8x1x8x129xf32, #tpu.memory_space<vmem>> -> memref<8x1x8x128xf32, #tpu.memory_space<vmem>>
        tpu.wait_dma2 semaphore(%arg21 : memref<!tpu.dma_semaphore, #tpu.memory_space<semaphore_mem>>) src(%dma_wait3A_383 : memref<8x1x8x128xf32, #tpu.memory_space<vmem>>) dst(%dma_wait3A_378 : memref<8x1x8x128xf32, #tpu.memory_space<hbm>>)
      } else {
      }
      %parallel_loop3A = arith.constant 0 : i32
      %parallel_loop3A_155 = arith.constant 128 : i32
      %parallel_loop3A_156 = arith.constant 1 : i32
      scf.for %parallel_loop3A_363 = %parallel_loop3A to %parallel_loop3A_155 step %parallel_loop3A_156  : i32 {
        %parallel_loop3A_364 = vector.broadcast %parallel_loop3A_363 : i32 to vector<16xi32>
        %parallel_loop3A_365 = arith.constant 0 : i32
        %parallel_loop3A_366 = vector.broadcast %parallel_loop3A_365 : i32 to vector<16xi32>
        %parallel_loop3A_367 = arith.addi %iota3A, %parallel_loop3A_366 : vector<16xi32>
        %parallel_loop3A_368 = arith.index_cast %parallel_loop3A_363 : i32 to index
        %parallel_loop3A_369 = arith.constant 0 : index
        %parallel_loop3A_370 = tpu.vector_load %arg6[%parallel_loop3A_368, %parallel_loop3A_369] {strides = array<i32>} : memref<128x64xf32, #tpu.memory_space<vmem>>, vector<16xf32>,
        %parallel_loop3A_371 = arith.constant 8.000000e+00 : f32
        %parallel_loop3A_372 = vector.broadcast %parallel_loop3A_371 : f32 to vector<16xf32>
        %parallel_loop3A_373 = arith.mulf %parallel_loop3A_370, %parallel_loop3A_372 : vector<16xf32>
        %parallel_loop3A_374 = arith.constant 3 : i32
        %parallel_loop3A_375 = vector.broadcast %parallel_loop3A_374 : i32 to vector<16xi32>
        %parallel_loop3A_376 = arith.shrui %parallel_loop3A_367, %parallel_loop3A_375 : vector<16xi32>
        %parallel_loop3A_377 = arith.constant 7 : i32
        %parallel_loop3A_378 = vector.broadcast %parallel_loop3A_377 : i32 to vector<16xi32>
        %parallel_loop3A_379 = arith.andi %parallel_loop3A_367, %parallel_loop3A_378 : vector<16xi32>
        %parallel_loop3A_380 = arith.constant 0 : i32
        %parallel_loop3A_381 = vector.broadcast %parallel_loop3A_380 : i32 to vector<16xi32>
        tpu.vector_store_idx %arg11[%parallel_loop3A_376, %parallel_loop3A_381, %parallel_loop3A_379, %parallel_loop3A_364], %parallel_loop3A_373 : memref<8x1x8x129xf32, #tpu.memory_space<vmem>>[vector<16xi32>, vector<16xi32>, vector<16xi32>, vector<16xi32>], vector<16xf32>,
        %parallel_loop3A_382 = arith.constant 16 : i32
        %parallel_loop3A_383 = vector.broadcast %parallel_loop3A_382 : i32 to vector<16xi32>
        %parallel_loop3A_384 = arith.addi %iota3A, %parallel_loop3A_383 : vector<16xi32>
        %parallel_loop3A_385 = arith.index_cast %parallel_loop3A_363 : i32 to index
        %parallel_loop3A_386 = arith.constant 16 : index
        %parallel_loop3A_387 = tpu.vector_load %arg6[%parallel_loop3A_385, %parallel_loop3A_386] {strides = array<i32>} : memref<128x64xf32, #tpu.memory_space<vmem>>, vector<16xf32>,
        %parallel_loop3A_388 = arith.constant 8.000000e+00 : f32
        %parallel_loop3A_389 = vector.broadcast %parallel_loop3A_388 : f32 to vector<16xf32>
        %parallel_loop3A_390 = arith.mulf %parallel_loop3A_387, %parallel_loop3A_389 : vector<16xf32>
        %parallel_loop3A_391 = arith.constant 3 : i32
        %parallel_loop3A_392 = vector.broadcast %parallel_loop3A_391 : i32 to vector<16xi32>
        %parallel_loop3A_393 = arith.shrui %parallel_loop3A_384, %parallel_loop3A_392 : vector<16xi32>
        %parallel_loop3A_394 = arith.constant 7 : i32
        %parallel_loop3A_395 = vector.broadcast %parallel_loop3A_394 : i32 to vector<16xi32>
        %parallel_loop3A_396 = arith.andi %parallel_loop3A_384, %parallel_loop3A_395 : vector<16xi32>
        %parallel_loop3A_397 = arith.constant 0 : i32
        %parallel_loop3A_398 = vector.broadcast %parallel_loop3A_397 : i32 to vector<16xi32>
        tpu.vector_store_idx %arg11[%parallel_loop3A_393, %parallel_loop3A_398, %parallel_loop3A_396, %parallel_loop3A_364], %parallel_loop3A_390 : memref<8x1x8x129xf32, #tpu.memory_space<vmem>>[vector<16xi32>, vector<16xi32>, vector<16xi32>, vector<16xi32>], vector<16xf32>,
        %parallel_loop3A_399 = arith.constant 32 : i32
        %parallel_loop3A_400 = vector.broadcast %parallel_loop3A_399 : i32 to vector<16xi32>
        %parallel_loop3A_401 = arith.addi %iota3A, %parallel_loop3A_400 : vector<16xi32>
        %parallel_loop3A_402 = arith.index_cast %parallel_loop3A_363 : i32 to index
        %parallel_loop3A_403 = arith.constant 32 : index
        %parallel_loop3A_404 = tpu.vector_load %arg6[%parallel_loop3A_402, %parallel_loop3A_403] {strides = array<i32>} : memref<128x64xf32, #tpu.memory_space<vmem>>, vector<16xf32>,
        %parallel_loop3A_405 = arith.constant 8.000000e+00 : f32
        %parallel_loop3A_406 = vector.broadcast %parallel_loop3A_405 : f32 to vector<16xf32>
        %parallel_loop3A_407 = arith.mulf %parallel_loop3A_404, %parallel_loop3A_406 : vector<16xf32>
        %parallel_loop3A_408 = arith.constant 3 : i32
        %parallel_loop3A_409 = vector.broadcast %parallel_loop3A_408 : i32 to vector<16xi32>
        %parallel_loop3A_410 = arith.shrui %parallel_loop3A_401, %parallel_loop3A_409 : vector<16xi32>
        %parallel_loop3A_411 = arith.constant 7 : i32
        %parallel_loop3A_412 = vector.broadcast %parallel_loop3A_411 : i32 to vector<16xi32>
        %parallel_loop3A_413 = arith.andi %parallel_loop3A_401, %parallel_loop3A_412 : vector<16xi32>
        %parallel_loop3A_414 = arith.constant 0 : i32
        %parallel_loop3A_415 = vector.broadcast %parallel_loop3A_414 : i32 to vector<16xi32>
        tpu.vector_store_idx %arg11[%parallel_loop3A_410, %parallel_loop3A_415, %parallel_loop3A_413, %parallel_loop3A_364], %parallel_loop3A_407 : memref<8x1x8x129xf32, #tpu.memory_space<vmem>>[vector<16xi32>, vector<16xi32>, vector<16xi32>, vector<16xi32>], vector<16xf32>,
        %parallel_loop3A_416 = arith.constant 48 : i32
        %parallel_loop3A_417 = vector.broadcast %parallel_loop3A_416 : i32 to vector<16xi32>
        %parallel_loop3A_418 = arith.addi %iota3A, %parallel_loop3A_417 : vector<16xi32>
        %parallel_loop3A_419 = arith.index_cast %parallel_loop3A_363 : i32 to index
        %parallel_loop3A_420 = arith.constant 48 : index
        %parallel_loop3A_421 = tpu.vector_load %arg6[%parallel_loop3A_419, %parallel_loop3A_420] {strides = array<i32>} : memref<128x64xf32, #tpu.memory_space<vmem>>, vector<16xf32>,
        %parallel_loop3A_422 = arith.constant 8.000000e+00 : f32
        %parallel_loop3A_423 = vector.broadcast %parallel_loop3A_422 : f32 to vector<16xf32>
        %parallel_loop3A_424 = arith.mulf %parallel_loop3A_421, %parallel_loop3A_423 : vector<16xf32>
        %parallel_loop3A_425 = arith.constant 3 : i32
        %parallel_loop3A_426 = vector.broadcast %parallel_loop3A_425 : i32 to vector<16xi32>
        %parallel_loop3A_427 = arith.shrui %parallel_loop3A_418, %parallel_loop3A_426 : vector<16xi32>
        %parallel_loop3A_428 = arith.constant 7 : i32
        %parallel_loop3A_429 = vector.broadcast %parallel_loop3A_428 : i32 to vector<16xi32>
        %parallel_loop3A_430 = arith.andi %parallel_loop3A_418, %parallel_loop3A_429 : vector<16xi32>
        %parallel_loop3A_431 = arith.constant 0 : i32
        %parallel_loop3A_432 = vector.broadcast %parallel_loop3A_431 : i32 to vector<16xi32>
        tpu.vector_store_idx %arg11[%parallel_loop3A_427, %parallel_loop3A_432, %parallel_loop3A_430, %parallel_loop3A_364], %parallel_loop3A_424 : memref<8x1x8x129xf32, #tpu.memory_space<vmem>>[vector<16xi32>, vector<16xi32>, vector<16xi32>, vector<16xi32>], vector<16xf32>,
      } {sc.loop_unroll_factor = 8 : i64, sc.parallel_access}
      %dma_start3A_157 = arith.constant 0 : i32
      %dma_start3A_158 = arith.constant 0 : i32
      %dma_start3A_159 = arith.constant 0 : i32
      %dma_start3A_160 = arith.constant 0 : i32
      %dma_start3A_161 = tpu.memref_slice %arg11[%dma_start3A_157, %dma_start3A_158, %dma_start3A_159, %dma_start3A_160] : memref<8x1x8x129xf32, #tpu.memory_space<vmem>> -> memref<8x1x8x128xf32, #tpu.memory_space<vmem>>
      %dma_start3A_162 = arith.constant 0 : i32
      %dma_start3A_163 = arith.constant 0 : i32
      %dma_start3A_164 = arith.constant 0 : i32
      %dma_start3A_165 = tpu.memref_slice %arg4[%add3A_146, %dma_start3A_162, %add3A, %dma_start3A_163, %dma_start3A_164] : memref<200x8x32x8x128xf32, #tpu.memory_space<hbm>> -> memref<1x8x1x8x128xf32, #tpu.memory_space<hbm>>
      %dma_start3A_166 = tpu.memref_squeeze %dma_start3A_165 : memref<1x8x1x8x128xf32, #tpu.memory_space<hbm>> -> memref<8x1x8x128xf32, #tpu.memory_space<hbm>>
      %dma_start3A_167 = arith.constant 0 : i32
      %dma_start3A_168 = arith.constant 0 : i32
      %dma_start3A_169 = arith.constant 0 : i32
      %dma_start3A_170 = tpu.memref_slice %arg4[%add3A_146, %dma_start3A_167, %add3A, %dma_start3A_168, %dma_start3A_169] : memref<200x8x32x8x128xf32, #tpu.memory_space<hbm>> -> memref<1x8x1x8x128xf32, #tpu.memory_space<hbm>>
      %dma_start3A_171 = tpu.memref_squeeze %dma_start3A_170 : memref<1x8x1x8x128xf32, #tpu.memory_space<hbm>> -> memref<8x1x8x128xf32, #tpu.memory_space<hbm>>
      %dma_start3A_172 = arith.constant 0 : i32
      %dma_start3A_173 = arith.constant 0 : i32
      %dma_start3A_174 = arith.constant 0 : i32
      %dma_start3A_175 = arith.constant 0 : i32
      %dma_start3A_176 = tpu.memref_slice %arg11[%dma_start3A_172, %dma_start3A_173, %dma_start3A_174, %dma_start3A_175] : memref<8x1x8x129xf32, #tpu.memory_space<vmem>> -> memref<8x1x8x128xf32, #tpu.memory_space<vmem>>
      tpu.enqueue_dma source(%dma_start3A_176 : memref<8x1x8x128xf32, #tpu.memory_space<vmem>>) target(%dma_start3A_171 : memref<8x1x8x128xf32, #tpu.memory_space<hbm>>) target_semaphore(%arg21 : memref<!tpu.dma_semaphore, #tpu.memory_space<semaphore_mem>>)
      %add3A_177 = arith.constant 4 : i32
      %add3A_178 = arith.addi %add3A_146, %add3A_177 : i32
      %lt3A = arith.constant 200 : i32
      %lt3A_179 = arith.cmpi slt, %add3A_178, %lt3A : i32
      %convert_element_type3A_180 = arith.extui %lt3A_179 : i1 to i32
      %cond3A_181 = arith.constant 0 : i32
      %cond3A_182 = arith.cmpi ne, %convert_element_type3A_180, %cond3A_181 : i32
      scf.if %cond3A_182 {
        %dma_start3A_363 = arith.constant 0 : i32
        %dma_start3A_364 = tpu.memref_slice %arg5[%add3A_178, %dma_start3A_363] : memref<200x128xi32, #tpu.memory_space<vmem>> -> memref<1x128xi32, #tpu.memory_space<vmem>>
        %dma_start3A_365 = tpu.memref_squeeze %dma_start3A_364 : memref<1x128xi32, #tpu.memory_space<vmem>> -> memref<128xi32, #tpu.memory_space<vmem>>
        %dma_start3A_366 = arith.constant 0 : i32
        %dma_start3A_367 = arith.constant 0 : i32
        %dma_start3A_368 = tpu.memref_slice %arg3[%dma_start3A_366, %dma_start3A_367] : memref<1000000x64xf32, #tpu.memory_space<hbm>> -> memref<1000000x64xf32, #tpu.memory_space<hbm>>
        tpu.enqueue_indirect_dma source(%dma_start3A_368 : memref<1000000x64xf32, #tpu.memory_space<hbm>>) target(%arg10 : memref<128x64xf32, #tpu.memory_space<vmem>>) offsets(%dma_start3A_365 : memref<128xi32, #tpu.memory_space<vmem>>) semaphore(%arg20 : memref<!tpu.dma_semaphore, #tpu.memory_space<semaphore_mem>>)
      } else {
      }
      %mul3A_183 = arith.constant 5 : i32
      %mul3A_184 = arith.muli %add3A_142, %mul3A_183 : i32
      %add3A_185 = arith.constant 1 : i32
      %add3A_186 = arith.addi %mul3A_184, %add3A_185 : i32
      %dma_wait3A_187 = arith.constant 0 : i32
      %dma_wait3A_188 = arith.constant 0 : i32
      %dma_wait3A_189 = tpu.memref_slice %arg3[%dma_wait3A_187, %dma_wait3A_188] : memref<1000000x64xf32, #tpu.memory_space<hbm>> -> memref<128x64xf32, #tpu.memory_space<hbm>>
      %dma_wait3A_190 = arith.constant 0 : i32
      %dma_wait3A_191 = arith.constant 0 : i32
      %dma_wait3A_192 = tpu.memref_slice %arg3[%dma_wait3A_190, %dma_wait3A_191] : memref<1000000x64xf32, #tpu.memory_space<hbm>> -> memref<128x64xf32, #tpu.memory_space<hbm>>
      tpu.wait_dma2 semaphore(%arg17 : memref<!tpu.dma_semaphore, #tpu.memory_space<semaphore_mem>>) src(%dma_wait3A_192 : memref<128x64xf32, #tpu.memory_space<hbm>>) dst(%arg7 : memref<128x64xf32, #tpu.memory_space<vmem>>)
      %ge3A_193 = arith.constant 5 : i32
      %ge3A_194 = arith.cmpi sge, %add3A_186, %ge3A_193 : i32
      %convert_element_type3A_195 = arith.extui %ge3A_194 : i1 to i32
      %cond3A_196 = arith.constant 0 : i32
      %cond3A_197 = arith.cmpi ne, %convert_element_type3A_195, %cond3A_196 : i32
      scf.if %cond3A_197 {
        %dma_wait3A_363 = arith.constant 0 : i32
        %dma_wait3A_364 = arith.constant 0 : i32
        %dma_wait3A_365 = arith.constant 0 : i32
        %dma_wait3A_366 = arith.constant 0 : i32
        %dma_wait3A_367 = arith.constant 0 : i32
        %dma_wait3A_368 = tpu.memref_slice %arg12[%dma_wait3A_364, %dma_wait3A_365, %dma_wait3A_366, %dma_wait3A_367] : memref<8x1x8x129xf32, #tpu.memory_space<vmem>> -> memref<8x1x8x128xf32, #tpu.memory_space<vmem>>
        %dma_wait3A_369 = arith.constant 0 : i32
        %dma_wait3A_370 = arith.constant 0 : i32
        %dma_wait3A_371 = arith.constant 0 : i32
        %dma_wait3A_372 = tpu.memref_slice %arg4[%dma_wait3A_363, %dma_wait3A_369, %add3A, %dma_wait3A_370, %dma_wait3A_371] : memref<200x8x32x8x128xf32, #tpu.memory_space<hbm>> -> memref<1x8x1x8x128xf32, #tpu.memory_space<hbm>>
        %dma_wait3A_373 = tpu.memref_squeeze %dma_wait3A_372 : memref<1x8x1x8x128xf32, #tpu.memory_space<hbm>> -> memref<8x1x8x128xf32, #tpu.memory_space<hbm>>
        %dma_wait3A_374 = arith.constant 0 : i32
        %dma_wait3A_375 = arith.constant 0 : i32
        %dma_wait3A_376 = arith.constant 0 : i32
        %dma_wait3A_377 = tpu.memref_slice %arg4[%dma_wait3A_363, %dma_wait3A_374, %add3A, %dma_wait3A_375, %dma_wait3A_376] : memref<200x8x32x8x128xf32, #tpu.memory_space<hbm>> -> memref<1x8x1x8x128xf32, #tpu.memory_space<hbm>>
        %dma_wait3A_378 = tpu.memref_squeeze %dma_wait3A_377 : memref<1x8x1x8x128xf32, #tpu.memory_space<hbm>> -> memref<8x1x8x128xf32, #tpu.memory_space<hbm>>
        %dma_wait3A_379 = arith.constant 0 : i32
        %dma_wait3A_380 = arith.constant 0 : i32
        %dma_wait3A_381 = arith.constant 0 : i32
        %dma_wait3A_382 = arith.constant 0 : i32
        %dma_wait3A_383 = tpu.memref_slice %arg12[%dma_wait3A_379, %dma_wait3A_380, %dma_wait3A_381, %dma_wait3A_382] : memref<8x1x8x129xf32, #tpu.memory_space<vmem>> -> memref<8x1x8x128xf32, #tpu.memory_space<vmem>>
        tpu.wait_dma2 semaphore(%arg22 : memref<!tpu.dma_semaphore, #tpu.memory_space<semaphore_mem>>) src(%dma_wait3A_383 : memref<8x1x8x128xf32, #tpu.memory_space<vmem>>) dst(%dma_wait3A_378 : memref<8x1x8x128xf32, #tpu.memory_space<hbm>>)
      } else {
      }
      %parallel_loop3A_198 = arith.constant 0 : i32
      %parallel_loop3A_199 = arith.constant 128 : i32
      %parallel_loop3A_200 = arith.constant 1 : i32
      scf.for %parallel_loop3A_363 = %parallel_loop3A_198 to %parallel_loop3A_199 step %parallel_loop3A_200  : i32 {
        %parallel_loop3A_364 = vector.broadcast %parallel_loop3A_363 : i32 to vector<16xi32>
        %parallel_loop3A_365 = arith.constant 0 : i32
        %parallel_loop3A_366 = vector.broadcast %parallel_loop3A_365 : i32 to vector<16xi32>
        %parallel_loop3A_367 = arith.addi %iota3A, %parallel_loop3A_366 : vector<16xi32>
        %parallel_loop3A_368 = arith.index_cast %parallel_loop3A_363 : i32 to index
        %parallel_loop3A_369 = arith.constant 0 : index
        %parallel_loop3A_370 = tpu.vector_load %arg7[%parallel_loop3A_368, %parallel_loop3A_369] {strides = array<i32>} : memref<128x64xf32, #tpu.memory_space<vmem>>, vector<16xf32>,
        %parallel_loop3A_371 = arith.constant 8.000000e+00 : f32
        %parallel_loop3A_372 = vector.broadcast %parallel_loop3A_371 : f32 to vector<16xf32>
        %parallel_loop3A_373 = arith.mulf %parallel_loop3A_370, %parallel_loop3A_372 : vector<16xf32>
        %parallel_loop3A_374 = arith.constant 3 : i32
        %parallel_loop3A_375 = vector.broadcast %parallel_loop3A_374 : i32 to vector<16xi32>
        %parallel_loop3A_376 = arith.shrui %parallel_loop3A_367, %parallel_loop3A_375 : vector<16xi32>
        %parallel_loop3A_377 = arith.constant 7 : i32
        %parallel_loop3A_378 = vector.broadcast %parallel_loop3A_377 : i32 to vector<16xi32>
        %parallel_loop3A_379 = arith.andi %parallel_loop3A_367, %parallel_loop3A_378 : vector<16xi32>
        %parallel_loop3A_380 = arith.constant 0 : i32
        %parallel_loop3A_381 = vector.broadcast %parallel_loop3A_380 : i32 to vector<16xi32>
        tpu.vector_store_idx %arg12[%parallel_loop3A_376, %parallel_loop3A_381, %parallel_loop3A_379, %parallel_loop3A_364], %parallel_loop3A_373 : memref<8x1x8x129xf32, #tpu.memory_space<vmem>>[vector<16xi32>, vector<16xi32>, vector<16xi32>, vector<16xi32>], vector<16xf32>,
        %parallel_loop3A_382 = arith.constant 16 : i32
        %parallel_loop3A_383 = vector.broadcast %parallel_loop3A_382 : i32 to vector<16xi32>
        %parallel_loop3A_384 = arith.addi %iota3A, %parallel_loop3A_383 : vector<16xi32>
        %parallel_loop3A_385 = arith.index_cast %parallel_loop3A_363 : i32 to index
        %parallel_loop3A_386 = arith.constant 16 : index
        %parallel_loop3A_387 = tpu.vector_load %arg7[%parallel_loop3A_385, %parallel_loop3A_386] {strides = array<i32>} : memref<128x64xf32, #tpu.memory_space<vmem>>, vector<16xf32>,
        %parallel_loop3A_388 = arith.constant 8.000000e+00 : f32
        %parallel_loop3A_389 = vector.broadcast %parallel_loop3A_388 : f32 to vector<16xf32>
        %parallel_loop3A_390 = arith.mulf %parallel_loop3A_387, %parallel_loop3A_389 : vector<16xf32>
        %parallel_loop3A_391 = arith.constant 3 : i32
        %parallel_loop3A_392 = vector.broadcast %parallel_loop3A_391 : i32 to vector<16xi32>
        %parallel_loop3A_393 = arith.shrui %parallel_loop3A_384, %parallel_loop3A_392 : vector<16xi32>
        %parallel_loop3A_394 = arith.constant 7 : i32
        %parallel_loop3A_395 = vector.broadcast %parallel_loop3A_394 : i32 to vector<16xi32>
        %parallel_loop3A_396 = arith.andi %parallel_loop3A_384, %parallel_loop3A_395 : vector<16xi32>
        %parallel_loop3A_397 = arith.constant 0 : i32
        %parallel_loop3A_398 = vector.broadcast %parallel_loop3A_397 : i32 to vector<16xi32>
        tpu.vector_store_idx %arg12[%parallel_loop3A_393, %parallel_loop3A_398, %parallel_loop3A_396, %parallel_loop3A_364], %parallel_loop3A_390 : memref<8x1x8x129xf32, #tpu.memory_space<vmem>>[vector<16xi32>, vector<16xi32>, vector<16xi32>, vector<16xi32>], vector<16xf32>,
        %parallel_loop3A_399 = arith.constant 32 : i32
        %parallel_loop3A_400 = vector.broadcast %parallel_loop3A_399 : i32 to vector<16xi32>
        %parallel_loop3A_401 = arith.addi %iota3A, %parallel_loop3A_400 : vector<16xi32>
        %parallel_loop3A_402 = arith.index_cast %parallel_loop3A_363 : i32 to index
        %parallel_loop3A_403 = arith.constant 32 : index
        %parallel_loop3A_404 = tpu.vector_load %arg7[%parallel_loop3A_402, %parallel_loop3A_403] {strides = array<i32>} : memref<128x64xf32, #tpu.memory_space<vmem>>, vector<16xf32>,
        %parallel_loop3A_405 = arith.constant 8.000000e+00 : f32
        %parallel_loop3A_406 = vector.broadcast %parallel_loop3A_405 : f32 to vector<16xf32>
        %parallel_loop3A_407 = arith.mulf %parallel_loop3A_404, %parallel_loop3A_406 : vector<16xf32>
        %parallel_loop3A_408 = arith.constant 3 : i32
        %parallel_loop3A_409 = vector.broadcast %parallel_loop3A_408 : i32 to vector<16xi32>
        %parallel_loop3A_410 = arith.shrui %parallel_loop3A_401, %parallel_loop3A_409 : vector<16xi32>
        %parallel_loop3A_411 = arith.constant 7 : i32
        %parallel_loop3A_412 = vector.broadcast %parallel_loop3A_411 : i32 to vector<16xi32>
        %parallel_loop3A_413 = arith.andi %parallel_loop3A_401, %parallel_loop3A_412 : vector<16xi32>
        %parallel_loop3A_414 = arith.constant 0 : i32
        %parallel_loop3A_415 = vector.broadcast %parallel_loop3A_414 : i32 to vector<16xi32>
        tpu.vector_store_idx %arg12[%parallel_loop3A_410, %parallel_loop3A_415, %parallel_loop3A_413, %parallel_loop3A_364], %parallel_loop3A_407 : memref<8x1x8x129xf32, #tpu.memory_space<vmem>>[vector<16xi32>, vector<16xi32>, vector<16xi32>, vector<16xi32>], vector<16xf32>,
        %parallel_loop3A_416 = arith.constant 48 : i32
        %parallel_loop3A_417 = vector.broadcast %parallel_loop3A_416 : i32 to vector<16xi32>
        %parallel_loop3A_418 = arith.addi %iota3A, %parallel_loop3A_417 : vector<16xi32>
        %parallel_loop3A_419 = arith.index_cast %parallel_loop3A_363 : i32 to index
        %parallel_loop3A_420 = arith.constant 48 : index
        %parallel_loop3A_421 = tpu.vector_load %arg7[%parallel_loop3A_419, %parallel_loop3A_420] {strides = array<i32>} : memref<128x64xf32, #tpu.memory_space<vmem>>, vector<16xf32>,
        %parallel_loop3A_422 = arith.constant 8.000000e+00 : f32
        %parallel_loop3A_423 = vector.broadcast %parallel_loop3A_422 : f32 to vector<16xf32>
        %parallel_loop3A_424 = arith.mulf %parallel_loop3A_421, %parallel_loop3A_423 : vector<16xf32>
        %parallel_loop3A_425 = arith.constant 3 : i32
        %parallel_loop3A_426 = vector.broadcast %parallel_loop3A_425 : i32 to vector<16xi32>
        %parallel_loop3A_427 = arith.shrui %parallel_loop3A_418, %parallel_loop3A_426 : vector<16xi32>
        %parallel_loop3A_428 = arith.constant 7 : i32
        %parallel_loop3A_429 = vector.broadcast %parallel_loop3A_428 : i32 to vector<16xi32>
        %parallel_loop3A_430 = arith.andi %parallel_loop3A_418, %parallel_loop3A_429 : vector<16xi32>
        %parallel_loop3A_431 = arith.constant 0 : i32
        %parallel_loop3A_432 = vector.broadcast %parallel_loop3A_431 : i32 to vector<16xi32>
        tpu.vector_store_idx %arg12[%parallel_loop3A_427, %parallel_loop3A_432, %parallel_loop3A_430, %parallel_loop3A_364], %parallel_loop3A_424 : memref<8x1x8x129xf32, #tpu.memory_space<vmem>>[vector<16xi32>, vector<16xi32>, vector<16xi32>, vector<16xi32>], vector<16xf32>,
      } {sc.loop_unroll_factor = 8 : i64, sc.parallel_access}
      %dma_start3A_201 = arith.constant 0 : i32
      %dma_start3A_202 = arith.constant 0 : i32
      %dma_start3A_203 = arith.constant 0 : i32
      %dma_start3A_204 = arith.constant 0 : i32
      %dma_start3A_205 = tpu.memref_slice %arg12[%dma_start3A_201, %dma_start3A_202, %dma_start3A_203, %dma_start3A_204] : memref<8x1x8x129xf32, #tpu.memory_space<vmem>> -> memref<8x1x8x128xf32, #tpu.memory_space<vmem>>
      %dma_start3A_206 = arith.constant 0 : i32
      %dma_start3A_207 = arith.constant 0 : i32
      %dma_start3A_208 = arith.constant 0 : i32
      %dma_start3A_209 = tpu.memref_slice %arg4[%add3A_186, %dma_start3A_206, %add3A, %dma_start3A_207, %dma_start3A_208] : memref<200x8x32x8x128xf32, #tpu.memory_space<hbm>> -> memref<1x8x1x8x128xf32, #tpu.memory_space<hbm>>
      %dma_start3A_210 = tpu.memref_squeeze %dma_start3A_209 : memref<1x8x1x8x128xf32, #tpu.memory_space<hbm>> -> memref<8x1x8x128xf32, #tpu.memory_space<hbm>>
      %dma_start3A_211 = arith.constant 0 : i32
      %dma_start3A_212 = arith.constant 0 : i32
      %dma_start3A_213 = arith.constant 0 : i32
      %dma_start3A_214 = tpu.memref_slice %arg4[%add3A_186, %dma_start3A_211, %add3A, %dma_start3A_212, %dma_start3A_213] : memref<200x8x32x8x128xf32, #tpu.memory_space<hbm>> -> memref<1x8x1x8x128xf32, #tpu.memory_space<hbm>>
      %dma_start3A_215 = tpu.memref_squeeze %dma_start3A_214 : memref<1x8x1x8x128xf32, #tpu.memory_space<hbm>> -> memref<8x1x8x128xf32, #tpu.memory_space<hbm>>
      %dma_start3A_216 = arith.constant 0 : i32
      %dma_start3A_217 = arith.constant 0 : i32
      %dma_start3A_218 = arith.constant 0 : i32
      %dma_start3A_219 = arith.constant 0 : i32
      %dma_start3A_220 = tpu.memref_slice %arg12[%dma_start3A_216, %dma_start3A_217, %dma_start3A_218, %dma_start3A_219] : memref<8x1x8x129xf32, #tpu.memory_space<vmem>> -> memref<8x1x8x128xf32, #tpu.memory_space<vmem>>
      tpu.enqueue_dma source(%dma_start3A_220 : memref<8x1x8x128xf32, #tpu.memory_space<vmem>>) target(%dma_start3A_215 : memref<8x1x8x128xf32, #tpu.memory_space<hbm>>) target_semaphore(%arg22 : memref<!tpu.dma_semaphore, #tpu.memory_space<semaphore_mem>>)
      %add3A_221 = arith.constant 4 : i32
      %add3A_222 = arith.addi %add3A_186, %add3A_221 : i32
      %lt3A_223 = arith.constant 200 : i32
      %lt3A_224 = arith.cmpi slt, %add3A_222, %lt3A_223 : i32
      %convert_element_type3A_225 = arith.extui %lt3A_224 : i1 to i32
      %cond3A_226 = arith.constant 0 : i32
      %cond3A_227 = arith.cmpi ne, %convert_element_type3A_225, %cond3A_226 : i32
      scf.if %cond3A_227 {
        %dma_start3A_363 = arith.constant 0 : i32
        %dma_start3A_364 = tpu.memref_slice %arg5[%add3A_222, %dma_start3A_363] : memref<200x128xi32, #tpu.memory_space<vmem>> -> memref<1x128xi32, #tpu.memory_space<vmem>>
        %dma_start3A_365 = tpu.memref_squeeze %dma_start3A_364 : memref<1x128xi32, #tpu.memory_space<vmem>> -> memref<128xi32, #tpu.memory_space<vmem>>
        %dma_start3A_366 = arith.constant 0 : i32
        %dma_start3A_367 = arith.constant 0 : i32
        %dma_start3A_368 = tpu.memref_slice %arg3[%dma_start3A_366, %dma_start3A_367] : memref<1000000x64xf32, #tpu.memory_space<hbm>> -> memref<1000000x64xf32, #tpu.memory_space<hbm>>
        tpu.enqueue_indirect_dma source(%dma_start3A_368 : memref<1000000x64xf32, #tpu.memory_space<hbm>>) target(%arg6 : memref<128x64xf32, #tpu.memory_space<vmem>>) offsets(%dma_start3A_365 : memref<128xi32, #tpu.memory_space<vmem>>) semaphore(%arg16 : memref<!tpu.dma_semaphore, #tpu.memory_space<semaphore_mem>>)
      } else {
      }
      %mul3A_228 = arith.constant 5 : i32
      %mul3A_229 = arith.muli %add3A_142, %mul3A_228 : i32
      %add3A_230 = arith.constant 2 : i32
      %add3A_231 = arith.addi %mul3A_229, %add3A_230 : i32
      %dma_wait3A_232 = arith.constant 0 : i32
      %dma_wait3A_233 = arith.constant 0 : i32
      %dma_wait3A_234 = tpu.memref_slice %arg3[%dma_wait3A_232, %dma_wait3A_233] : memref<1000000x64xf32, #tpu.memory_space<hbm>> -> memref<128x64xf32, #tpu.memory_space<hbm>>
      %dma_wait3A_235 = arith.constant 0 : i32
      %dma_wait3A_236 = arith.constant 0 : i32
      %dma_wait3A_237 = tpu.memref_slice %arg3[%dma_wait3A_235, %dma_wait3A_236] : memref<1000000x64xf32, #tpu.memory_space<hbm>> -> memref<128x64xf32, #tpu.memory_space<hbm>>
      tpu.wait_dma2 semaphore(%arg18 : memref<!tpu.dma_semaphore, #tpu.memory_space<semaphore_mem>>) src(%dma_wait3A_237 : memref<128x64xf32, #tpu.memory_space<hbm>>) dst(%arg8 : memref<128x64xf32, #tpu.memory_space<vmem>>)
      %ge3A_238 = arith.constant 5 : i32
      %ge3A_239 = arith.cmpi sge, %add3A_231, %ge3A_238 : i32
      %convert_element_type3A_240 = arith.extui %ge3A_239 : i1 to i32
      %cond3A_241 = arith.constant 0 : i32
      %cond3A_242 = arith.cmpi ne, %convert_element_type3A_240, %cond3A_241 : i32
      scf.if %cond3A_242 {
        %dma_wait3A_363 = arith.constant 0 : i32
        %dma_wait3A_364 = arith.constant 0 : i32
        %dma_wait3A_365 = arith.constant 0 : i32
        %dma_wait3A_366 = arith.constant 0 : i32
        %dma_wait3A_367 = arith.constant 0 : i32
        %dma_wait3A_368 = tpu.memref_slice %arg13[%dma_wait3A_364, %dma_wait3A_365, %dma_wait3A_366, %dma_wait3A_367] : memref<8x1x8x129xf32, #tpu.memory_space<vmem>> -> memref<8x1x8x128xf32, #tpu.memory_space<vmem>>
        %dma_wait3A_369 = arith.constant 0 : i32
        %dma_wait3A_370 = arith.constant 0 : i32
        %dma_wait3A_371 = arith.constant 0 : i32
        %dma_wait3A_372 = tpu.memref_slice %arg4[%dma_wait3A_363, %dma_wait3A_369, %add3A, %dma_wait3A_370, %dma_wait3A_371] : memref<200x8x32x8x128xf32, #tpu.memory_space<hbm>> -> memref<1x8x1x8x128xf32, #tpu.memory_space<hbm>>
        %dma_wait3A_373 = tpu.memref_squeeze %dma_wait3A_372 : memref<1x8x1x8x128xf32, #tpu.memory_space<hbm>> -> memref<8x1x8x128xf32, #tpu.memory_space<hbm>>
        %dma_wait3A_374 = arith.constant 0 : i32
        %dma_wait3A_375 = arith.constant 0 : i32
        %dma_wait3A_376 = arith.constant 0 : i32
        %dma_wait3A_377 = tpu.memref_slice %arg4[%dma_wait3A_363, %dma_wait3A_374, %add3A, %dma_wait3A_375, %dma_wait3A_376] : memref<200x8x32x8x128xf32, #tpu.memory_space<hbm>> -> memref<1x8x1x8x128xf32, #tpu.memory_space<hbm>>
        %dma_wait3A_378 = tpu.memref_squeeze %dma_wait3A_377 : memref<1x8x1x8x128xf32, #tpu.memory_space<hbm>> -> memref<8x1x8x128xf32, #tpu.memory_space<hbm>>
        %dma_wait3A_379 = arith.constant 0 : i32
        %dma_wait3A_380 = arith.constant 0 : i32
        %dma_wait3A_381 = arith.constant 0 : i32
        %dma_wait3A_382 = arith.constant 0 : i32
        %dma_wait3A_383 = tpu.memref_slice %arg13[%dma_wait3A_379, %dma_wait3A_380, %dma_wait3A_381, %dma_wait3A_382] : memref<8x1x8x129xf32, #tpu.memory_space<vmem>> -> memref<8x1x8x128xf32, #tpu.memory_space<vmem>>
        tpu.wait_dma2 semaphore(%arg23 : memref<!tpu.dma_semaphore, #tpu.memory_space<semaphore_mem>>) src(%dma_wait3A_383 : memref<8x1x8x128xf32, #tpu.memory_space<vmem>>) dst(%dma_wait3A_378 : memref<8x1x8x128xf32, #tpu.memory_space<hbm>>)
      } else {
      }
      %parallel_loop3A_243 = arith.constant 0 : i32
      %parallel_loop3A_244 = arith.constant 128 : i32
      %parallel_loop3A_245 = arith.constant 1 : i32
      scf.for %parallel_loop3A_363 = %parallel_loop3A_243 to %parallel_loop3A_244 step %parallel_loop3A_245  : i32 {
        %parallel_loop3A_364 = vector.broadcast %parallel_loop3A_363 : i32 to vector<16xi32>
        %parallel_loop3A_365 = arith.constant 0 : i32
        %parallel_loop3A_366 = vector.broadcast %parallel_loop3A_365 : i32 to vector<16xi32>
        %parallel_loop3A_367 = arith.addi %iota3A, %parallel_loop3A_366 : vector<16xi32>
        %parallel_loop3A_368 = arith.index_cast %parallel_loop3A_363 : i32 to index
        %parallel_loop3A_369 = arith.constant 0 : index
        %parallel_loop3A_370 = tpu.vector_load %arg8[%parallel_loop3A_368, %parallel_loop3A_369] {strides = array<i32>} : memref<128x64xf32, #tpu.memory_space<vmem>>, vector<16xf32>,
        %parallel_loop3A_371 = arith.constant 8.000000e+00 : f32
        %parallel_loop3A_372 = vector.broadcast %parallel_loop3A_371 : f32 to vector<16xf32>
        %parallel_loop3A_373 = arith.mulf %parallel_loop3A_370, %parallel_loop3A_372 : vector<16xf32>
        %parallel_loop3A_374 = arith.constant 3 : i32
        %parallel_loop3A_375 = vector.broadcast %parallel_loop3A_374 : i32 to vector<16xi32>
        %parallel_loop3A_376 = arith.shrui %parallel_loop3A_367, %parallel_loop3A_375 : vector<16xi32>
        %parallel_loop3A_377 = arith.constant 7 : i32
        %parallel_loop3A_378 = vector.broadcast %parallel_loop3A_377 : i32 to vector<16xi32>
        %parallel_loop3A_379 = arith.andi %parallel_loop3A_367, %parallel_loop3A_378 : vector<16xi32>
        %parallel_loop3A_380 = arith.constant 0 : i32
        %parallel_loop3A_381 = vector.broadcast %parallel_loop3A_380 : i32 to vector<16xi32>
        tpu.vector_store_idx %arg13[%parallel_loop3A_376, %parallel_loop3A_381, %parallel_loop3A_379, %parallel_loop3A_364], %parallel_loop3A_373 : memref<8x1x8x129xf32, #tpu.memory_space<vmem>>[vector<16xi32>, vector<16xi32>, vector<16xi32>, vector<16xi32>], vector<16xf32>,
        %parallel_loop3A_382 = arith.constant 16 : i32
        %parallel_loop3A_383 = vector.broadcast %parallel_loop3A_382 : i32 to vector<16xi32>
        %parallel_loop3A_384 = arith.addi %iota3A, %parallel_loop3A_383 : vector<16xi32>
        %parallel_loop3A_385 = arith.index_cast %parallel_loop3A_363 : i32 to index
        %parallel_loop3A_386 = arith.constant 16 : index
        %parallel_loop3A_387 = tpu.vector_load %arg8[%parallel_loop3A_385, %parallel_loop3A_386] {strides = array<i32>} : memref<128x64xf32, #tpu.memory_space<vmem>>, vector<16xf32>,
        %parallel_loop3A_388 = arith.constant 8.000000e+00 : f32
        %parallel_loop3A_389 = vector.broadcast %parallel_loop3A_388 : f32 to vector<16xf32>
        %parallel_loop3A_390 = arith.mulf %parallel_loop3A_387, %parallel_loop3A_389 : vector<16xf32>
        %parallel_loop3A_391 = arith.constant 3 : i32
        %parallel_loop3A_392 = vector.broadcast %parallel_loop3A_391 : i32 to vector<16xi32>
        %parallel_loop3A_393 = arith.shrui %parallel_loop3A_384, %parallel_loop3A_392 : vector<16xi32>
        %parallel_loop3A_394 = arith.constant 7 : i32
        %parallel_loop3A_395 = vector.broadcast %parallel_loop3A_394 : i32 to vector<16xi32>
        %parallel_loop3A_396 = arith.andi %parallel_loop3A_384, %parallel_loop3A_395 : vector<16xi32>
        %parallel_loop3A_397 = arith.constant 0 : i32
        %parallel_loop3A_398 = vector.broadcast %parallel_loop3A_397 : i32 to vector<16xi32>
        tpu.vector_store_idx %arg13[%parallel_loop3A_393, %parallel_loop3A_398, %parallel_loop3A_396, %parallel_loop3A_364], %parallel_loop3A_390 : memref<8x1x8x129xf32, #tpu.memory_space<vmem>>[vector<16xi32>, vector<16xi32>, vector<16xi32>, vector<16xi32>], vector<16xf32>,
        %parallel_loop3A_399 = arith.constant 32 : i32
        %parallel_loop3A_400 = vector.broadcast %parallel_loop3A_399 : i32 to vector<16xi32>
        %parallel_loop3A_401 = arith.addi %iota3A, %parallel_loop3A_400 : vector<16xi32>
        %parallel_loop3A_402 = arith.index_cast %parallel_loop3A_363 : i32 to index
        %parallel_loop3A_403 = arith.constant 32 : index
        %parallel_loop3A_404 = tpu.vector_load %arg8[%parallel_loop3A_402, %parallel_loop3A_403] {strides = array<i32>} : memref<128x64xf32, #tpu.memory_space<vmem>>, vector<16xf32>,
        %parallel_loop3A_405 = arith.constant 8.000000e+00 : f32
        %parallel_loop3A_406 = vector.broadcast %parallel_loop3A_405 : f32 to vector<16xf32>
        %parallel_loop3A_407 = arith.mulf %parallel_loop3A_404, %parallel_loop3A_406 : vector<16xf32>
        %parallel_loop3A_408 = arith.constant 3 : i32
        %parallel_loop3A_409 = vector.broadcast %parallel_loop3A_408 : i32 to vector<16xi32>
        %parallel_loop3A_410 = arith.shrui %parallel_loop3A_401, %parallel_loop3A_409 : vector<16xi32>
        %parallel_loop3A_411 = arith.constant 7 : i32
        %parallel_loop3A_412 = vector.broadcast %parallel_loop3A_411 : i32 to vector<16xi32>
        %parallel_loop3A_413 = arith.andi %parallel_loop3A_401, %parallel_loop3A_412 : vector<16xi32>
        %parallel_loop3A_414 = arith.constant 0 : i32
        %parallel_loop3A_415 = vector.broadcast %parallel_loop3A_414 : i32 to vector<16xi32>
        tpu.vector_store_idx %arg13[%parallel_loop3A_410, %parallel_loop3A_415, %parallel_loop3A_413, %parallel_loop3A_364], %parallel_loop3A_407 : memref<8x1x8x129xf32, #tpu.memory_space<vmem>>[vector<16xi32>, vector<16xi32>, vector<16xi32>, vector<16xi32>], vector<16xf32>,
        %parallel_loop3A_416 = arith.constant 48 : i32
        %parallel_loop3A_417 = vector.broadcast %parallel_loop3A_416 : i32 to vector<16xi32>
        %parallel_loop3A_418 = arith.addi %iota3A, %parallel_loop3A_417 : vector<16xi32>
        %parallel_loop3A_419 = arith.index_cast %parallel_loop3A_363 : i32 to index
        %parallel_loop3A_420 = arith.constant 48 : index
        %parallel_loop3A_421 = tpu.vector_load %arg8[%parallel_loop3A_419, %parallel_loop3A_420] {strides = array<i32>} : memref<128x64xf32, #tpu.memory_space<vmem>>, vector<16xf32>,
        %parallel_loop3A_422 = arith.constant 8.000000e+00 : f32
        %parallel_loop3A_423 = vector.broadcast %parallel_loop3A_422 : f32 to vector<16xf32>
        %parallel_loop3A_424 = arith.mulf %parallel_loop3A_421, %parallel_loop3A_423 : vector<16xf32>
        %parallel_loop3A_425 = arith.constant 3 : i32
        %parallel_loop3A_426 = vector.broadcast %parallel_loop3A_425 : i32 to vector<16xi32>
        %parallel_loop3A_427 = arith.shrui %parallel_loop3A_418, %parallel_loop3A_426 : vector<16xi32>
        %parallel_loop3A_428 = arith.constant 7 : i32
        %parallel_loop3A_429 = vector.broadcast %parallel_loop3A_428 : i32 to vector<16xi32>
        %parallel_loop3A_430 = arith.andi %parallel_loop3A_418, %parallel_loop3A_429 : vector<16xi32>
        %parallel_loop3A_431 = arith.constant 0 : i32
        %parallel_loop3A_432 = vector.broadcast %parallel_loop3A_431 : i32 to vector<16xi32>
        tpu.vector_store_idx %arg13[%parallel_loop3A_427, %parallel_loop3A_432, %parallel_loop3A_430, %parallel_loop3A_364], %parallel_loop3A_424 : memref<8x1x8x129xf32, #tpu.memory_space<vmem>>[vector<16xi32>, vector<16xi32>, vector<16xi32>, vector<16xi32>], vector<16xf32>,
      } {sc.loop_unroll_factor = 8 : i64, sc.parallel_access}
      %dma_start3A_246 = arith.constant 0 : i32
      %dma_start3A_247 = arith.constant 0 : i32
      %dma_start3A_248 = arith.constant 0 : i32
      %dma_start3A_249 = arith.constant 0 : i32
      %dma_start3A_250 = tpu.memref_slice %arg13[%dma_start3A_246, %dma_start3A_247, %dma_start3A_248, %dma_start3A_249] : memref<8x1x8x129xf32, #tpu.memory_space<vmem>> -> memref<8x1x8x128xf32, #tpu.memory_space<vmem>>
      %dma_start3A_251 = arith.constant 0 : i32
      %dma_start3A_252 = arith.constant 0 : i32
      %dma_start3A_253 = arith.constant 0 : i32
      %dma_start3A_254 = tpu.memref_slice %arg4[%add3A_231, %dma_start3A_251, %add3A, %dma_start3A_252, %dma_start3A_253] : memref<200x8x32x8x128xf32, #tpu.memory_space<hbm>> -> memref<1x8x1x8x128xf32, #tpu.memory_space<hbm>>
      %dma_start3A_255 = tpu.memref_squeeze %dma_start3A_254 : memref<1x8x1x8x128xf32, #tpu.memory_space<hbm>> -> memref<8x1x8x128xf32, #tpu.memory_space<hbm>>
      %dma_start3A_256 = arith.constant 0 : i32
      %dma_start3A_257 = arith.constant 0 : i32
      %dma_start3A_258 = arith.constant 0 : i32
      %dma_start3A_259 = tpu.memref_slice %arg4[%add3A_231, %dma_start3A_256, %add3A, %dma_start3A_257, %dma_start3A_258] : memref<200x8x32x8x128xf32, #tpu.memory_space<hbm>> -> memref<1x8x1x8x128xf32, #tpu.memory_space<hbm>>
      %dma_start3A_260 = tpu.memref_squeeze %dma_start3A_259 : memref<1x8x1x8x128xf32, #tpu.memory_space<hbm>> -> memref<8x1x8x128xf32, #tpu.memory_space<hbm>>
      %dma_start3A_261 = arith.constant 0 : i32
      %dma_start3A_262 = arith.constant 0 : i32
      %dma_start3A_263 = arith.constant 0 : i32
      %dma_start3A_264 = arith.constant 0 : i32
      %dma_start3A_265 = tpu.memref_slice %arg13[%dma_start3A_261, %dma_start3A_262, %dma_start3A_263, %dma_start3A_264] : memref<8x1x8x129xf32, #tpu.memory_space<vmem>> -> memref<8x1x8x128xf32, #tpu.memory_space<vmem>>
      tpu.enqueue_dma source(%dma_start3A_265 : memref<8x1x8x128xf32, #tpu.memory_space<vmem>>) target(%dma_start3A_260 : memref<8x1x8x128xf32, #tpu.memory_space<hbm>>) target_semaphore(%arg23 : memref<!tpu.dma_semaphore, #tpu.memory_space<semaphore_mem>>)
      %add3A_266 = arith.constant 4 : i32
      %add3A_267 = arith.addi %add3A_231, %add3A_266 : i32
      %lt3A_268 = arith.constant 200 : i32
      %lt3A_269 = arith.cmpi slt, %add3A_267, %lt3A_268 : i32
      %convert_element_type3A_270 = arith.extui %lt3A_269 : i1 to i32
      %cond3A_271 = arith.constant 0 : i32
      %cond3A_272 = arith.cmpi ne, %convert_element_type3A_270, %cond3A_271 : i32
      scf.if %cond3A_272 {
        %dma_start3A_363 = arith.constant 0 : i32
        %dma_start3A_364 = tpu.memref_slice %arg5[%add3A_267, %dma_start3A_363] : memref<200x128xi32, #tpu.memory_space<vmem>> -> memref<1x128xi32, #tpu.memory_space<vmem>>
        %dma_start3A_365 = tpu.memref_squeeze %dma_start3A_364 : memref<1x128xi32, #tpu.memory_space<vmem>> -> memref<128xi32, #tpu.memory_space<vmem>>
        %dma_start3A_366 = arith.constant 0 : i32
        %dma_start3A_367 = arith.constant 0 : i32
        %dma_start3A_368 = tpu.memref_slice %arg3[%dma_start3A_366, %dma_start3A_367] : memref<1000000x64xf32, #tpu.memory_space<hbm>> -> memref<1000000x64xf32, #tpu.memory_space<hbm>>
        tpu.enqueue_indirect_dma source(%dma_start3A_368 : memref<1000000x64xf32, #tpu.memory_space<hbm>>) target(%arg7 : memref<128x64xf32, #tpu.memory_space<vmem>>) offsets(%dma_start3A_365 : memref<128xi32, #tpu.memory_space<vmem>>) semaphore(%arg17 : memref<!tpu.dma_semaphore, #tpu.memory_space<semaphore_mem>>)
      } else {
      }
      %mul3A_273 = arith.constant 5 : i32
      %mul3A_274 = arith.muli %add3A_142, %mul3A_273 : i32
      %add3A_275 = arith.constant 3 : i32
      %add3A_276 = arith.addi %mul3A_274, %add3A_275 : i32
      %dma_wait3A_277 = arith.constant 0 : i32
      %dma_wait3A_278 = arith.constant 0 : i32
      %dma_wait3A_279 = tpu.memref_slice %arg3[%dma_wait3A_277, %dma_wait3A_278] : memref<1000000x64xf32, #tpu.memory_space<hbm>> -> memref<128x64xf32, #tpu.memory_space<hbm>>
      %dma_wait3A_280 = arith.constant 0 : i32
      %dma_wait3A_281 = arith.constant 0 : i32
      %dma_wait3A_282 = tpu.memref_slice %arg3[%dma_wait3A_280, %dma_wait3A_281] : memref<1000000x64xf32, #tpu.memory_space<hbm>> -> memref<128x64xf32, #tpu.memory_space<hbm>>
      tpu.wait_dma2 semaphore(%arg19 : memref<!tpu.dma_semaphore, #tpu.memory_space<semaphore_mem>>) src(%dma_wait3A_282 : memref<128x64xf32, #tpu.memory_space<hbm>>) dst(%arg9 : memref<128x64xf32, #tpu.memory_space<vmem>>)
      %ge3A_283 = arith.constant 5 : i32
      %ge3A_284 = arith.cmpi sge, %add3A_276, %ge3A_283 : i32
      %convert_element_type3A_285 = arith.extui %ge3A_284 : i1 to i32
      %cond3A_286 = arith.constant 0 : i32
      %cond3A_287 = arith.cmpi ne, %convert_element_type3A_285, %cond3A_286 : i32
      scf.if %cond3A_287 {
        %dma_wait3A_363 = arith.constant 0 : i32
        %dma_wait3A_364 = arith.constant 0 : i32
        %dma_wait3A_365 = arith.constant 0 : i32
        %dma_wait3A_366 = arith.constant 0 : i32
        %dma_wait3A_367 = arith.constant 0 : i32
        %dma_wait3A_368 = tpu.memref_slice %arg14[%dma_wait3A_364, %dma_wait3A_365, %dma_wait3A_366, %dma_wait3A_367] : memref<8x1x8x129xf32, #tpu.memory_space<vmem>> -> memref<8x1x8x128xf32, #tpu.memory_space<vmem>>
        %dma_wait3A_369 = arith.constant 0 : i32
        %dma_wait3A_370 = arith.constant 0 : i32
        %dma_wait3A_371 = arith.constant 0 : i32
        %dma_wait3A_372 = tpu.memref_slice %arg4[%dma_wait3A_363, %dma_wait3A_369, %add3A, %dma_wait3A_370, %dma_wait3A_371] : memref<200x8x32x8x128xf32, #tpu.memory_space<hbm>> -> memref<1x8x1x8x128xf32, #tpu.memory_space<hbm>>
        %dma_wait3A_373 = tpu.memref_squeeze %dma_wait3A_372 : memref<1x8x1x8x128xf32, #tpu.memory_space<hbm>> -> memref<8x1x8x128xf32, #tpu.memory_space<hbm>>
        %dma_wait3A_374 = arith.constant 0 : i32
        %dma_wait3A_375 = arith.constant 0 : i32
        %dma_wait3A_376 = arith.constant 0 : i32
        %dma_wait3A_377 = tpu.memref_slice %arg4[%dma_wait3A_363, %dma_wait3A_374, %add3A, %dma_wait3A_375, %dma_wait3A_376] : memref<200x8x32x8x128xf32, #tpu.memory_space<hbm>> -> memref<1x8x1x8x128xf32, #tpu.memory_space<hbm>>
        %dma_wait3A_378 = tpu.memref_squeeze %dma_wait3A_377 : memref<1x8x1x8x128xf32, #tpu.memory_space<hbm>> -> memref<8x1x8x128xf32, #tpu.memory_space<hbm>>
        %dma_wait3A_379 = arith.constant 0 : i32
        %dma_wait3A_380 = arith.constant 0 : i32
        %dma_wait3A_381 = arith.constant 0 : i32
        %dma_wait3A_382 = arith.constant 0 : i32
        %dma_wait3A_383 = tpu.memref_slice %arg14[%dma_wait3A_379, %dma_wait3A_380, %dma_wait3A_381, %dma_wait3A_382] : memref<8x1x8x129xf32, #tpu.memory_space<vmem>> -> memref<8x1x8x128xf32, #tpu.memory_space<vmem>>
        tpu.wait_dma2 semaphore(%arg24 : memref<!tpu.dma_semaphore, #tpu.memory_space<semaphore_mem>>) src(%dma_wait3A_383 : memref<8x1x8x128xf32, #tpu.memory_space<vmem>>) dst(%dma_wait3A_378 : memref<8x1x8x128xf32, #tpu.memory_space<hbm>>)
      } else {
      }
      %parallel_loop3A_288 = arith.constant 0 : i32
      %parallel_loop3A_289 = arith.constant 128 : i32
      %parallel_loop3A_290 = arith.constant 1 : i32
      scf.for %parallel_loop3A_363 = %parallel_loop3A_288 to %parallel_loop3A_289 step %parallel_loop3A_290  : i32 {
        %parallel_loop3A_364 = vector.broadcast %parallel_loop3A_363 : i32 to vector<16xi32>
        %parallel_loop3A_365 = arith.constant 0 : i32
        %parallel_loop3A_366 = vector.broadcast %parallel_loop3A_365 : i32 to vector<16xi32>
        %parallel_loop3A_367 = arith.addi %iota3A, %parallel_loop3A_366 : vector<16xi32>
        %parallel_loop3A_368 = arith.index_cast %parallel_loop3A_363 : i32 to index
        %parallel_loop3A_369 = arith.constant 0 : index
        %parallel_loop3A_370 = tpu.vector_load %arg9[%parallel_loop3A_368, %parallel_loop3A_369] {strides = array<i32>} : memref<128x64xf32, #tpu.memory_space<vmem>>, vector<16xf32>,
        %parallel_loop3A_371 = arith.constant 8.000000e+00 : f32
        %parallel_loop3A_372 = vector.broadcast %parallel_loop3A_371 : f32 to vector<16xf32>
        %parallel_loop3A_373 = arith.mulf %parallel_loop3A_370, %parallel_loop3A_372 : vector<16xf32>
        %parallel_loop3A_374 = arith.constant 3 : i32
        %parallel_loop3A_375 = vector.broadcast %parallel_loop3A_374 : i32 to vector<16xi32>
        %parallel_loop3A_376 = arith.shrui %parallel_loop3A_367, %parallel_loop3A_375 : vector<16xi32>
        %parallel_loop3A_377 = arith.constant 7 : i32
        %parallel_loop3A_378 = vector.broadcast %parallel_loop3A_377 : i32 to vector<16xi32>
        %parallel_loop3A_379 = arith.andi %parallel_loop3A_367, %parallel_loop3A_378 : vector<16xi32>
        %parallel_loop3A_380 = arith.constant 0 : i32
        %parallel_loop3A_381 = vector.broadcast %parallel_loop3A_380 : i32 to vector<16xi32>
        tpu.vector_store_idx %arg14[%parallel_loop3A_376, %parallel_loop3A_381, %parallel_loop3A_379, %parallel_loop3A_364], %parallel_loop3A_373 : memref<8x1x8x129xf32, #tpu.memory_space<vmem>>[vector<16xi32>, vector<16xi32>, vector<16xi32>, vector<16xi32>], vector<16xf32>,
        %parallel_loop3A_382 = arith.constant 16 : i32
        %parallel_loop3A_383 = vector.broadcast %parallel_loop3A_382 : i32 to vector<16xi32>
        %parallel_loop3A_384 = arith.addi %iota3A, %parallel_loop3A_383 : vector<16xi32>
        %parallel_loop3A_385 = arith.index_cast %parallel_loop3A_363 : i32 to index
        %parallel_loop3A_386 = arith.constant 16 : index
        %parallel_loop3A_387 = tpu.vector_load %arg9[%parallel_loop3A_385, %parallel_loop3A_386] {strides = array<i32>} : memref<128x64xf32, #tpu.memory_space<vmem>>, vector<16xf32>,
        %parallel_loop3A_388 = arith.constant 8.000000e+00 : f32
        %parallel_loop3A_389 = vector.broadcast %parallel_loop3A_388 : f32 to vector<16xf32>
        %parallel_loop3A_390 = arith.mulf %parallel_loop3A_387, %parallel_loop3A_389 : vector<16xf32>
        %parallel_loop3A_391 = arith.constant 3 : i32
        %parallel_loop3A_392 = vector.broadcast %parallel_loop3A_391 : i32 to vector<16xi32>
        %parallel_loop3A_393 = arith.shrui %parallel_loop3A_384, %parallel_loop3A_392 : vector<16xi32>
        %parallel_loop3A_394 = arith.constant 7 : i32
        %parallel_loop3A_395 = vector.broadcast %parallel_loop3A_394 : i32 to vector<16xi32>
        %parallel_loop3A_396 = arith.andi %parallel_loop3A_384, %parallel_loop3A_395 : vector<16xi32>
        %parallel_loop3A_397 = arith.constant 0 : i32
        %parallel_loop3A_398 = vector.broadcast %parallel_loop3A_397 : i32 to vector<16xi32>
        tpu.vector_store_idx %arg14[%parallel_loop3A_393, %parallel_loop3A_398, %parallel_loop3A_396, %parallel_loop3A_364], %parallel_loop3A_390 : memref<8x1x8x129xf32, #tpu.memory_space<vmem>>[vector<16xi32>, vector<16xi32>, vector<16xi32>, vector<16xi32>], vector<16xf32>,
        %parallel_loop3A_399 = arith.constant 32 : i32
        %parallel_loop3A_400 = vector.broadcast %parallel_loop3A_399 : i32 to vector<16xi32>
        %parallel_loop3A_401 = arith.addi %iota3A, %parallel_loop3A_400 : vector<16xi32>
        %parallel_loop3A_402 = arith.index_cast %parallel_loop3A_363 : i32 to index
        %parallel_loop3A_403 = arith.constant 32 : index
        %parallel_loop3A_404 = tpu.vector_load %arg9[%parallel_loop3A_402, %parallel_loop3A_403] {strides = array<i32>} : memref<128x64xf32, #tpu.memory_space<vmem>>, vector<16xf32>,
        %parallel_loop3A_405 = arith.constant 8.000000e+00 : f32
        %parallel_loop3A_406 = vector.broadcast %parallel_loop3A_405 : f32 to vector<16xf32>
        %parallel_loop3A_407 = arith.mulf %parallel_loop3A_404, %parallel_loop3A_406 : vector<16xf32>
        %parallel_loop3A_408 = arith.constant 3 : i32
        %parallel_loop3A_409 = vector.broadcast %parallel_loop3A_408 : i32 to vector<16xi32>
        %parallel_loop3A_410 = arith.shrui %parallel_loop3A_401, %parallel_loop3A_409 : vector<16xi32>
        %parallel_loop3A_411 = arith.constant 7 : i32
        %parallel_loop3A_412 = vector.broadcast %parallel_loop3A_411 : i32 to vector<16xi32>
        %parallel_loop3A_413 = arith.andi %parallel_loop3A_401, %parallel_loop3A_412 : vector<16xi32>
        %parallel_loop3A_414 = arith.constant 0 : i32
        %parallel_loop3A_415 = vector.broadcast %parallel_loop3A_414 : i32 to vector<16xi32>
        tpu.vector_store_idx %arg14[%parallel_loop3A_410, %parallel_loop3A_415, %parallel_loop3A_413, %parallel_loop3A_364], %parallel_loop3A_407 : memref<8x1x8x129xf32, #tpu.memory_space<vmem>>[vector<16xi32>, vector<16xi32>, vector<16xi32>, vector<16xi32>], vector<16xf32>,
        %parallel_loop3A_416 = arith.constant 48 : i32
        %parallel_loop3A_417 = vector.broadcast %parallel_loop3A_416 : i32 to vector<16xi32>
        %parallel_loop3A_418 = arith.addi %iota3A, %parallel_loop3A_417 : vector<16xi32>
        %parallel_loop3A_419 = arith.index_cast %parallel_loop3A_363 : i32 to index
        %parallel_loop3A_420 = arith.constant 48 : index
        %parallel_loop3A_421 = tpu.vector_load %arg9[%parallel_loop3A_419, %parallel_loop3A_420] {strides = array<i32>} : memref<128x64xf32, #tpu.memory_space<vmem>>, vector<16xf32>,
        %parallel_loop3A_422 = arith.constant 8.000000e+00 : f32
        %parallel_loop3A_423 = vector.broadcast %parallel_loop3A_422 : f32 to vector<16xf32>
        %parallel_loop3A_424 = arith.mulf %parallel_loop3A_421, %parallel_loop3A_423 : vector<16xf32>
        %parallel_loop3A_425 = arith.constant 3 : i32
        %parallel_loop3A_426 = vector.broadcast %parallel_loop3A_425 : i32 to vector<16xi32>
        %parallel_loop3A_427 = arith.shrui %parallel_loop3A_418, %parallel_loop3A_426 : vector<16xi32>
        %parallel_loop3A_428 = arith.constant 7 : i32
        %parallel_loop3A_429 = vector.broadcast %parallel_loop3A_428 : i32 to vector<16xi32>
        %parallel_loop3A_430 = arith.andi %parallel_loop3A_418, %parallel_loop3A_429 : vector<16xi32>
        %parallel_loop3A_431 = arith.constant 0 : i32
        %parallel_loop3A_432 = vector.broadcast %parallel_loop3A_431 : i32 to vector<16xi32>
        tpu.vector_store_idx %arg14[%parallel_loop3A_427, %parallel_loop3A_432, %parallel_loop3A_430, %parallel_loop3A_364], %parallel_loop3A_424 : memref<8x1x8x129xf32, #tpu.memory_space<vmem>>[vector<16xi32>, vector<16xi32>, vector<16xi32>, vector<16xi32>], vector<16xf32>,
      } {sc.loop_unroll_factor = 8 : i64, sc.parallel_access}
      %dma_start3A_291 = arith.constant 0 : i32
      %dma_start3A_292 = arith.constant 0 : i32
      %dma_start3A_293 = arith.constant 0 : i32
      %dma_start3A_294 = arith.constant 0 : i32
      %dma_start3A_295 = tpu.memref_slice %arg14[%dma_start3A_291, %dma_start3A_292, %dma_start3A_293, %dma_start3A_294] : memref<8x1x8x129xf32, #tpu.memory_space<vmem>> -> memref<8x1x8x128xf32, #tpu.memory_space<vmem>>
      %dma_start3A_296 = arith.constant 0 : i32
      %dma_start3A_297 = arith.constant 0 : i32
      %dma_start3A_298 = arith.constant 0 : i32
      %dma_start3A_299 = tpu.memref_slice %arg4[%add3A_276, %dma_start3A_296, %add3A, %dma_start3A_297, %dma_start3A_298] : memref<200x8x32x8x128xf32, #tpu.memory_space<hbm>> -> memref<1x8x1x8x128xf32, #tpu.memory_space<hbm>>
      %dma_start3A_300 = tpu.memref_squeeze %dma_start3A_299 : memref<1x8x1x8x128xf32, #tpu.memory_space<hbm>> -> memref<8x1x8x128xf32, #tpu.memory_space<hbm>>
      %dma_start3A_301 = arith.constant 0 : i32
      %dma_start3A_302 = arith.constant 0 : i32
      %dma_start3A_303 = arith.constant 0 : i32
      %dma_start3A_304 = tpu.memref_slice %arg4[%add3A_276, %dma_start3A_301, %add3A, %dma_start3A_302, %dma_start3A_303] : memref<200x8x32x8x128xf32, #tpu.memory_space<hbm>> -> memref<1x8x1x8x128xf32, #tpu.memory_space<hbm>>
      %dma_start3A_305 = tpu.memref_squeeze %dma_start3A_304 : memref<1x8x1x8x128xf32, #tpu.memory_space<hbm>> -> memref<8x1x8x128xf32, #tpu.memory_space<hbm>>
      %dma_start3A_306 = arith.constant 0 : i32
      %dma_start3A_307 = arith.constant 0 : i32
      %dma_start3A_308 = arith.constant 0 : i32
      %dma_start3A_309 = arith.constant 0 : i32
      %dma_start3A_310 = tpu.memref_slice %arg14[%dma_start3A_306, %dma_start3A_307, %dma_start3A_308, %dma_start3A_309] : memref<8x1x8x129xf32, #tpu.memory_space<vmem>> -> memref<8x1x8x128xf32, #tpu.memory_space<vmem>>
      tpu.enqueue_dma source(%dma_start3A_310 : memref<8x1x8x128xf32, #tpu.memory_space<vmem>>) target(%dma_start3A_305 : memref<8x1x8x128xf32, #tpu.memory_space<hbm>>) target_semaphore(%arg24 : memref<!tpu.dma_semaphore, #tpu.memory_space<semaphore_mem>>)
      %add3A_311 = arith.constant 4 : i32
      %add3A_312 = arith.addi %add3A_276, %add3A_311 : i32
      %lt3A_313 = arith.constant 200 : i32
      %lt3A_314 = arith.cmpi slt, %add3A_312, %lt3A_313 : i32
      %convert_element_type3A_315 = arith.extui %lt3A_314 : i1 to i32
      %cond3A_316 = arith.constant 0 : i32
      %cond3A_317 = arith.cmpi ne, %convert_element_type3A_315, %cond3A_316 : i32
      scf.if %cond3A_317 {
        %dma_start3A_363 = arith.constant 0 : i32
        %dma_start3A_364 = tpu.memref_slice %arg5[%add3A_312, %dma_start3A_363] : memref<200x128xi32, #tpu.memory_space<vmem>> -> memref<1x128xi32, #tpu.memory_space<vmem>>
        %dma_start3A_365 = tpu.memref_squeeze %dma_start3A_364 : memref<1x128xi32, #tpu.memory_space<vmem>> -> memref<128xi32, #tpu.memory_space<vmem>>
        %dma_start3A_366 = arith.constant 0 : i32
        %dma_start3A_367 = arith.constant 0 : i32
        %dma_start3A_368 = tpu.memref_slice %arg3[%dma_start3A_366, %dma_start3A_367] : memref<1000000x64xf32, #tpu.memory_space<hbm>> -> memref<1000000x64xf32, #tpu.memory_space<hbm>>
        tpu.enqueue_indirect_dma source(%dma_start3A_368 : memref<1000000x64xf32, #tpu.memory_space<hbm>>) target(%arg8 : memref<128x64xf32, #tpu.memory_space<vmem>>) offsets(%dma_start3A_365 : memref<128xi32, #tpu.memory_space<vmem>>) semaphore(%arg18 : memref<!tpu.dma_semaphore, #tpu.memory_space<semaphore_mem>>)
      } else {
      }
      %mul3A_318 = arith.constant 5 : i32
      %mul3A_319 = arith.muli %add3A_142, %mul3A_318 : i32
      %add3A_320 = arith.constant 4 : i32
      %add3A_321 = arith.addi %mul3A_319, %add3A_320 : i32
      %dma_wait3A_322 = arith.constant 0 : i32
      %dma_wait3A_323 = arith.constant 0 : i32
      %dma_wait3A_324 = tpu.memref_slice %arg3[%dma_wait3A_322, %dma_wait3A_323] : memref<1000000x64xf32, #tpu.memory_space<hbm>> -> memref<128x64xf32, #tpu.memory_space<hbm>>
      %dma_wait3A_325 = arith.constant 0 : i32
      %dma_wait3A_326 = arith.constant 0 : i32
      %dma_wait3A_327 = tpu.memref_slice %arg3[%dma_wait3A_325, %dma_wait3A_326] : memref<1000000x64xf32, #tpu.memory_space<hbm>> -> memref<128x64xf32, #tpu.memory_space<hbm>>
      tpu.wait_dma2 semaphore(%arg20 : memref<!tpu.dma_semaphore, #tpu.memory_space<semaphore_mem>>) src(%dma_wait3A_327 : memref<128x64xf32, #tpu.memory_space<hbm>>) dst(%arg10 : memref<128x64xf32, #tpu.memory_space<vmem>>)
      %ge3A_328 = arith.constant 5 : i32
      %ge3A_329 = arith.cmpi sge, %add3A_321, %ge3A_328 : i32
      %convert_element_type3A_330 = arith.extui %ge3A_329 : i1 to i32
      %cond3A_331 = arith.constant 0 : i32
      %cond3A_332 = arith.cmpi ne, %convert_element_type3A_330, %cond3A_331 : i32
      scf.if %cond3A_332 {
        %dma_wait3A_363 = arith.constant 0 : i32
        %dma_wait3A_364 = arith.constant 0 : i32
        %dma_wait3A_365 = arith.constant 0 : i32
        %dma_wait3A_366 = arith.constant 0 : i32
        %dma_wait3A_367 = arith.constant 0 : i32
        %dma_wait3A_368 = tpu.memref_slice %arg15[%dma_wait3A_364, %dma_wait3A_365, %dma_wait3A_366, %dma_wait3A_367] : memref<8x1x8x129xf32, #tpu.memory_space<vmem>> -> memref<8x1x8x128xf32, #tpu.memory_space<vmem>>
        %dma_wait3A_369 = arith.constant 0 : i32
        %dma_wait3A_370 = arith.constant 0 : i32
        %dma_wait3A_371 = arith.constant 0 : i32
        %dma_wait3A_372 = tpu.memref_slice %arg4[%dma_wait3A_363, %dma_wait3A_369, %add3A, %dma_wait3A_370, %dma_wait3A_371] : memref<200x8x32x8x128xf32, #tpu.memory_space<hbm>> -> memref<1x8x1x8x128xf32, #tpu.memory_space<hbm>>
        %dma_wait3A_373 = tpu.memref_squeeze %dma_wait3A_372 : memref<1x8x1x8x128xf32, #tpu.memory_space<hbm>> -> memref<8x1x8x128xf32, #tpu.memory_space<hbm>>
        %dma_wait3A_374 = arith.constant 0 : i32
        %dma_wait3A_375 = arith.constant 0 : i32
        %dma_wait3A_376 = arith.constant 0 : i32
        %dma_wait3A_377 = tpu.memref_slice %arg4[%dma_wait3A_363, %dma_wait3A_374, %add3A, %dma_wait3A_375, %dma_wait3A_376] : memref<200x8x32x8x128xf32, #tpu.memory_space<hbm>> -> memref<1x8x1x8x128xf32, #tpu.memory_space<hbm>>
        %dma_wait3A_378 = tpu.memref_squeeze %dma_wait3A_377 : memref<1x8x1x8x128xf32, #tpu.memory_space<hbm>> -> memref<8x1x8x128xf32, #tpu.memory_space<hbm>>
        %dma_wait3A_379 = arith.constant 0 : i32
        %dma_wait3A_380 = arith.constant 0 : i32
        %dma_wait3A_381 = arith.constant 0 : i32
        %dma_wait3A_382 = arith.constant 0 : i32
        %dma_wait3A_383 = tpu.memref_slice %arg15[%dma_wait3A_379, %dma_wait3A_380, %dma_wait3A_381, %dma_wait3A_382] : memref<8x1x8x129xf32, #tpu.memory_space<vmem>> -> memref<8x1x8x128xf32, #tpu.memory_space<vmem>>
        tpu.wait_dma2 semaphore(%arg25 : memref<!tpu.dma_semaphore, #tpu.memory_space<semaphore_mem>>) src(%dma_wait3A_383 : memref<8x1x8x128xf32, #tpu.memory_space<vmem>>) dst(%dma_wait3A_378 : memref<8x1x8x128xf32, #tpu.memory_space<hbm>>)
      } else {
      }
      %parallel_loop3A_333 = arith.constant 0 : i32
      %parallel_loop3A_334 = arith.constant 128 : i32
      %parallel_loop3A_335 = arith.constant 1 : i32
      scf.for %parallel_loop3A_363 = %parallel_loop3A_333 to %parallel_loop3A_334 step %parallel_loop3A_335  : i32 {
        %parallel_loop3A_364 = vector.broadcast %parallel_loop3A_363 : i32 to vector<16xi32>
        %parallel_loop3A_365 = arith.constant 0 : i32
        %parallel_loop3A_366 = vector.broadcast %parallel_loop3A_365 : i32 to vector<16xi32>
        %parallel_loop3A_367 = arith.addi %iota3A, %parallel_loop3A_366 : vector<16xi32>
        %parallel_loop3A_368 = arith.index_cast %parallel_loop3A_363 : i32 to index
        %parallel_loop3A_369 = arith.constant 0 : index
        %parallel_loop3A_370 = tpu.vector_load %arg10[%parallel_loop3A_368, %parallel_loop3A_369] {strides = array<i32>} : memref<128x64xf32, #tpu.memory_space<vmem>>, vector<16xf32>,
        %parallel_loop3A_371 = arith.constant 8.000000e+00 : f32
        %parallel_loop3A_372 = vector.broadcast %parallel_loop3A_371 : f32 to vector<16xf32>
        %parallel_loop3A_373 = arith.mulf %parallel_loop3A_370, %parallel_loop3A_372 : vector<16xf32>
        %parallel_loop3A_374 = arith.constant 3 : i32
        %parallel_loop3A_375 = vector.broadcast %parallel_loop3A_374 : i32 to vector<16xi32>
        %parallel_loop3A_376 = arith.shrui %parallel_loop3A_367, %parallel_loop3A_375 : vector<16xi32>
        %parallel_loop3A_377 = arith.constant 7 : i32
        %parallel_loop3A_378 = vector.broadcast %parallel_loop3A_377 : i32 to vector<16xi32>
        %parallel_loop3A_379 = arith.andi %parallel_loop3A_367, %parallel_loop3A_378 : vector<16xi32>
        %parallel_loop3A_380 = arith.constant 0 : i32
        %parallel_loop3A_381 = vector.broadcast %parallel_loop3A_380 : i32 to vector<16xi32>
        tpu.vector_store_idx %arg15[%parallel_loop3A_376, %parallel_loop3A_381, %parallel_loop3A_379, %parallel_loop3A_364], %parallel_loop3A_373 : memref<8x1x8x129xf32, #tpu.memory_space<vmem>>[vector<16xi32>, vector<16xi32>, vector<16xi32>, vector<16xi32>], vector<16xf32>,
        %parallel_loop3A_382 = arith.constant 16 : i32
        %parallel_loop3A_383 = vector.broadcast %parallel_loop3A_382 : i32 to vector<16xi32>
        %parallel_loop3A_384 = arith.addi %iota3A, %parallel_loop3A_383 : vector<16xi32>
        %parallel_loop3A_385 = arith.index_cast %parallel_loop3A_363 : i32 to index
        %parallel_loop3A_386 = arith.constant 16 : index
        %parallel_loop3A_387 = tpu.vector_load %arg10[%parallel_loop3A_385, %parallel_loop3A_386] {strides = array<i32>} : memref<128x64xf32, #tpu.memory_space<vmem>>, vector<16xf32>,
        %parallel_loop3A_388 = arith.constant 8.000000e+00 : f32
        %parallel_loop3A_389 = vector.broadcast %parallel_loop3A_388 : f32 to vector<16xf32>
        %parallel_loop3A_390 = arith.mulf %parallel_loop3A_387, %parallel_loop3A_389 : vector<16xf32>
        %parallel_loop3A_391 = arith.constant 3 : i32
        %parallel_loop3A_392 = vector.broadcast %parallel_loop3A_391 : i32 to vector<16xi32>
        %parallel_loop3A_393 = arith.shrui %parallel_loop3A_384, %parallel_loop3A_392 : vector<16xi32>
        %parallel_loop3A_394 = arith.constant 7 : i32
        %parallel_loop3A_395 = vector.broadcast %parallel_loop3A_394 : i32 to vector<16xi32>
        %parallel_loop3A_396 = arith.andi %parallel_loop3A_384, %parallel_loop3A_395 : vector<16xi32>
        %parallel_loop3A_397 = arith.constant 0 : i32
        %parallel_loop3A_398 = vector.broadcast %parallel_loop3A_397 : i32 to vector<16xi32>
        tpu.vector_store_idx %arg15[%parallel_loop3A_393, %parallel_loop3A_398, %parallel_loop3A_396, %parallel_loop3A_364], %parallel_loop3A_390 : memref<8x1x8x129xf32, #tpu.memory_space<vmem>>[vector<16xi32>, vector<16xi32>, vector<16xi32>, vector<16xi32>], vector<16xf32>,
        %parallel_loop3A_399 = arith.constant 32 : i32
        %parallel_loop3A_400 = vector.broadcast %parallel_loop3A_399 : i32 to vector<16xi32>
        %parallel_loop3A_401 = arith.addi %iota3A, %parallel_loop3A_400 : vector<16xi32>
        %parallel_loop3A_402 = arith.index_cast %parallel_loop3A_363 : i32 to index
        %parallel_loop3A_403 = arith.constant 32 : index
        %parallel_loop3A_404 = tpu.vector_load %arg10[%parallel_loop3A_402, %parallel_loop3A_403] {strides = array<i32>} : memref<128x64xf32, #tpu.memory_space<vmem>>, vector<16xf32>,
        %parallel_loop3A_405 = arith.constant 8.000000e+00 : f32
        %parallel_loop3A_406 = vector.broadcast %parallel_loop3A_405 : f32 to vector<16xf32>
        %parallel_loop3A_407 = arith.mulf %parallel_loop3A_404, %parallel_loop3A_406 : vector<16xf32>
        %parallel_loop3A_408 = arith.constant 3 : i32
        %parallel_loop3A_409 = vector.broadcast %parallel_loop3A_408 : i32 to vector<16xi32>
        %parallel_loop3A_410 = arith.shrui %parallel_loop3A_401, %parallel_loop3A_409 : vector<16xi32>
        %parallel_loop3A_411 = arith.constant 7 : i32
        %parallel_loop3A_412 = vector.broadcast %parallel_loop3A_411 : i32 to vector<16xi32>
        %parallel_loop3A_413 = arith.andi %parallel_loop3A_401, %parallel_loop3A_412 : vector<16xi32>
        %parallel_loop3A_414 = arith.constant 0 : i32
        %parallel_loop3A_415 = vector.broadcast %parallel_loop3A_414 : i32 to vector<16xi32>
        tpu.vector_store_idx %arg15[%parallel_loop3A_410, %parallel_loop3A_415, %parallel_loop3A_413, %parallel_loop3A_364], %parallel_loop3A_407 : memref<8x1x8x129xf32, #tpu.memory_space<vmem>>[vector<16xi32>, vector<16xi32>, vector<16xi32>, vector<16xi32>], vector<16xf32>,
        %parallel_loop3A_416 = arith.constant 48 : i32
        %parallel_loop3A_417 = vector.broadcast %parallel_loop3A_416 : i32 to vector<16xi32>
        %parallel_loop3A_418 = arith.addi %iota3A, %parallel_loop3A_417 : vector<16xi32>
        %parallel_loop3A_419 = arith.index_cast %parallel_loop3A_363 : i32 to index
        %parallel_loop3A_420 = arith.constant 48 : index
        %parallel_loop3A_421 = tpu.vector_load %arg10[%parallel_loop3A_419, %parallel_loop3A_420] {strides = array<i32>} : memref<128x64xf32, #tpu.memory_space<vmem>>, vector<16xf32>,
        %parallel_loop3A_422 = arith.constant 8.000000e+00 : f32
        %parallel_loop3A_423 = vector.broadcast %parallel_loop3A_422 : f32 to vector<16xf32>
        %parallel_loop3A_424 = arith.mulf %parallel_loop3A_421, %parallel_loop3A_423 : vector<16xf32>
        %parallel_loop3A_425 = arith.constant 3 : i32
        %parallel_loop3A_426 = vector.broadcast %parallel_loop3A_425 : i32 to vector<16xi32>
        %parallel_loop3A_427 = arith.shrui %parallel_loop3A_418, %parallel_loop3A_426 : vector<16xi32>
        %parallel_loop3A_428 = arith.constant 7 : i32
        %parallel_loop3A_429 = vector.broadcast %parallel_loop3A_428 : i32 to vector<16xi32>
        %parallel_loop3A_430 = arith.andi %parallel_loop3A_418, %parallel_loop3A_429 : vector<16xi32>
        %parallel_loop3A_431 = arith.constant 0 : i32
        %parallel_loop3A_432 = vector.broadcast %parallel_loop3A_431 : i32 to vector<16xi32>
        tpu.vector_store_idx %arg15[%parallel_loop3A_427, %parallel_loop3A_432, %parallel_loop3A_430, %parallel_loop3A_364], %parallel_loop3A_424 : memref<8x1x8x129xf32, #tpu.memory_space<vmem>>[vector<16xi32>, vector<16xi32>, vector<16xi32>, vector<16xi32>], vector<16xf32>,
      } {sc.loop_unroll_factor = 8 : i64, sc.parallel_access}
      %dma_start3A_336 = arith.constant 0 : i32
      %dma_start3A_337 = arith.constant 0 : i32
      %dma_start3A_338 = arith.constant 0 : i32
      %dma_start3A_339 = arith.constant 0 : i32
      %dma_start3A_340 = tpu.memref_slice %arg15[%dma_start3A_336, %dma_start3A_337, %dma_start3A_338, %dma_start3A_339] : memref<8x1x8x129xf32, #tpu.memory_space<vmem>> -> memref<8x1x8x128xf32, #tpu.memory_space<vmem>>
      %dma_start3A_341 = arith.constant 0 : i32
      %dma_start3A_342 = arith.constant 0 : i32
      %dma_start3A_343 = arith.constant 0 : i32
      %dma_start3A_344 = tpu.memref_slice %arg4[%add3A_321, %dma_start3A_341, %add3A, %dma_start3A_342, %dma_start3A_343] : memref<200x8x32x8x128xf32, #tpu.memory_space<hbm>> -> memref<1x8x1x8x128xf32, #tpu.memory_space<hbm>>
      %dma_start3A_345 = tpu.memref_squeeze %dma_start3A_344 : memref<1x8x1x8x128xf32, #tpu.memory_space<hbm>> -> memref<8x1x8x128xf32, #tpu.memory_space<hbm>>
      %dma_start3A_346 = arith.constant 0 : i32
      %dma_start3A_347 = arith.constant 0 : i32
      %dma_start3A_348 = arith.constant 0 : i32
      %dma_start3A_349 = tpu.memref_slice %arg4[%add3A_321, %dma_start3A_346, %add3A, %dma_start3A_347, %dma_start3A_348] : memref<200x8x32x8x128xf32, #tpu.memory_space<hbm>> -> memref<1x8x1x8x128xf32, #tpu.memory_space<hbm>>
      %dma_start3A_350 = tpu.memref_squeeze %dma_start3A_349 : memref<1x8x1x8x128xf32, #tpu.memory_space<hbm>> -> memref<8x1x8x128xf32, #tpu.memory_space<hbm>>
      %dma_start3A_351 = arith.constant 0 : i32
      %dma_start3A_352 = arith.constant 0 : i32
      %dma_start3A_353 = arith.constant 0 : i32
      %dma_start3A_354 = arith.constant 0 : i32
      %dma_start3A_355 = tpu.memref_slice %arg15[%dma_start3A_351, %dma_start3A_352, %dma_start3A_353, %dma_start3A_354] : memref<8x1x8x129xf32, #tpu.memory_space<vmem>> -> memref<8x1x8x128xf32, #tpu.memory_space<vmem>>
      tpu.enqueue_dma source(%dma_start3A_355 : memref<8x1x8x128xf32, #tpu.memory_space<vmem>>) target(%dma_start3A_350 : memref<8x1x8x128xf32, #tpu.memory_space<hbm>>) target_semaphore(%arg25 : memref<!tpu.dma_semaphore, #tpu.memory_space<semaphore_mem>>)
      %add3A_356 = arith.constant 4 : i32
      %add3A_357 = arith.addi %add3A_321, %add3A_356 : i32
      %lt3A_358 = arith.constant 200 : i32
      %lt3A_359 = arith.cmpi slt, %add3A_357, %lt3A_358 : i32
      %convert_element_type3A_360 = arith.extui %lt3A_359 : i1 to i32
      %cond3A_361 = arith.constant 0 : i32
      %cond3A_362 = arith.cmpi ne, %convert_element_type3A_360, %cond3A_361 : i32
      scf.if %cond3A_362 {
        %dma_start3A_363 = arith.constant 0 : i32
        %dma_start3A_364 = tpu.memref_slice %arg5[%add3A_357, %dma_start3A_363] : memref<200x128xi32, #tpu.memory_space<vmem>> -> memref<1x128xi32, #tpu.memory_space<vmem>>
        %dma_start3A_365 = tpu.memref_squeeze %dma_start3A_364 : memref<1x128xi32, #tpu.memory_space<vmem>> -> memref<128xi32, #tpu.memory_space<vmem>>
        %dma_start3A_366 = arith.constant 0 : i32
        %dma_start3A_367 = arith.constant 0 : i32
        %dma_start3A_368 = tpu.memref_slice %arg3[%dma_start3A_366, %dma_start3A_367] : memref<1000000x64xf32, #tpu.memory_space<hbm>> -> memref<1000000x64xf32, #tpu.memory_space<hbm>>
        tpu.enqueue_indirect_dma source(%dma_start3A_368 : memref<1000000x64xf32, #tpu.memory_space<hbm>>) target(%arg9 : memref<128x64xf32, #tpu.memory_space<vmem>>) offsets(%dma_start3A_365 : memref<128xi32, #tpu.memory_space<vmem>>) semaphore(%arg19 : memref<!tpu.dma_semaphore, #tpu.memory_space<semaphore_mem>>)
      } else {
      }
    }
    %scan3A_33 = arith.constant 40 : i32
    %dma_wait3A = arith.constant 0 : i32
    %dma_wait3A_34 = arith.constant 0 : i32
    %dma_wait3A_35 = arith.constant 0 : i32
    %dma_wait3A_36 = arith.constant 0 : i32
    %dma_wait3A_37 = arith.constant 0 : i32
    %dma_wait3A_38 = tpu.memref_slice %arg11[%dma_wait3A_34, %dma_wait3A_35, %dma_wait3A_36, %dma_wait3A_37] : memref<8x1x8x129xf32, #tpu.memory_space<vmem>> -> memref<8x1x8x128xf32, #tpu.memory_space<vmem>>
    %dma_wait3A_39 = arith.constant 0 : i32
    %dma_wait3A_40 = arith.constant 0 : i32
    %dma_wait3A_41 = arith.constant 0 : i32
    %dma_wait3A_42 = tpu.memref_slice %arg4[%dma_wait3A, %dma_wait3A_39, %add3A, %dma_wait3A_40, %dma_wait3A_41] : memref<200x8x32x8x128xf32, #tpu.memory_space<hbm>> -> memref<1x8x1x8x128xf32, #tpu.memory_space<hbm>>
    %dma_wait3A_43 = tpu.memref_squeeze %dma_wait3A_42 : memref<1x8x1x8x128xf32, #tpu.memory_space<hbm>> -> memref<8x1x8x128xf32, #tpu.memory_space<hbm>>
    %dma_wait3A_44 = arith.constant 0 : i32
    %dma_wait3A_45 = arith.constant 0 : i32
    %dma_wait3A_46 = arith.constant 0 : i32
    %dma_wait3A_47 = tpu.memref_slice %arg4[%dma_wait3A, %dma_wait3A_44, %add3A, %dma_wait3A_45, %dma_wait3A_46] : memref<200x8x32x8x128xf32, #tpu.memory_space<hbm>> -> memref<1x8x1x8x128xf32, #tpu.memory_space<hbm>>
    %dma_wait3A_48 = tpu.memref_squeeze %dma_wait3A_47 : memref<1x8x1x8x128xf32, #tpu.memory_space<hbm>> -> memref<8x1x8x128xf32, #tpu.memory_space<hbm>>
    %dma_wait3A_49 = arith.constant 0 : i32
    %dma_wait3A_50 = arith.constant 0 : i32
    %dma_wait3A_51 = arith.constant 0 : i32
    %dma_wait3A_52 = arith.constant 0 : i32
    %dma_wait3A_53 = tpu.memref_slice %arg11[%dma_wait3A_49, %dma_wait3A_50, %dma_wait3A_51, %dma_wait3A_52] : memref<8x1x8x129xf32, #tpu.memory_space<vmem>> -> memref<8x1x8x128xf32, #tpu.memory_space<vmem>>
    tpu.wait_dma2 semaphore(%arg21 : memref<!tpu.dma_semaphore, #tpu.memory_space<semaphore_mem>>) src(%dma_wait3A_53 : memref<8x1x8x128xf32, #tpu.memory_space<vmem>>) dst(%dma_wait3A_48 : memref<8x1x8x128xf32, #tpu.memory_space<hbm>>)
    %dma_wait3A_54 = arith.constant 0 : i32
    %dma_wait3A_55 = arith.constant 0 : i32
    %dma_wait3A_56 = arith.constant 0 : i32
    %dma_wait3A_57 = arith.constant 0 : i32
    %dma_wait3A_58 = arith.constant 0 : i32
    %dma_wait3A_59 = tpu.memref_slice %arg12[%dma_wait3A_55, %dma_wait3A_56, %dma_wait3A_57, %dma_wait3A_58] : memref<8x1x8x129xf32, #tpu.memory_space<vmem>> -> memref<8x1x8x128xf32, #tpu.memory_space<vmem>>
    %dma_wait3A_60 = arith.constant 0 : i32
    %dma_wait3A_61 = arith.constant 0 : i32
    %dma_wait3A_62 = arith.constant 0 : i32
    %dma_wait3A_63 = tpu.memref_slice %arg4[%dma_wait3A_54, %dma_wait3A_60, %add3A, %dma_wait3A_61, %dma_wait3A_62] : memref<200x8x32x8x128xf32, #tpu.memory_space<hbm>> -> memref<1x8x1x8x128xf32, #tpu.memory_space<hbm>>
    %dma_wait3A_64 = tpu.memref_squeeze %dma_wait3A_63 : memref<1x8x1x8x128xf32, #tpu.memory_space<hbm>> -> memref<8x1x8x128xf32, #tpu.memory_space<hbm>>
    %dma_wait3A_65 = arith.constant 0 : i32
    %dma_wait3A_66 = arith.constant 0 : i32
    %dma_wait3A_67 = arith.constant 0 : i32
    %dma_wait3A_68 = tpu.memref_slice %arg4[%dma_wait3A_54, %dma_wait3A_65, %add3A, %dma_wait3A_66, %dma_wait3A_67] : memref<200x8x32x8x128xf32, #tpu.memory_space<hbm>> -> memref<1x8x1x8x128xf32, #tpu.memory_space<hbm>>
    %dma_wait3A_69 = tpu.memref_squeeze %dma_wait3A_68 : memref<1x8x1x8x128xf32, #tpu.memory_space<hbm>> -> memref<8x1x8x128xf32, #tpu.memory_space<hbm>>
    %dma_wait3A_70 = arith.constant 0 : i32
    %dma_wait3A_71 = arith.constant 0 : i32
    %dma_wait3A_72 = arith.constant 0 : i32
    %dma_wait3A_73 = arith.constant 0 : i32
    %dma_wait3A_74 = tpu.memref_slice %arg12[%dma_wait3A_70, %dma_wait3A_71, %dma_wait3A_72, %dma_wait3A_73] : memref<8x1x8x129xf32, #tpu.memory_space<vmem>> -> memref<8x1x8x128xf32, #tpu.memory_space<vmem>>
    tpu.wait_dma2 semaphore(%arg22 : memref<!tpu.dma_semaphore, #tpu.memory_space<semaphore_mem>>) src(%dma_wait3A_74 : memref<8x1x8x128xf32, #tpu.memory_space<vmem>>) dst(%dma_wait3A_69 : memref<8x1x8x128xf32, #tpu.memory_space<hbm>>)
    %dma_wait3A_75 = arith.constant 0 : i32
    %dma_wait3A_76 = arith.constant 0 : i32
    %dma_wait3A_77 = arith.constant 0 : i32
    %dma_wait3A_78 = arith.constant 0 : i32
    %dma_wait3A_79 = arith.constant 0 : i32
    %dma_wait3A_80 = tpu.memref_slice %arg13[%dma_wait3A_76, %dma_wait3A_77, %dma_wait3A_78, %dma_wait3A_79] : memref<8x1x8x129xf32, #tpu.memory_space<vmem>> -> memref<8x1x8x128xf32, #tpu.memory_space<vmem>>
    %dma_wait3A_81 = arith.constant 0 : i32
    %dma_wait3A_82 = arith.constant 0 : i32
    %dma_wait3A_83 = arith.constant 0 : i32
    %dma_wait3A_84 = tpu.memref_slice %arg4[%dma_wait3A_75, %dma_wait3A_81, %add3A, %dma_wait3A_82, %dma_wait3A_83] : memref<200x8x32x8x128xf32, #tpu.memory_space<hbm>> -> memref<1x8x1x8x128xf32, #tpu.memory_space<hbm>>
    %dma_wait3A_85 = tpu.memref_squeeze %dma_wait3A_84 : memref<1x8x1x8x128xf32, #tpu.memory_space<hbm>> -> memref<8x1x8x128xf32, #tpu.memory_space<hbm>>
    %dma_wait3A_86 = arith.constant 0 : i32
    %dma_wait3A_87 = arith.constant 0 : i32
    %dma_wait3A_88 = arith.constant 0 : i32
    %dma_wait3A_89 = tpu.memref_slice %arg4[%dma_wait3A_75, %dma_wait3A_86, %add3A, %dma_wait3A_87, %dma_wait3A_88] : memref<200x8x32x8x128xf32, #tpu.memory_space<hbm>> -> memref<1x8x1x8x128xf32, #tpu.memory_space<hbm>>
    %dma_wait3A_90 = tpu.memref_squeeze %dma_wait3A_89 : memref<1x8x1x8x128xf32, #tpu.memory_space<hbm>> -> memref<8x1x8x128xf32, #tpu.memory_space<hbm>>
    %dma_wait3A_91 = arith.constant 0 : i32
    %dma_wait3A_92 = arith.constant 0 : i32
    %dma_wait3A_93 = arith.constant 0 : i32
    %dma_wait3A_94 = arith.constant 0 : i32
    %dma_wait3A_95 = tpu.memref_slice %arg13[%dma_wait3A_91, %dma_wait3A_92, %dma_wait3A_93, %dma_wait3A_94] : memref<8x1x8x129xf32, #tpu.memory_space<vmem>> -> memref<8x1x8x128xf32, #tpu.memory_space<vmem>>
    tpu.wait_dma2 semaphore(%arg23 : memref<!tpu.dma_semaphore, #tpu.memory_space<semaphore_mem>>) src(%dma_wait3A_95 : memref<8x1x8x128xf32, #tpu.memory_space<vmem>>) dst(%dma_wait3A_90 : memref<8x1x8x128xf32, #tpu.memory_space<hbm>>)
    %dma_wait3A_96 = arith.constant 0 : i32
    %dma_wait3A_97 = arith.constant 0 : i32
    %dma_wait3A_98 = arith.constant 0 : i32
    %dma_wait3A_99 = arith.constant 0 : i32
    %dma_wait3A_100 = arith.constant 0 : i32
    %dma_wait3A_101 = tpu.memref_slice %arg14[%dma_wait3A_97, %dma_wait3A_98, %dma_wait3A_99, %dma_wait3A_100] : memref<8x1x8x129xf32, #tpu.memory_space<vmem>> -> memref<8x1x8x128xf32, #tpu.memory_space<vmem>>
    %dma_wait3A_102 = arith.constant 0 : i32
    %dma_wait3A_103 = arith.constant 0 : i32
    %dma_wait3A_104 = arith.constant 0 : i32
    %dma_wait3A_105 = tpu.memref_slice %arg4[%dma_wait3A_96, %dma_wait3A_102, %add3A, %dma_wait3A_103, %dma_wait3A_104] : memref<200x8x32x8x128xf32, #tpu.memory_space<hbm>> -> memref<1x8x1x8x128xf32, #tpu.memory_space<hbm>>
    %dma_wait3A_106 = tpu.memref_squeeze %dma_wait3A_105 : memref<1x8x1x8x128xf32, #tpu.memory_space<hbm>> -> memref<8x1x8x128xf32, #tpu.memory_space<hbm>>
    %dma_wait3A_107 = arith.constant 0 : i32
    %dma_wait3A_108 = arith.constant 0 : i32
    %dma_wait3A_109 = arith.constant 0 : i32
    %dma_wait3A_110 = tpu.memref_slice %arg4[%dma_wait3A_96, %dma_wait3A_107, %add3A, %dma_wait3A_108, %dma_wait3A_109] : memref<200x8x32x8x128xf32, #tpu.memory_space<hbm>> -> memref<1x8x1x8x128xf32, #tpu.memory_space<hbm>>
    %dma_wait3A_111 = tpu.memref_squeeze %dma_wait3A_110 : memref<1x8x1x8x128xf32, #tpu.memory_space<hbm>> -> memref<8x1x8x128xf32, #tpu.memory_space<hbm>>
    %dma_wait3A_112 = arith.constant 0 : i32
    %dma_wait3A_113 = arith.constant 0 : i32
    %dma_wait3A_114 = arith.constant 0 : i32
    %dma_wait3A_115 = arith.constant 0 : i32
    %dma_wait3A_116 = tpu.memref_slice %arg14[%dma_wait3A_112, %dma_wait3A_113, %dma_wait3A_114, %dma_wait3A_115] : memref<8x1x8x129xf32, #tpu.memory_space<vmem>> -> memref<8x1x8x128xf32, #tpu.memory_space<vmem>>
    tpu.wait_dma2 semaphore(%arg24 : memref<!tpu.dma_semaphore, #tpu.memory_space<semaphore_mem>>) src(%dma_wait3A_116 : memref<8x1x8x128xf32, #tpu.memory_space<vmem>>) dst(%dma_wait3A_111 : memref<8x1x8x128xf32, #tpu.memory_space<hbm>>)
    %dma_wait3A_117 = arith.constant 0 : i32
    %dma_wait3A_118 = arith.constant 0 : i32
    %dma_wait3A_119 = arith.constant 0 : i32
    %dma_wait3A_120 = arith.constant 0 : i32
    %dma_wait3A_121 = arith.constant 0 : i32
    %dma_wait3A_122 = tpu.memref_slice %arg15[%dma_wait3A_118, %dma_wait3A_119, %dma_wait3A_120, %dma_wait3A_121] : memref<8x1x8x129xf32, #tpu.memory_space<vmem>> -> memref<8x1x8x128xf32, #tpu.memory_space<vmem>>
    %dma_wait3A_123 = arith.constant 0 : i32
    %dma_wait3A_124 = arith.constant 0 : i32
    %dma_wait3A_125 = arith.constant 0 : i32
    %dma_wait3A_126 = tpu.memref_slice %arg4[%dma_wait3A_117, %dma_wait3A_123, %add3A, %dma_wait3A_124, %dma_wait3A_125] : memref<200x8x32x8x128xf32, #tpu.memory_space<hbm>> -> memref<1x8x1x8x128xf32, #tpu.memory_space<hbm>>
    %dma_wait3A_127 = tpu.memref_squeeze %dma_wait3A_126 : memref<1x8x1x8x128xf32, #tpu.memory_space<hbm>> -> memref<8x1x8x128xf32, #tpu.memory_space<hbm>>
    %dma_wait3A_128 = arith.constant 0 : i32
    %dma_wait3A_129 = arith.constant 0 : i32
    %dma_wait3A_130 = arith.constant 0 : i32
    %dma_wait3A_131 = tpu.memref_slice %arg4[%dma_wait3A_117, %dma_wait3A_128, %add3A, %dma_wait3A_129, %dma_wait3A_130] : memref<200x8x32x8x128xf32, #tpu.memory_space<hbm>> -> memref<1x8x1x8x128xf32, #tpu.memory_space<hbm>>
    %dma_wait3A_132 = tpu.memref_squeeze %dma_wait3A_131 : memref<1x8x1x8x128xf32, #tpu.memory_space<hbm>> -> memref<8x1x8x128xf32, #tpu.memory_space<hbm>>
    %dma_wait3A_133 = arith.constant 0 : i32
    %dma_wait3A_134 = arith.constant 0 : i32
    %dma_wait3A_135 = arith.constant 0 : i32
    %dma_wait3A_136 = arith.constant 0 : i32
    %dma_wait3A_137 = tpu.memref_slice %arg15[%dma_wait3A_133, %dma_wait3A_134, %dma_wait3A_135, %dma_wait3A_136] : memref<8x1x8x129xf32, #tpu.memory_space<vmem>> -> memref<8x1x8x128xf32, #tpu.memory_space<vmem>>
    tpu.wait_dma2 semaphore(%arg25 : memref<!tpu.dma_semaphore, #tpu.memory_space<semaphore_mem>>) src(%dma_wait3A_137 : memref<8x1x8x128xf32, #tpu.memory_space<vmem>>) dst(%dma_wait3A_132 : memref<8x1x8x128xf32, #tpu.memory_space<hbm>>)
    return
  }
}

</mosaic_0001>

<sc_bundles>
// kernel: kernel.3.cloned.1.call-start
scs
__scs_entry_jumppad:
0x0: {  	(pc) =	sbr.rel $0x88, $3  }
0x1: {  	(tag) =	ssettag $0x0;
	lr =	simm.s32 $0x1  }
0x2: {  	[smem:$0x3F9F] =	sst lr;
	_ =	strace $0xD0000000  }
0x3: {  	_ = 	snop  }
0x4: {  	_ = 	snop  }
0x5: {  	_ = 	snop  }
0x6: {  	_ = 	snop  }
0x7: {  	_ = 	snop  }
__scs_overlays_trampoline_lowered:
0x8: {  	[smem:$0x3FAE] =	sst s0  }
0x9: {  	[smem:$0x3FAF] =	sst s1  }
0xa: {  	[smem:$0x3FB0] =	sst s2  }
0xb: {  	[smem:$0x3FB1] =	sst s3  }
0xc: {  	[smem:$0x3FB2] =	sst s4  }
0xd: {  	[smem:$0x3FB3] =	sst s5  }
0xe: {  	[smem:$0x3FB4] =	sst s6  }
0xf: {  	[smem:$0x3FB5] =	sst s7  }
0x10: {  	[smem:$0x3FB6] =	sst s8  }
0x11: {  	[smem:$0x3FB7] =	sst s9;
	s0 =	simm.s32 @!p0 $0x0  }
0x12: {  	s1 =	sld [smem:$0x3F9D];
	s0 =	simm.s32 @p0 $0x1  }
0x13: {  	[smem:$0x3FB8] =	sst s0;
	s0 =	simm.s32 @!p1 $0x0  }
0x14: {  	s2 =	sld [smem:$0x3F9C];
	s0 =	simm.s32 @p1 $0x1  }
0x15: {  	[smem:$0x3FB9] =	sst s0;
	s0 =	simm.s32 @!p2 $0x0  }
0x16: {  	s3 =	sld [smem:$0x3FDB];
	s0 =	simm.s32 @p2 $0x1  }
0x17: {  	s4 =	simm.s32 $0x1BF5;
	[smem:$0x3FBB] =	sst s0  }
0x18: {  	s0 =	sld [smem:$0x3F9E];
	_ =	swait.ge [sflag:s4], $0x0  }
0x19: {  	s7 =	sld [smem:$0x3F9F]  }
0x1a: {  	s8 =	sadd.s32 $0xFFFFE003, lr  }
0x1b: {  	s9 =	sadd.s32 $0xFFFFFEF7, lr;
	s5 =	simm.s32 $0xFFFFFFFF;
	p2 =	slt.u32 s8, $0xFFFFF086  }
0x1c: {  	p1 =	slt.u32 s9, $0xF7A;
	s5 =	simm.s32 @!p2 $0x0  }
0x1d: {  	s5 =	simm.s32 @p1 $0x1;
	p0 =	seq.s32 s7, s2  }
0x1e: {  	s7 =	smul.u32 @!p0 $0xF7A, s2;
	p2 =	seq.s32 @!p0 s5, $0x0  }
0x1f: {  	s9 =	smul.u32 $0xF7A, s1;
	s8 =	simm.s32 @!p0 $0x1BF5;
	p2 =	por !p2, p0  }
0x20: {  	[sflag:s8] =	ssyncset.s32 @!p0 $0xFFFFF086;
	s6 =	sadd.s32 @!p0 s3, s7;
	s7 =	simm.s32 @!p0 $0x108  }
0x21: {  	s3 =	sadd.s32 s3, s9;
	s6 =	sadd.s32 @!p0 $0x88, s6;
	s7 =	simm.s32 @p2 $0x1082  }
0x22: {  	[simem:s7], [sflag:s8] =	dma.local @!p0 [hbm:s6], $0xF7A  }
0x23: {  	s9 =	sor.u32 $0xD0000000, s2;
	s6 =	simm.s32 $0x108;
	_ =	swait.ge @!p0 [sflag:s8], $0x0  }
0x24: {  	s3 =	sadd.s32 $0x88, s3;
	s6 =	simm.s32 @!p1 $0x1082;
	[sflag:s4] =	ssyncset.s32 $0xFFFFF086  }
0x25: {  	[simem:s6], [sflag:s4] =	dma.local [hbm:s3], $0xF7A  }
0x26: {  	[smem:$0x3F9F] =	sst s1;
	(tag) =	ssettag s2;
	_ =	strace s9  }
0x27: {  	s1 =	sld [smem:$0x3FAF]  }
0x28: {  	s2 =	sld [smem:$0x3FB0]  }
0x29: {  	s4 =	sld [smem:$0x3FB2]  }
0x2a: {  	p0 =	seq.s32 s5, $0x0;
	s5 =	sld [smem:$0x3FB3]  }
0x2b: {  	s6 =	sld [smem:$0x3FB4]  }
0x2c: {  	s7 =	sld [smem:$0x3FB5]  }
0x2d: {  	s3 =	simm.s32 $0x108;
	s8 =	sld [smem:$0x3FB6]  }
0x2e: {  	s3 =	simm.s32 @!p0 $0x1082;
	s9 =	sld [smem:$0x3FB7]  }
0x2f: {  	lr =	sadd.s32 s0, s3;
	s0 =	sld [smem:$0x3FAE]  }
0x30: {  	s3 =	sld [smem:$0x3FB1]  }
0x31: {  	[smem:$0x3FBA] =	sst s10  }
0x32: {  	s10 =	sld [smem:$0x3FB8];
	_ =	sdelay $0x3  }
0x33: {  	p0 =	seq.s32 s10, $0x1;
	s10 =	sld [smem:$0x3FBA];
	_ =	sdelay $0x3  }
0x34: {  	[smem:$0x3FBA] =	sst s10  }
0x35: {  	s10 =	sld [smem:$0x3FB9];
	_ =	sdelay $0x3  }
0x36: {  	p1 =	seq.s32 s10, $0x1;
	s10 =	sld [smem:$0x3FBA];
	_ =	sdelay $0x3  }
0x37: {  	[smem:$0x3FBA] =	sst s10  }
0x38: {  	s10 =	sld [smem:$0x3FBB]  }
0x39: {  	_ = 	snop;
	(pc) =	sbr.ind lr, $3  }
0x3a: {  	_ = 	snop  }
0x3b: {  	_ = 	snop  }
0x3c: {  	p2 =	seq.s32 s10, $0x1;
	s10 =	sld [smem:$0x3FBA]  }
0x3d: {  	_ =	shalt  }
0x3e: {  	_ =	shalt  }
0x3f: {  	_ =	shalt  }
0x40: {  	_ =	shalt  }
0x41: {  	_ =	shalt  }
0x42: {  	_ =	shalt  }
0x43: {  	_ =	shalt  }
0x44: {  	_ =	shalt  }
0x45: {  	_ =	shalt  }
0x46: {  	_ =	shalt  }
0x47: {  	_ =	shalt  }
0x48: {  	_ =	shalt  }
0x49: {  	_ =	shalt  }
0x4a: {  	_ =	shalt  }
0x4b: {  	_ =	shalt  }
0x4c: {  	_ =	shalt  }
0x4d: {  	_ =	shalt  }
0x4e: {  	_ =	shalt  }
0x4f: {  	_ =	shalt  }
0x50: {  	_ =	shalt  }
0x51: {  	_ =	shalt  }
0x52: {  	_ =	shalt  }
0x53: {  	_ =	shalt  }
0x54: {  	_ =	shalt  }
0x55: {  	_ =	shalt  }
0x56: {  	_ =	shalt  }
0x57: {  	_ =	shalt  }
0x58: {  	_ =	shalt  }
0x59: {  	_ =	shalt  }
0x5a: {  	_ =	shalt  }
0x5b: {  	_ =	shalt  }
0x5c: {  	_ =	shalt  }
0x5d: {  	_ =	shalt  }
0x5e: {  	_ =	shalt  }
0x5f: {  	_ =	shalt  }
0x60: {  	_ =	shalt  }
0x61: {  	_ =	shalt  }
0x62: {  	_ =	shalt  }
0x63: {  	_ =	shalt  }
0x64: {  	_ =	shalt  }
0x65: {  	_ =	shalt  }
0x66: {  	_ =	shalt  }
0x67: {  	_ =	shalt  }
0x68: {  	_ =	shalt  }
0x69: {  	_ =	shalt  }
0x6a: {  	_ =	shalt  }
0x6b: {  	_ =	shalt  }
0x6c: {  	_ =	shalt  }
0x6d: {  	_ =	shalt  }
0x6e: {  	_ =	shalt  }
0x6f: {  	_ =	shalt  }
0x70: {  	_ =	shalt  }
0x71: {  	_ =	shalt  }
0x72: {  	_ =	shalt  }
0x73: {  	_ =	shalt  }
0x74: {  	_ =	shalt  }
0x75: {  	_ =	shalt  }
0x76: {  	_ =	shalt  }
0x77: {  	_ =	shalt  }
0x78: {  	_ =	shalt  }
0x79: {  	_ =	shalt  }
0x7a: {  	_ =	shalt  }
0x7b: {  	_ =	shalt  }
0x7c: {  	_ =	shalt  }
0x7d: {  	_ =	shalt  }
0x7e: {  	_ =	shalt  }
0x7f: {  	_ =	shalt  }
0x80: {  	_ =	shalt  }
0x81: {  	_ =	shalt  }
0x82: {  	_ =	shalt  }
0x83: {  	_ =	shalt  }
0x84: {  	_ =	shalt  }
0x85: {  	_ =	shalt  }
0x86: {  	_ =	shalt  }
0x87: {  	_ =	shalt  }
.Lfunc_end0:
.L_simem_size_0:
called_computation_lowered:
.L_overlay_start_0:
0x88: {  	s2 =	sld [smem:$0x3FD9]  }
0x89: {  	s3 =	sld [smem:$0x3FFE];
	_ =	sdelay $0x1  }
0x8a: {  	s1 =	srdreg.scid  }
0x8b: {  	s0 =	sand.u32 $0x1, s1  }
0x8c: {  	s17 =	sshll.u32 s0, $0xA;
	s2 =	sadd.s32 s3, s2  }
0x8d: {  	s2 =	sadd.s32 s2, s17  }
0x8e: {  	[smem:$0x3FC6] =	sst s2  }
0x8f: {  	_ = 	snop  }
0x90: {  	s2 =	sld [smem:$0x3FD0];
	(tm) =	ssettm $0x1  }
0x91: {  	s18 =	sld [smem:$0x3FFB];
	_ =	sdelay $0x3  }
0x92: {  	_ =	strace s18  }
0x93: {  	s3 =	sld [smem:$0x3FFC];
	_ =	sdelay $0x3  }
0x94: {  	_ =	strace s3  }
0x95: {  	s3 =	sld [smem:$0x3FFD];
	_ =	sdelay $0x3  }
0x96: {  	_ =	strace s3  }
0x97: {  	_ =	strace $0x8FFFFFFF  }
0x98: {  	s19 =	sld [smem:$0x3FDB];
	_ =	sdelay $0x1  }
0x99: {  	s4 =	simm.s32 $_scs_section_size  }
0x9a: {  	s5 =	simm.s32 $_size__tile_overlayer_lowered;
	s6 =	simm.s32 $_tile_overlayer_lowered  }
0x9b: {  	s22 =	simm.s32 $0x1BFF;
	s21 =	sshll.u32 s6, $0x1;
	s3 =	sadd.s32 s4, s19  }
0x9c: {  	s7 =	simm.s32 $0x0;
	s20 =	sshll.u32 s5, $0x1;
	s5 =	sadd.s32 s21, s3  }
0x9d: {  	[timem:s7], [sflag:s22] =	dma.local [hbm:s5], s20  }
0x9e: {  	_ =	swait.ge [sflag:s22], s20  }
0x9f: {  	s4 =	ssub.s32 $0x0, s20;
	[sflag:s22] =	ssyncset.done $0x0  }
0xa0: {  	[sflag:s22] =	ssyncadd.s32 s4;
	_ =	sdelay $0x1  }
0xa1: {  	s23 =	simm.s32 $0x1B8B  }
0xa2: {  	_ =	swait.ge [sflag:s23], $0x1  }
0xa3: {  	[sflag:s23] =	ssyncset.done $0x0  }
0xa4: {  	s25 =	simm.s32 $0x1B8E;
	s24 =	sld [smem:$0x3FFE];
	[sflag:s23] =	ssyncadd.s32 $0xFFFFFFFF  }
0xa5: {  	s26 =	simm.s32 $execute0_lowered;
	[smem:$0x3FD2] =	sst s25  }
0xa6: {  	s5 =	sshll.u32 s26, $0x1;
	_ =	strace $0x80000046;
	[dreg:$0x1] =	wrdreg $0xFFFFFFFF  }
0xa7: {  	s28 =	simm.s32 $_size_execute0_lowered;
	s3 =	sadd.s32 s3, s5;
	[dreg:$0x0] =	wrdreg $0x0  }
0xa8: {  	s5 =	sshll.u32 s28, $0x1;
	[dreg:$0x2] =	wrdreg s3  }
0xa9: {  	[dreg:$0x3] =	wrdreg s5  }
0xaa: {  	[dreg:$0x4] =	wrdreg $0xC0  }
0xab: {  	_ =	task [dreg:s7], $0x5FFFF  }
0xac: {  	[dreg:$0x1] =	wrdreg $0xFFFFFFFF  }
0xad: {  	[dreg:$0x0] =	wrdreg $0x60  }
0xae: {  	[dreg:$0x2] =	wrdreg s24  }
0xaf: {  	[dreg:$0x3] =	wrdreg s2  }
0xb0: {  	[dreg:$0x4] =	wrdreg $0x9  }
0xb1: {  	_ =	task.clear_ibuf [dreg:s7], $0x5FFFF;
	_ =	strace $0x90000046  }
0xb2: {  	s29 =	simm.s32 $0x9;
	_ =	strace $0x80000048  }
0xb3: {  	_ =	swait.ge [sflag:s29], $0x1  }
0xb4: {  	[sflag:s29] =	ssyncadd.s32 $0xFFFFFFFF  }
0xb5: {  	_ =	strace $0x90000048  }
0xb6: {  	_ =	sfence  }
0xb7: {  	s30 =	sld [smem:$0x0];
	_ =	sdelay $0x2  }
0xb8: {  	s31 =	sshll.u32 s1, $0xD;
	s1 =	sshrl.u32 s1, $0x2  }
0xb9: {  	s3 =	sand.u32 $0x4000, s31;
	s1 =	sadd.s32 s1, s30  }
0xba: {  	s0 =	sor.u32 s3, s0;
	s1 =	sshll.u32 s1, $0x11  }
0xbb: {  	s0 =	sor.u32 s1, s0  }
0xbc: {  	s0 =	sadd.s32 $0x8F2B, s0  }
0xbd: {  	[sflag:s0] =	ssyncadd.remote.s32 $0x1  }
0xbe: {  	_ =	sfence.sel $0xFFFF  }
0xbf: {  	[dreg:$0x0] =	wrdreg $0xFFFFFFFF;
	(pc) =	sbr.abs _section_cstart, $3  }
0xc0: {  	[dreg:$0x1] =	wrdreg $0xFFFFFFFF  }
0xc1: {  	_ =	task.clear_ibuf [dreg:s7], $0x2FFFF;
	_ =	strace $0x9FFFFFFF  }
0xc2: {  	(tm) =	ssettm $0x7FFFFFFF  }
0xc3: {  	_ =	shalt  }
tec
execute0_lowered:
.L_overlay_start_1:
0x0: {  	(tag) =	ssettag $0x1  }
0x1: {  	v0 =	vlaneseq.u32  }
0x2: {  	s0 =	rddreg [dreg:$0x0];
	s3 =	simm.s32 $0x0;
	v9 =	vmul.u32 $0x88, v0  }
0x3: {  	[smem:$0x7FF] =	sst s3  }
0x4: {  	s2 =	rddreg [dreg:$0x1];
	_ =	strace $0x80000047;
	v56 =	vadd.s32 $0x880, v9;
	[tilespmem:$0x1FEB0] =	vst v9  }
0x5: {  	v11 =	vadd.s32 $0x1100, v9;
	[tilespmem:$0x1FE00] =	vst v56  }
0x6: {  	v2 =	vadd.s32 $0x1980, v9;
	[tilespmem:$0x1FE10] =	vst v11  }
0x7: {  	v59 =	vadd.s32 $0x882, v9;
	[tilespmem:$0x1FE20] =	vst v2  }
0x8: {  	v7 =	vadd.s32 $0x1982, v9;
	[tilespmem:$0x1FE30] =	vst v59  }
0x9: {  	v26 =	vadd.s32 $0x883, v9;
	[tilespmem:$0x1FE40] =	vst v7  }
0xa: {  	v0 =	vadd.s32 $0x1103, v9;
	[tilespmem:$0x1FE50] =	vst v26  }
0xb: {  	v21 =	vadd.s32 $0x1983, v9;
	[tilespmem:$0x1FE60] =	vst v0  }
0xc: {  	v18 =	vadd.s32 $0x1984, v9;
	[tilespmem:$0x1FE70] =	vst v21  }
0xd: {  	v10 =	vadd.s32 $0x1985, v9;
	[tilespmem:$0x1FE80] =	vst v18  }
0xe: {  	v14 =	vadd.s32 $0x1986, v9;
	[tilespmem:$0x1FE90] =	vst v10  }
0xf: {  	v13 =	vor.u32 $0x1, v9;
	[tilespmem:$0x1FEA0] =	vst v14  }
0x10: {  	v58 =	vadd.s32 $0x881, v9;
	[tilespmem:$0x1FEC0] =	vst v13  }
0x11: {  	v16 =	vadd.s32 $0x1101, v9;
	[tilespmem:$0x1FED0] =	vst v58  }
0x12: {  	v6 =	vadd.s32 $0x1981, v9;
	[tilespmem:$0x1FEE0] =	vst v16  }
0x13: {  	v20 =	vor.u32 $0x2, v9;
	[tilespmem:$0x1FEF0] =	vst v6  }
0x14: {  	v3 =	vadd.s32 $0x1102, v9;
	[tilespmem:$0x1FF00] =	vst v20  }
0x15: {  	v28 =	vor.u32 $0x3, v9;
	[tilespmem:$0x1FF10] =	vst v3  }
0x16: {  	v17 =	vor.u32 $0x4, v9;
	[tilespmem:$0x1FF20] =	vst v28  }
0x17: {  	v30 =	vadd.s32 $0x884, v9;
	[tilespmem:$0x1FF30] =	vst v17  }
0x18: {  	s1 =	srdreg.scid;
	s4 =	stileid.u32;
	s11 =	simm.s32 $0x80;
	v29 =	vadd.s32 $0x1104, v9;
	[tilespmem:$0x1FF40] =	vst v30  }
0x19: {  	s20 =	simm.s32 $0x1;
	s21 =	simm.s32 $0x10400;
	s22 =	simm.s32 $0xE400;
	v19 =	vor.u32 $0x5, v9;
	[tilespmem:$0x1FF50] =	vst v29  }
0x1a: {  	s23 =	simm.s32 $0x2;
	s24 =	simm.s32 $0x12600;
	s28 =	simm.s32 $0x14800;
	v41 =	vadd.s32 $0x885, v9;
	[tilespmem:$0x1FF60] =	vst v19  }
0x1b: {  	s29 =	simm.s32 $0x4;
	s1 =	sand.u32 $0x1, s1;
	s4 =	sshll.u32 s4, $0x1;
	v23 =	vadd.s32 $0x1105, v9;
	[tilespmem:$0x1FF70] =	vst v41  }
0x1c: {  	s30 =	simm.s32 $0x9;
	s31 =	simm.s32 $0x16A00;
	s5 =	sor.u32 s1, s4;
	v57 =	vor.u32 $0x6, v9;
	[tilespmem:$0x1FF80] =	vst v23  }
0x1d: {  	s12 =	simm.s32 $0x18C00;
	s1 =	ssub.s32 $0x2, s1;
	s4 =	sshll.u32 s5, $0x4;
	v62 =	vadd.s32 $0x886, v9;
	[tilespmem:$0x1FF90] =	vst v57  }
0x1e: {  	s10 =	simm.s32 $0x0;
	s25 =	sshrl.u32 s1, $0x1;
	v8 =	vadd.s32 $0x1106, v9;
	s6 =	sadd.s32 s4, s0;
	[tilespmem:$0x1FFA0] =	vst v62  }
.Ltmp0:
0x1f: {  	v15 =	vor.u32 $0x7, v9;
	s4 =	sadd.s32 $0xF42A00, s0;
	s0 =	ssub.s32 s1, s25;
	[tilespmem:$0x1FFB0] =	vst v8;
	(pc) =	sbr.rel .LBB2_1-.Ltmp0, $4  }
0x20: {  	v22 =	vadd.s32 $0x887, v9;
	s25 =	simm.s32 $0x3;
	s1 =	simm.s32 $0xA;
	[tilespmem:$0x1FFC0] =	vst v15;
	s26 =	sadd.s32 $0x600, s6  }
0x21: {  	v27 =	vadd.s32 $0x1107, v9;
	[tilespmem:$0x1FFD0] =	vst v22;
	s6 =	sshll.u32 s5, $0xA;
	s0 =	smax.u32 s0, $0x1;
	[dreg:$0x3] =	wrdreg s26  }
0x22: {  	v1 =	vimm.s32 $0x0;
	vm0 =	vcmask $0x300;
	v5 =	vadd.s32 $0x1987, v9;
	[tilespmem:$0x1FFE0] =	vst v27;
	s7 =	sor.u32 $0x40000, s6;
	s8 =	sor.u32 $0x80000, s6;
	s9 =	sor.u32 $0xC0000, s6  }
0x23: {  	v1 =	vsel vm0, $0x3, v1;
	v12 =	vmovc v2;
	v31 =	vmov v0;
	[tilespmem:$0x1FFF0] =	vst v5;
	[dreg:$0x4] =	wrdreg s0;
	s26 =	simm.s32 $0x8;
	s0 =	simm.s32 $0x5;
	v2 =	vmov v7  }
.LBB2_36:
0x24: {  	s5 =	simm.s32 $0x6  }
0x25: {  	_ =	swait.ge [sflag:s5], $0x2000  }
0x26: {  	[sflag:s5] =	ssyncset.done $0x0  }
0x27: {  	s18 =	simm.s32 $0x7;
	[sflag:s5] =	ssyncadd.s32 $0xFFFFE000  }
0x28: {  	_ =	swait.ge [sflag:s18], $0x2000  }
0x29: {  	[sflag:s18] =	ssyncset.done $0x0  }
0x2a: {  	[sflag:s18] =	ssyncadd.s32 $0xFFFFE000  }
0x2b: {  	_ =	swait.ge [sflag:s26], $0x2000  }
0x2c: {  	[sflag:s26] =	ssyncset.done $0x0  }
0x2d: {  	[sflag:s26] =	ssyncadd.s32 $0xFFFFE000  }
0x2e: {  	_ =	swait.ge [sflag:s30], $0x2000  }
0x2f: {  	[sflag:s30] =	ssyncset.done $0x0  }
0x30: {  	[sflag:s30] =	ssyncadd.s32 $0xFFFFE000  }
0x31: {  	_ =	swait.ge [sflag:s1], $0x2000  }
0x32: {  	v9 =	vld [tilespmem:$0x1FEB0]  }
0x33: {  	v12 =	vld [tilespmem:$0x1FE20]  }
0x34: {  	v13 =	vld [tilespmem:$0x1FEC0]  }
0x35: {  	v16 =	vld [tilespmem:$0x1FEE0]  }
0x36: {  	v20 =	vld [tilespmem:$0x1FF00]  }
0x37: {  	s10 =	rddreg [dreg:$0x5];
	v3 =	vld [tilespmem:$0x1FF10]  }
0x38: {  	s19 =	rddreg [dreg:$0x4];
	v28 =	vld [tilespmem:$0x1FF20];
	s10 =	sadd.s32 $0x1, s10  }
0x39: {  	v17 =	vld [tilespmem:$0x1FF30];
	p0 =	sne.s32 s10, s19  }
.Ltmp1:
0x3a: {  	v19 =	vld [tilespmem:$0x1FF60];
	(pc) =	sbr.rel @!p0 .LBB2_37-.Ltmp1, $4  }
0x3b: {  	v57 =	vld [tilespmem:$0x1FF90]  }
0x3c: {  	v15 =	vld [tilespmem:$0x1FFC0]  }
0x3d: {  	[sflag:s1] =	ssyncset.done $0x0;
	v22 =	vld [tilespmem:$0x1FFD0]  }
0x3e: {  	v5 =	vmovc v29;
	v8 =	vmov v25;
	v29 =	vmov v14;
	v11 =	vmov v0;
	v27 =	vld [tilespmem:$0x1FFE0];
	[sflag:s1] =	ssyncadd.s32 $0xFFFFE000  }
.LBB2_1:
0x3f: {  	[dreg:$0x5] =	wrdreg s10  }
0x40: {  	s5 =	rddreg [dreg:$0x3];
	s19 =	simm.s32 $0x1000;
	s13 =	simm.s32 $0xB  }
0x41: {  	[tilespmem:s3], [sflag:$0xB] =	stream.strided.gather [hbm4b:s5+s11], $0x6400, s19, s11, $0x38;
	[tilespmem:$0x1AE00] =	vst v63  }
0x42: {  	_ =	swait.ge [sflag:s13], $0x6400  }
0x43: {  	[sflag:s13] =	ssyncset.done $0x0  }
0x44: {  	s14 =	simm.s32 $0x6400;
	[sflag:s13] =	ssyncadd.s32 $0xFFFF9C00  }
0x45: {  	[tilespmem:s14], [sflag:$0x1] =	stream.indirect.gather [hbm4b:s4+s11], $0x40, s3, s11, $0xb8;
	[tilespmem:$0x1AE00] =	vst v63  }
0x46: {  	s15 =	simm.s32 $0x8400  }
0x47: {  	[tilespmem:s15], [sflag:$0x2] =	stream.indirect.gather [hbm4b:s4+s11], $0x40, s11, s11, $0xb8;
	[tilespmem:$0x1AE00] =	vst v63  }
0x48: {  	s16 =	simm.s32 $0x100;
	s17 =	simm.s32 $0xA400  }
0x49: {  	[tilespmem:s17], [sflag:$0x3] =	stream.indirect.gather [hbm4b:s4+s11], $0x40, s16, s11, $0xb8;
	[tilespmem:$0x1AE00] =	vst v63  }
0x4a: {  	s18 =	simm.s32 $0x180;
	s10 =	simm.s32 $0x0;
	s19 =	simm.s32 $0xC400  }
0x4b: {  	v14 =	vmovc v29;
	v25 =	vmov v8;
	v8 =	vmov v3;
	v29 =	vmov v5;
	[tilespmem:s19], [sflag:$0x4] =	stream.indirect.gather [hbm4b:s4+s11], $0x40, s18, s11, $0xb8;
	[tilespmem:$0x1AE00] =	vst v63  }
.LBB2_2:
0x4c: {  	_ =	swait.ge [sflag:s20], $0x2000  }
0x4d: {  	s5 =	simm.s32 $0x0;
	p0 =	seq.s32 s10, $0x0;
	s19 =	simm.s32 $0x1  }
0x4e: {  	s13 =	simm.s32 $0x2;
	s14 =	simm.s32 $0x3;
	s16 =	simm.s32 $0x5  }
0x4f: {  	s17 =	simm.s32 $0x6;
	s18 =	simm.s32 $0x7;
	[sflag:s20] =	ssyncset.done $0x0;
	v33 =	vmov s5;
	v34 =	vmov s19;
	v35 =	vmov s13  }
0x50: {  	v36 =	vmov s14;
	s14 =	simm.s32 $0x4;
	s15 =	simm.s32 @!p0 $0x6;
	v38 =	vmov s16;
	v39 =	vmov s17;
	[sflag:s20] =	ssyncadd.s32 $0xFFFFE000  }
0x51: {  	v40 =	vmov s18;
	v33 =	vshrl.u32 v33, $0x3;
	v37 =	vmov s14;
	_ =	swait.ge @!p0 [sflag:s15], $0x2000  }
0x52: {  	v34 =	vshrl.u32 v34, $0x3;
	v35 =	vshrl.u32 v35, $0x3;
	v36 =	vshrl.u32 v36, $0x3;
	[sflag:s15] =	ssyncset.done @!p0 $0x0  }
0x53: {  	s16 =	simm.s32 $0x6500;
	v40 =	vshrl.u32 v40, $0x3;
	v38 =	vshrl.u32 v38, $0x3;
	v42 =	vshrl.u32 v39, $0x3;
	[sflag:s15] =	ssyncadd.s32 @!p0 $0xFFFFE000  }
0x54: {  	v33 =	vshll.u32 v33, v1;
	v37 =	vshrl.u32 v37, $0x3;
	v40 =	vshll.u32 v40, v1;
	v61 =	vld [tilespmem:s16+$0xC0]  }
0x55: {  	v34 =	vshll.u32 v34, v1;
	v35 =	vshll.u32 v35, v1;
	v10 =	vbroadcast v40, $0x0;
	v43 =	vld [tilespmem:s16+$0xFFFFFF00]  }
0x56: {  	v36 =	vshll.u32 v36, v1;
	v63 =	vshll.u32 v38, v1;
	v3 =	vbroadcast v33, $0x0;
	v45 =	vld [tilespmem:s16+$0xFFFFFF40]  }
0x57: {  	v42 =	vshll.u32 v42, v1;
	v6 =	vbroadcast v34, $0x0;
	v46 =	vadd.s32 v15, v10;
	v47 =	vld [tilespmem:s16+$0xFFFFFF80]  }
0x58: {  	v44 =	vshll.u32 v37, v1;
	v37 =	vbroadcast v35, $0x0;
	v60 =	vadd.s32 v9, v3  }
0x59: {  	v36 =	vbroadcast v36, $0x0;
	v33 =	vbroadcast v63, $0x0;
	v48 =	vadd.s32 v13, v6;
	v49 =	vld [tilespmem:s16+$0xFFFFFFC0]  }
0x5a: {  	v35 =	vbroadcast v44, $0x0;
	v50 =	vadd.s32 v20, v37;
	v51 =	vld [tilespmem:s16+$0x0];
	v61 =	vmul.f32 $8.000000000e+00, v61  }
0x5b: {  	v34 =	vbroadcast v42, $0x0;
	v52 =	vadd.s32 v28, v36;
	v53 =	vld [tilespmem:s16+$0x40];
	v43 =	vmul.f32 $8.000000000e+00, v43  }
0x5c: {  	v55 =	vld [tilespmem:s16+$0x80];
	v54 =	vadd.s32 v17, v35;
	v45 =	vmul.f32 $8.000000000e+00, v45;
	v32 =	vmul.f32 $8.000000000e+00, v47;
	[tilespmem:v46+s21+$0x0] =	vst.idx.msk $0xffff, v61  }
0x5d: {  	s19 =	simm.s32 $0x8;
	[tilespmem:v60+s21+$0x0] =	vst.idx.msk $0xffff, v43;
	v43 =	vadd.s32 v19, v33;
	v44 =	vld [tilespmem:s16+$0xD0]  }
0x5e: {  	v63 =	vmov s19;
	v47 =	vadd.s32 v57, v34;
	[tilespmem:v48+s21+$0x0] =	vst.idx.msk $0xffff, v45;
	v60 =	vmul.f32 $8.000000000e+00, v49;
	v46 =	vld [tilespmem:s16+$0xFFFFFF10]  }
0x5f: {  	v42 =	vshrl.u32 v63, $0x3;
	[tilespmem:v50+s21+$0x0] =	vst.idx.msk $0xffff, v32;
	v61 =	vmul.f32 $8.000000000e+00, v51;
	v50 =	vadd.s32 v22, v10;
	v49 =	vld [tilespmem:s16+$0xFFFFFF50]  }
0x60: {  	v17 =	vmovc v56;
	v56 =	vadd.s32 v56, v3;
	v63 =	vmul.f32 $8.000000000e+00, v53;
	v32 =	vmov v57;
	v57 =	vld [tilespmem:s16+$0xFFFFFF90];
	[tilespmem:v52+s21+$0x0] =	vst.idx.msk $0xffff, v60  }
0x61: {  	v18 =	vmov v58;
	v53 =	vadd.s32 v58, v6;
	v38 =	vmul.f32 $8.000000000e+00, v55;
	[tilespmem:v54+s21+$0x0] =	vst.idx.msk $0xffff, v61;
	v58 =	vld [tilespmem:s16+$0xFFFFFFD0]  }
0x62: {  	v21 =	vmov v59;
	v55 =	vadd.s32 v59, v37;
	v59 =	vld [tilespmem:s16+$0x10];
	[tilespmem:v43+s21+$0x0] =	vst.idx.msk $0xffff, v63;
	v43 =	vmul.f32 $8.000000000e+00, v44  }
0x63: {  	[tilespmem:v47+s21+$0x0] =	vst.idx.msk $0xffff, v38;
	v45 =	vmul.f32 $8.000000000e+00, v46;
	v46 =	vadd.s32 v26, v36;
	v60 =	vld [tilespmem:s16+$0x50]  }
0x64: {  	v61 =	vld [tilespmem:s16+$0x90];
	v39 =	vmul.f32 $8.000000000e+00, v49;
	v49 =	vadd.s32 v30, v35;
	[tilespmem:v50+s21+$0x0] =	vst.idx.msk $0xffff, v43  }
0x65: {  	v63 =	vmul.f32 $8.000000000e+00, v57;
	[tilespmem:v56+s21+$0x0] =	vst.idx.msk $0xffff, v45;
	v45 =	vadd.s32 v41, v33;
	v50 =	vld [tilespmem:s16+$0xE0]  }
0x66: {  	[tilespmem:v53+s21+$0x0] =	vst.idx.msk $0xffff, v39;
	v39 =	vmul.f32 $8.000000000e+00, v58;
	v53 =	vadd.s32 v62, v34;
	v56 =	vld [tilespmem:s16+$0xFFFFFF20]  }
0x67: {  	v43 =	vshll.u32 v42, v1;
	v42 =	vmul.f32 $8.000000000e+00, v59;
	v57 =	vld [tilespmem:s16+$0xFFFFFF60];
	[tilespmem:v55+s21+$0x0] =	vst.idx.msk $0xffff, v63;
	v55 =	vadd.s32 v27, v10  }
0x68: {  	s18 =	simm.s32 $0xD;
	v58 =	vadd.s32 v11, v3;
	v59 =	vld [tilespmem:s16+$0xFFFFFFA0];
	[tilespmem:v46+s21+$0x0] =	vst.idx.msk $0xffff, v39;
	v46 =	vmul.f32 $8.000000000e+00, v60  }
0x69: {  	v7 =	vmovc v11;
	v44 =	vmov s18;
	v11 =	vmovc v62;
	v62 =	vadd.s32 v16, v6;
	v47 =	vmul.f32 $8.000000000e+00, v61;
	[tilespmem:v49+s21+$0x0] =	vst.idx.msk $0xffff, v42;
	v63 =	vld [tilespmem:s16+$0xFFFFFFE0]  }
0x6a: {  	s19 =	simm.s32 $0xE;
	v61 =	vshrl.u32 v44, $0x3;
	v49 =	vadd.s32 v8, v37;
	v39 =	vld [tilespmem:s16+$0x20];
	[tilespmem:v45+s21+$0x0] =	vst.idx.msk $0xffff, v46;
	v44 =	vmul.f32 $8.000000000e+00, v50  }
0x6b: {  	v38 =	vmov s19;
	[tilespmem:v53+s21+$0x0] =	vst.idx.msk $0xffff, v47;
	v50 =	vmul.f32 $8.000000000e+00, v56;
	v56 =	vadd.s32 v31, v36;
	v40 =	vld [tilespmem:s16+$0x60]  }
0x6c: {  	s15 =	simm.s32 $0xB;
	v42 =	vshrl.u32 v38, $0x3;
	v38 =	vbroadcast v43, $0x0;
	v43 =	vmul.f32 $8.000000000e+00, v57;
	v60 =	vld [tilespmem:s16+$0xA0];
	[tilespmem:v55+s21+$0x0] =	vst.idx.msk $0xffff, v44  }
0x6d: {  	v52 =	vmov s15;
	v57 =	vadd.s32 v14, v35;
	v59 =	vmul.f32 $8.000000000e+00, v59;
	[tilespmem:v58+s21+$0x0] =	vst.idx.msk $0xffff, v50;
	v55 =	vld [tilespmem:s16+$0xF0]  }
0x6e: {  	v52 =	vshrl.u32 v52, $0x3;
	[tilespmem:v62+s21+$0x0] =	vst.idx.msk $0xffff, v43;
	v50 =	vld [tilespmem:s16+$0xFFFFFF30];
	v62 =	vmul.f32 $8.000000000e+00, v63  }
0x6f: {  	v45 =	vshll.u32 v52, v1;
	v52 =	vld [tilespmem:s16+$0xFFFFFF70];
	[tilespmem:v49+s21+$0x0] =	vst.idx.msk $0xffff, v59  }
0x70: {  	s13 =	simm.s32 $0x9;
	s14 =	simm.s32 $0xA;
	v63 =	vmul.f32 $8.000000000e+00, v39;
	v49 =	vld [tilespmem:s16+$0xFFFFFFB0];
	[tilespmem:v56+s21+$0x0] =	vst.idx.msk $0xffff, v62  }
0x71: {  	s17 =	simm.s32 $0xC;
	v48 =	vmov s13;
	v51 =	vmov s14;
	v0 =	vld [tilespmem:$0x1FEF0]  }
0x72: {  	v48 =	vshrl.u32 v48, $0x3;
	v51 =	vshrl.u32 v51, $0x3;
	v54 =	vmov s17;
	v56 =	vld [tilespmem:s16+$0xFFFFFFF0];
	[tilespmem:v57+s21+$0x0] =	vst.idx.msk $0xffff, v63  }
0x73: {  	v4 =	vmovc v41;
	v41 =	vshrl.u32 v54, $0x3;
	v54 =	vadd.s32 v23, v33;
	v53 =	vadd.s32 v29, v10;
	v10 =	vmovc v31;
	v31 =	vld [tilespmem:$0x1FE70]  }
0x74: {  	v5 =	vmovc v23;
	v47 =	vshll.u32 v48, v1;
	v44 =	vshll.u32 v51, v1;
	v51 =	vadd.s32 v25, v34;
	v23 =	vld [tilespmem:$0x1FE80]  }
0x75: {  	v46 =	vshll.u32 v41, v1;
	v48 =	vadd.s32 v12, v3;
	v3 =	vmovc v8;
	v43 =	vshll.u32 v61, v1;
	v8 =	vld [tilespmem:$0x1FE90]  }
0x76: {  	s5 =	simm.s32 $0xF;
	s13 =	smul.u32 $0x5, s10;
	s18 =	simm.s32 $0x10;
	v39 =	vmul.f32 $8.000000000e+00, v40;
	v40 =	vmul.f32 $8.000000000e+00, v60;
	v24 =	vld [tilespmem:$0x1FEA0];
	v41 =	vadd.s32 v0, v6  }
.LBB2_3:
0x77: {  	v57 =	vmov s5;
	v58 =	vld [tilespmem:s16+$0x30]  }
0x78: {  	v37 =	vadd.s32 v2, v37;
	v36 =	vadd.s32 v31, v36;
	v0 =	vld [tilespmem:$0x1FF30];
	[tilespmem:v54+s21+$0x0] =	vst.idx.msk $0xffff, v39;
	v60 =	vmul.f32 $8.000000000e+00, v55  }
0x79: {  	v35 =	vadd.s32 v23, v35;
	v61 =	vshrl.u32 v57, $0x3;
	[tilespmem:v51+s21+$0x0] =	vst.idx.msk $0xffff, v40;
	v62 =	vld [tilespmem:s16+$0x70];
	v50 =	vmul.f32 $8.000000000e+00, v50  }
0x7a: {  	v39 =	vmov v38;
	v38 =	vshll.u32 v61, v1;
	v63 =	vmul.f32 $8.000000000e+00, v52;
	v52 =	vld [tilespmem:s16+$0xB0];
	s16 =	sadd.s32 $0x200, s16;
	[tilespmem:v53+s21+$0x0] =	vst.idx.msk $0xffff, v60  }
0x7b: {  	v33 =	vadd.s32 v8, v33;
	v40 =	vbroadcast v38, $0x0;
	v54 =	vmul.f32 $8.000000000e+00, v49;
	[tilespmem:v48+s21+$0x0] =	vst.idx.msk $0xffff, v50;
	v53 =	vld [tilespmem:s16+$0xC0]  }
0x7c: {  	v42 =	vshll.u32 v42, v1;
	v34 =	vadd.s32 v24, v34;
	v57 =	vmul.f32 $8.000000000e+00, v56;
	[tilespmem:v41+s21+$0x0] =	vst.idx.msk $0xffff, v63;
	v48 =	vld [tilespmem:s16+$0xFFFFFF00]  }
0x7d: {  	v41 =	vbroadcast v47, $0x0;
	v47 =	vadd.s32 v15, v40;
	[tilespmem:v37+s21+$0x0] =	vst.idx.msk $0xffff, v54;
	v60 =	vmul.f32 $8.000000000e+00, v58;
	v59 =	vld [tilespmem:s16+$0xFFFFFF40]  }
0x7e: {  	v51 =	vadd.s32 v9, v39;
	v37 =	vbroadcast v44, $0x0;
	[tilespmem:v36+s21+$0x0] =	vst.idx.msk $0xffff, v57;
	v61 =	vld [tilespmem:s16+$0xFFFFFF80];
	v62 =	vmul.f32 $8.000000000e+00, v62  }
0x7f: {  	v36 =	vbroadcast v45, $0x0;
	v63 =	vld [tilespmem:s16+$0xFFFFFFC0];
	v49 =	vadd.s32 v13, v41;
	[tilespmem:v35+s21+$0x0] =	vst.idx.msk $0xffff, v60;
	v56 =	vmul.f32 $8.000000000e+00, v52  }
0x80: {  	v45 =	vadd.s32 v20, v37;
	v35 =	vbroadcast v46, $0x0;
	v52 =	vld [tilespmem:s16+$0x0];
	[tilespmem:v33+s21+$0x0] =	vst.idx.msk $0xffff, v62;
	v57 =	vmul.f32 $8.000000000e+00, v53  }
0x81: {  	v33 =	vbroadcast v43, $0x0;
	[tilespmem:v34+s21+$0x0] =	vst.idx.msk $0xffff, v56;
	v58 =	vmul.f32 $8.000000000e+00, v48;
	v48 =	vadd.s32 v28, v36;
	v53 =	vld [tilespmem:s16+$0x40]  }
0x82: {  	v43 =	vadd.s32 v0, v35;
	v34 =	vbroadcast v42, $0x0;
	v59 =	vmul.f32 $8.000000000e+00, v59;
	v50 =	vld [tilespmem:s16+$0x80];
	[tilespmem:v47+s21+$0x0] =	vst.idx.msk $0xffff, v57  }
0x83: {  	v62 =	vadd.s32 v19, v33;
	v61 =	vmul.f32 $8.000000000e+00, v61;
	[tilespmem:v51+s21+$0x0] =	vst.idx.msk $0xffff, v58;
	v47 =	vld [tilespmem:s16+$0xD0]  }
0x84: {  	v60 =	vmov s18;
	v63 =	vmul.f32 $8.000000000e+00, v63;
	[tilespmem:v49+s21+$0x0] =	vst.idx.msk $0xffff, v59;
	v49 =	vadd.s32 v32, v34;
	v51 =	vld [tilespmem:s16+$0xFFFFFF10]  }
0x85: {  	v42 =	vshrl.u32 v60, $0x3;
	[tilespmem:v45+s21+$0x0] =	vst.idx.msk $0xffff, v61;
	v60 =	vmul.f32 $8.000000000e+00, v52;
	v45 =	vadd.s32 v22, v40;
	v55 =	vld [tilespmem:s16+$0xFFFFFF50]  }
0x86: {  	v56 =	vadd.s32 v17, v39;
	v57 =	vld [tilespmem:s16+$0xFFFFFF90];
	[tilespmem:v48+s21+$0x0] =	vst.idx.msk $0xffff, v63;
	v61 =	vmul.f32 $8.000000000e+00, v53  }
0x87: {  	s17 =	sadd.s32 $0x1, s18;
	[tilespmem:v43+s21+$0x0] =	vst.idx.msk $0xffff, v60;
	v53 =	vadd.s32 v18, v41;
	v43 =	vmul.f32 $8.000000000e+00, v50;
	v58 =	vld [tilespmem:s16+$0xFFFFFFD0]  }
0x88: {  	s15 =	sadd.s32 $0x4, s18;
	v54 =	vmov s17;
	v50 =	vadd.s32 v21, v37;
	v59 =	vld [tilespmem:s16+$0x10];
	[tilespmem:v62+s21+$0x0] =	vst.idx.msk $0xffff, v61;
	v38 =	vmul.f32 $8.000000000e+00, v47  }
0x89: {  	v44 =	vmov s15;
	[tilespmem:v49+s21+$0x0] =	vst.idx.msk $0xffff, v43;
	v47 =	vmul.f32 $8.000000000e+00, v51;
	v51 =	vadd.s32 v26, v36;
	v60 =	vld [tilespmem:s16+$0x50]  }
0x8a: {  	s17 =	sadd.s32 $0x5, s18;
	v54 =	vshrl.u32 v54, $0x3;
	v49 =	vmul.f32 $8.000000000e+00, v55;
	v55 =	vadd.s32 v30, v35;
	v61 =	vld [tilespmem:s16+$0x90];
	[tilespmem:v45+s21+$0x0] =	vst.idx.msk $0xffff, v38  }
0x8b: {  	s19 =	sadd.s32 $0x2, s18;
	v46 =	vmov s17;
	v62 =	vmul.f32 $8.000000000e+00, v57;
	[tilespmem:v56+s21+$0x0] =	vst.idx.msk $0xffff, v47;
	v45 =	vadd.s32 v4, v33;
	v47 =	vld [tilespmem:s16+$0xE0]  }
0x8c: {  	v52 =	vmov s19;
	[tilespmem:v53+s21+$0x0] =	vst.idx.msk $0xffff, v49;
	v53 =	vadd.s32 v11, v34;
	v56 =	vld [tilespmem:s16+$0xFFFFFF20];
	v63 =	vmul.f32 $8.000000000e+00, v58  }
0x8d: {  	s14 =	sadd.s32 $0x3, s18;
	v38 =	vshll.u32 v42, v1;
	[tilespmem:v50+s21+$0x0] =	vst.idx.msk $0xffff, v62;
	v42 =	vmul.f32 $8.000000000e+00, v59;
	v50 =	vadd.s32 v27, v40;
	v57 =	vld [tilespmem:s16+$0xFFFFFF60]  }
0x8e: {  	s19 =	sadd.s32 $0x6, s18;
	v48 =	vmov s14;
	v58 =	vadd.s32 v7, v39;
	v59 =	vld [tilespmem:s16+$0xFFFFFFA0];
	[tilespmem:v51+s21+$0x0] =	vst.idx.msk $0xffff, v63;
	v49 =	vmul.f32 $8.000000000e+00, v60  }
0x8f: {  	v43 =	vmov s19;
	v60 =	vshrl.u32 v44, $0x3;
	[tilespmem:v55+s21+$0x0] =	vst.idx.msk $0xffff, v42;
	v44 =	vmul.f32 $8.000000000e+00, v61;
	v62 =	vld [tilespmem:s16+$0xFFFFFFE0]  }
0x90: {  	v51 =	vadd.s32 v16, v41;
	v61 =	vshrl.u32 v46, $0x3;
	v63 =	vld [tilespmem:s16+$0x20];
	[tilespmem:v45+s21+$0x0] =	vst.idx.msk $0xffff, v49;
	v45 =	vmul.f32 $8.000000000e+00, v47  }
0x91: {  	v46 =	vadd.s32 v3, v37;
	v42 =	vshrl.u32 v43, $0x3;
	[tilespmem:v53+s21+$0x0] =	vst.idx.msk $0xffff, v44;
	v43 =	vmul.f32 $8.000000000e+00, v56;
	v0 =	vld [tilespmem:s16+$0x60]  }
0x92: {  	v6 =	vmovc v2;
	v52 =	vshrl.u32 v52, $0x3;
	v48 =	vshrl.u32 v48, $0x3;
	v56 =	vadd.s32 v10, v36;
	v2 =	vld [tilespmem:s16+$0xA0];
	[tilespmem:v50+s21+$0x0] =	vst.idx.msk $0xffff, v45  }
0x93: {  	p1 =	slt.u32 s18, $0x78;
	v44 =	vshll.u32 v52, v1;
	v49 =	vmul.f32 $8.000000000e+00, v57;
	v57 =	vadd.s32 v14, v35;
	[tilespmem:v58+s21+$0x0] =	vst.idx.msk $0xffff, v43;
	v58 =	vld [tilespmem:$0x1FEF0]  }
.Ltmp2:
0x94: {  	v53 =	vadd.s32 v29, v40;
	v47 =	vshll.u32 v54, v1;
	v43 =	vmul.f32 $8.000000000e+00, v59;
	v55 =	vld [tilespmem:s16+$0xF0];
	(pc) =	sbr.rel @p1 .LBB2_3-.Ltmp2, $4  }
0x95: {  	v54 =	vadd.s32 v5, v33;
	[tilespmem:v51+s21+$0x0] =	vst.idx.msk $0xffff, v49;
	v51 =	vadd.s32 v25, v34;
	v50 =	vld [tilespmem:s16+$0xFFFFFF30];
	v62 =	vmul.f32 $8.000000000e+00, v62  }
0x96: {  	v45 =	vshll.u32 v48, v1;
	v48 =	vadd.s32 v12, v39;
	v52 =	vld [tilespmem:s16+$0xFFFFFF70];
	v63 =	vmul.f32 $8.000000000e+00, v63;
	[tilespmem:v46+s21+$0x0] =	vst.idx.msk $0xffff, v43  }
0x97: {  	v38 =	vbroadcast v38, $0x0;
	v46 =	vshll.u32 v60, v1;
	v43 =	vshll.u32 v61, v1;
	v49 =	vld [tilespmem:s16+$0xFFFFFFB0];
	[tilespmem:v56+s21+$0x0] =	vst.idx.msk $0xffff, v62  }
0x98: {  	s5 =	sadd.s32 $0x7, s18;
	s18 =	sadd.s32 $0x8, s18;
	v39 =	vmul.f32 $8.000000000e+00, v0;
	[tilespmem:v57+s21+$0x0] =	vst.idx.msk $0xffff, v63;
	v40 =	vmul.f32 $8.000000000e+00, v2;
	v2 =	vmovc v6;
	v56 =	vld [tilespmem:s16+$0xFFFFFFF0];
	v41 =	vadd.s32 v58, v41  }
0x99: {  	_ =	sdelay $0x3  }
0x9a: {  	v57 =	vmov v2;
	v2 =	vadd.s32 v2, v37;
	v61 =	vld [tilespmem:s16+$0x30];
	v62 =	vmul.f32 $8.000000000e+00, v55;
	[tilespmem:v54+s21+$0x0] =	vst.idx.msk $0xffff, v39  }
0x9b: {  	v36 =	vadd.s32 v31, v36;
	v50 =	vmul.f32 $8.000000000e+00, v50;
	[tilespmem:v51+s21+$0x0] =	vst.idx.msk $0xffff, v40;
	v54 =	vld [tilespmem:s16+$0x70]  }
0x9c: {  	v35 =	vadd.s32 v23, v35;
	v63 =	vmul.f32 $8.000000000e+00, v52;
	v51 =	vld [tilespmem:s16+$0xB0];
	[tilespmem:v53+s21+$0x0] =	vst.idx.msk $0xffff, v62  }
0x9d: {  	v33 =	vadd.s32 v8, v33;
	[tilespmem:v48+s21+$0x0] =	vst.idx.msk $0xffff, v50;
	v55 =	vmul.f32 $8.000000000e+00, v49  }
0x9e: {  	v34 =	vadd.s32 v24, v34;
	[tilespmem:v41+s21+$0x0] =	vst.idx.msk $0xffff, v63;
	v56 =	vmul.f32 $8.000000000e+00, v56  }
0x9f: {  	[tilespmem:v2+s21+$0x0] =	vst.idx.msk $0xffff, v55;
	v2 =	vmul.f32 $8.000000000e+00, v61  }
0xa0: {  	v0 =	vmov s5;
	s18 =	sadd.s32 $0x200, s16;
	[tilespmem:v36+s21+$0x0] =	vst.idx.msk $0xffff, v56;
	v59 =	vmul.f32 $8.000000000e+00, v54  }
0xa1: {  	v0 =	vshrl.u32 v0, $0x3;
	v39 =	vld [tilespmem:s18+$0xC0];
	[tilespmem:v35+s21+$0x0] =	vst.idx.msk $0xffff, v2;
	v2 =	vmul.f32 $8.000000000e+00, v51  }
0xa2: {  	v45 =	vbroadcast v45, $0x0;
	v0 =	vshll.u32 v0, v1;
	v49 =	vld [tilespmem:s18+$0xFFFFFF00];
	[tilespmem:v33+s21+$0x0] =	vst.idx.msk $0xffff, v59  }
0xa3: {  	v0 =	vbroadcast v0, $0x0;
	v41 =	vld [tilespmem:s18+$0xFFFFFF40];
	[tilespmem:v34+s21+$0x0] =	vst.idx.msk $0xffff, v2  }
0xa4: {  	v47 =	vbroadcast v47, $0x0;
	v37 =	vadd.s32 v9, v38;
	v6 =	vmovc v28;
	v36 =	vadd.s32 v28, v45;
	v28 =	vld [tilespmem:$0x1FF30]  }
0xa5: {  	v44 =	vbroadcast v44, $0x0;
	v48 =	vld [tilespmem:s18+$0xFFFFFF80];
	v50 =	vadd.s32 v15, v0  }
0xa6: {  	v60 =	vadd.s32 v13, v47;
	v61 =	vld [tilespmem:s18+$0xFFFFFFC0]  }
0xa7: {  	v46 =	vbroadcast v46, $0x0;
	v62 =	vadd.s32 v20, v44;
	v63 =	vld [tilespmem:s18+$0x0];
	v56 =	vmul.f32 $8.000000000e+00, v49  }
0xa8: {  	v42 =	vshll.u32 v42, v1;
	v43 =	vbroadcast v43, $0x0;
	v39 =	vmul.f32 $8.000000000e+00, v39;
	v49 =	vld [tilespmem:s18+$0x40]  }
0xa9: {  	v42 =	vbroadcast v42, $0x0;
	v2 =	vmul.f32 $8.000000000e+00, v41;
	v41 =	vld [tilespmem:s18+$0x80];
	[tilespmem:v37+s21+$0x0] =	vst.idx.msk $0xffff, v56;
	v34 =	vadd.s32 v28, v46  }
0xaa: {  	v59 =	vmul.f32 $8.000000000e+00, v48;
	[tilespmem:v50+s21+$0x0] =	vst.idx.msk $0xffff, v39;
	v37 =	vadd.s32 v19, v43;
	v48 =	vld [tilespmem:s18+$0xFFFFFF10]  }
0xab: {  	v40 =	vadd.s32 v32, v42;
	v39 =	vld [tilespmem:s18+$0xD0];
	[tilespmem:v60+s21+$0x0] =	vst.idx.msk $0xffff, v2;
	v2 =	vmul.f32 $8.000000000e+00, v61  }
0xac: {  	[tilespmem:v62+s21+$0x0] =	vst.idx.msk $0xffff, v59;
	v60 =	vmul.f32 $8.000000000e+00, v63;
	v62 =	vadd.s32 v17, v38;
	v50 =	vld [tilespmem:s18+$0xFFFFFF50]  }
0xad: {  	v61 =	vadd.s32 v22, v0;
	v63 =	vld [tilespmem:s18+$0xFFFFFF90];
	[tilespmem:v36+s21+$0x0] =	vst.idx.msk $0xffff, v2;
	v2 =	vmul.f32 $8.000000000e+00, v49  }
0xae: {  	v36 =	vadd.s32 v18, v47;
	v49 =	vld [tilespmem:s18+$0xFFFFFFD0];
	v56 =	vmul.f32 $8.000000000e+00, v41;
	[tilespmem:v34+s21+$0x0] =	vst.idx.msk $0xffff, v60  }
0xaf: {  	[tilespmem:v37+s21+$0x0] =	vst.idx.msk $0xffff, v2;
	v53 =	vmul.f32 $8.000000000e+00, v48;
	v34 =	vadd.s32 v21, v44;
	v59 =	vld [tilespmem:s18+$0x10]  }
0xb0: {  	v2 =	vmul.f32 $8.000000000e+00, v39;
	v39 =	vadd.s32 v26, v45;
	v48 =	vld [tilespmem:s18+$0x50];
	[tilespmem:v40+s21+$0x0] =	vst.idx.msk $0xffff, v56  }
0xb1: {  	v40 =	vadd.s32 v30, v46;
	v55 =	vmul.f32 $8.000000000e+00, v50;
	v50 =	vld [tilespmem:s18+$0x90];
	[tilespmem:v62+s21+$0x0] =	vst.idx.msk $0xffff, v53  }
0xb2: {  	v35 =	vadd.s32 v4, v43;
	[tilespmem:v61+s21+$0x0] =	vst.idx.msk $0xffff, v2;
	v2 =	vmul.f32 $8.000000000e+00, v63;
	v51 =	vld [tilespmem:s18+$0xFFFFFF20]  }
0xb3: {  	v37 =	vld [tilespmem:s18+$0xE0];
	[tilespmem:v36+s21+$0x0] =	vst.idx.msk $0xffff, v55;
	v56 =	vmul.f32 $8.000000000e+00, v49;
	v36 =	vadd.s32 v11, v42  }
0xb4: {  	v41 =	vadd.s32 v7, v38;
	v49 =	vld [tilespmem:s18+$0xFFFFFF60];
	[tilespmem:v34+s21+$0x0] =	vst.idx.msk $0xffff, v2;
	v2 =	vmul.f32 $8.000000000e+00, v59  }
0xb5: {  	[tilespmem:v39+s21+$0x0] =	vst.idx.msk $0xffff, v56;
	v53 =	vmul.f32 $8.000000000e+00, v48;
	v34 =	vadd.s32 v27, v0;
	v59 =	vld [tilespmem:s18+$0xFFFFFFA0]  }
0xb6: {  	v39 =	vadd.s32 v16, v47;
	v48 =	vld [tilespmem:s18+$0xFFFFFFE0];
	[tilespmem:v40+s21+$0x0] =	vst.idx.msk $0xffff, v2;
	v2 =	vmul.f32 $8.000000000e+00, v50  }
0xb7: {  	[tilespmem:v35+s21+$0x0] =	vst.idx.msk $0xffff, v53;
	v56 =	vmul.f32 $8.000000000e+00, v51;
	v40 =	vadd.s32 v3, v44;
	v50 =	vld [tilespmem:s18+$0x20]  }
0xb8: {  	v55 =	vmul.f32 $8.000000000e+00, v37;
	v37 =	vadd.s32 v10, v45;
	v51 =	vld [tilespmem:s18+$0x60];
	[tilespmem:v36+s21+$0x0] =	vst.idx.msk $0xffff, v2  }
0xb9: {  	[tilespmem:v41+s21+$0x0] =	vst.idx.msk $0xffff, v56;
	v2 =	vmul.f32 $8.000000000e+00, v49;
	v36 =	vadd.s32 v14, v46;
	v49 =	vld [tilespmem:s18+$0xA0]  }
0xba: {  	v41 =	vld [tilespmem:s18+$0xFFFFFF30];
	[tilespmem:v34+s21+$0x0] =	vst.idx.msk $0xffff, v55;
	v34 =	vadd.s32 v5, v43;
	v59 =	vmul.f32 $8.000000000e+00, v59  }
0xbb: {  	v53 =	vadd.s32 v25, v42;
	v52 =	vld [tilespmem:s18+$0xF0];
	[tilespmem:v39+s21+$0x0] =	vst.idx.msk $0xffff, v2;
	v2 =	vmul.f32 $8.000000000e+00, v48  }
0xbc: {  	v38 =	vadd.s32 v12, v38;
	v55 =	vld [tilespmem:s18+$0xFFFFFF70];
	[tilespmem:v40+s21+$0x0] =	vst.idx.msk $0xffff, v59;
	v56 =	vmul.f32 $8.000000000e+00, v50  }
0xbd: {  	v0 =	vadd.s32 v29, v0;
	v40 =	vld [tilespmem:s18+$0xFFFFFFB0];
	[tilespmem:v37+s21+$0x0] =	vst.idx.msk $0xffff, v2;
	v2 =	vmul.f32 $8.000000000e+00, v51  }
0xbe: {  	v37 =	vadd.s32 v58, v47;
	v47 =	vld [tilespmem:s18+$0xFFFFFFF0];
	[tilespmem:v36+s21+$0x0] =	vst.idx.msk $0xffff, v56;
	v58 =	vmul.f32 $8.000000000e+00, v49  }
0xbf: {  	v59 =	vadd.s32 v57, v44;
	v50 =	vmul.f32 $8.000000000e+00, v41;
	[tilespmem:v34+s21+$0x0] =	vst.idx.msk $0xffff, v2;
	v49 =	vld [tilespmem:s18+$0x30]  }
0xc0: {  	v51 =	vadd.s32 v31, v45;
	v2 =	vmul.f32 $8.000000000e+00, v52;
	v52 =	vld [tilespmem:s18+$0x70];
	[tilespmem:v53+s21+$0x0] =	vst.idx.msk $0xffff, v58  }
0xc1: {  	[tilespmem:v38+s21+$0x0] =	vst.idx.msk $0xffff, v50;
	v53 =	vmul.f32 $8.000000000e+00, v55;
	v55 =	vadd.s32 v23, v46;
	v56 =	vld [tilespmem:s18+$0xB0]  }
0xc2: {  	[tilespmem:v0+s21+$0x0] =	vst.idx.msk $0xffff, v2;
	v2 =	vadd.s32 v8, v43;
	v0 =	vmul.f32 $8.000000000e+00, v40  }
0xc3: {  	v58 =	vadd.s32 v24, v42;
	[tilespmem:v37+s21+$0x0] =	vst.idx.msk $0xffff, v53;
	v57 =	vmul.f32 $8.000000000e+00, v47  }
0xc4: {  	s16 =	smul.u32 $0x140000, s10;
	[tilespmem:v59+s21+$0x0] =	vst.idx.msk $0xffff, v0;
	v0 =	vmul.f32 $8.000000000e+00, v49  }
0xc5: {  	[tilespmem:v51+s21+$0x0] =	vst.idx.msk $0xffff, v57;
	v59 =	vmul.f32 $8.000000000e+00, v52  }
0xc6: {  	s19 =	sor.u32 s6, s16;
	[tilespmem:v55+s21+$0x0] =	vst.idx.msk $0xffff, v0;
	v0 =	vmul.f32 $8.000000000e+00, v56  }
0xc7: {  	s5 =	sshrl.u32 s19, $0x3;
	[tilespmem:v2+s21+$0x0] =	vst.idx.msk $0xffff, v59  }
0xc8: {  	s14 =	simm.s32 $0x10400;
	s18 =	sadd.s32 s2, s5;
	[tilespmem:v58+s21+$0x0] =	vst.idx.msk $0xffff, v0  }
0xc9: {  	[hbm4b:s18+s3] =	stream.linear.scatter [tilespmem:s14], [sflag:$0x6], $0x80, $0x38;
	[tilespmem:$0x1AE00] =	vst v63  }
0xca: {  	s15 =	simm.s32 $0x10488;
	s14 =	sadd.s32 $0x10, s18  }
0xcb: {  	[hbm4b:s14+s3] =	stream.linear.scatter [tilespmem:s15], [sflag:$0x6], $0x80, $0x38;
	[tilespmem:$0x1AE00] =	vst v63  }
0xcc: {  	s17 =	simm.s32 $0x10510;
	s19 =	sadd.s32 $0x20, s18  }
0xcd: {  	[hbm4b:s19+s3] =	stream.linear.scatter [tilespmem:s17], [sflag:$0x6], $0x80, $0x38;
	[tilespmem:$0x1AE00] =	vst v63  }
0xce: {  	s14 =	simm.s32 $0x10598;
	s15 =	sadd.s32 $0x30, s18  }
0xcf: {  	[hbm4b:s15+s3] =	stream.linear.scatter [tilespmem:s14], [sflag:$0x6], $0x80, $0x38;
	[tilespmem:$0x1AE00] =	vst v63  }
0xd0: {  	s17 =	simm.s32 $0x10620;
	s19 =	sadd.s32 $0x40, s18  }
0xd1: {  	[hbm4b:s19+s3] =	stream.linear.scatter [tilespmem:s17], [sflag:$0x6], $0x80, $0x38;
	[tilespmem:$0x1AE00] =	vst v63  }
0xd2: {  	s5 =	simm.s32 $0x440;
	s14 =	simm.s32 $0x106A8;
	s15 =	sadd.s32 $0x50, s18  }
0xd3: {  	v54 =	vmov v19;
	[hbm4b:s15+s3] =	stream.linear.scatter [tilespmem:s14], [sflag:$0x6], $0x80, $0x38;
	[tilespmem:$0x1AE00] =	vst v63  }
0xd4: {  	v19 =	vmov v32;
	v32 =	vmov v54;
	v62 =	vmov v27;
	s17 =	simm.s32 $0x10730;
	s19 =	sadd.s32 $0x60, s18;
	s14 =	simm.s32 $0x2200  }
0xd5: {  	v61 =	vmovc v16;
	v63 =	vmovc v3;
	v60 =	vmov v4;
	v4 =	vmov v11;
	v11 =	vmov v7;
	[hbm4b:s19+s3] =	stream.linear.scatter [tilespmem:s17], [sflag:$0x6], $0x80, $0x38;
	[tilespmem:$0x1AE00] =	vst v63  }
0xd6: {  	v25 =	vmovc v30;
	v29 =	vmovc v5;
	v3 =	vmov v10;
	v14 =	vmov v18;
	v24 =	vmov v6;
	s15 =	simm.s32 $0x107B8;
	s17 =	sadd.s32 $0x70, s18;
	s18 =	sadd.s32 $0x1000, s18  }
.LBB2_5:
0xd7: {  	[hbm4b:s17+s3] =	stream.linear.scatter [tilespmem:s15], [sflag:$0x6], $0x80, $0x38;
	[tilespmem:$0x1AE00] =	vst v63  }
0xd8: {  	s15 =	smov.u32 s5;
	s5 =	smov.u32 s14  }
0xd9: {  	s19 =	sadd.s32 $0x1100, s14;
	s5 =	sshra.s32 s5, $0x2;
	s17 =	sadd.s32 $0x10400, s15  }
0xda: {  	[hbm4b:s18+s3] =	stream.linear.scatter [tilespmem:s17], [sflag:$0x6], $0x80, $0x38;
	[tilespmem:$0x1AE00] =	vst v63  }
0xdb: {  	p1 =	sne.s32 s14, $0x7700;
	s14 =	sadd.s32 $0x10488, s15;
	s17 =	sadd.s32 $0x10, s18  }
0xdc: {  	[hbm4b:s17+s3] =	stream.linear.scatter [tilespmem:s14], [sflag:$0x6], $0x80, $0x38;
	[tilespmem:$0x1AE00] =	vst v63  }
0xdd: {  	s14 =	sadd.s32 $0x10510, s15;
	s17 =	sadd.s32 $0x20, s18  }
0xde: {  	[hbm4b:s17+s3] =	stream.linear.scatter [tilespmem:s14], [sflag:$0x6], $0x80, $0x38;
	[tilespmem:$0x1AE00] =	vst v63  }
0xdf: {  	s14 =	sadd.s32 $0x10598, s15;
	s17 =	sadd.s32 $0x30, s18  }
0xe0: {  	[hbm4b:s17+s3] =	stream.linear.scatter [tilespmem:s14], [sflag:$0x6], $0x80, $0x38;
	[tilespmem:$0x1AE00] =	vst v63  }
0xe1: {  	s14 =	sadd.s32 $0x10620, s15;
	s17 =	sadd.s32 $0x40, s18  }
0xe2: {  	[hbm4b:s17+s3] =	stream.linear.scatter [tilespmem:s14], [sflag:$0x6], $0x80, $0x38;
	[tilespmem:$0x1AE00] =	vst v63  }
.Ltmp3:
0xe3: {  	s14 =	sadd.s32 $0x106A8, s15;
	s17 =	sadd.s32 $0x50, s18;
	(pc) =	sbr.rel @p1 .LBB2_5-.Ltmp3, $4  }
0xe4: {  	[hbm4b:s17+s3] =	stream.linear.scatter [tilespmem:s14], [sflag:$0x6], $0x80, $0x38;
	[tilespmem:$0x1AE00] =	vst v63  }
0xe5: {  	s14 =	sadd.s32 $0x10730, s15;
	s17 =	sadd.s32 $0x60, s18;
	s15 =	sadd.s32 $0x107B8, s15  }
0xe6: {  	[hbm4b:s17+s3] =	stream.linear.scatter [tilespmem:s14], [sflag:$0x6], $0x80, $0x38;
	[tilespmem:$0x1AE00] =	vst v63  }
0xe7: {  	s17 =	sadd.s32 $0x70, s18;
	s18 =	sadd.s32 $0x1000, s18;
	s14 =	smov.u32 s19  }
0xe8: {  	[hbm4b:s17+s3] =	stream.linear.scatter [tilespmem:s15], [sflag:$0x6], $0x80, $0x38;
	[tilespmem:$0x1AE00] =	vst v63  }
0xe9: {  	s14 =	sadd.s32 $0x10400, s5  }
0xea: {  	[hbm4b:s18+s3] =	stream.linear.scatter [tilespmem:s14], [sflag:$0x6], $0x80, $0x38;
	[tilespmem:$0x1AE00] =	vst v63  }
0xeb: {  	s17 =	sadd.s32 $0x10488, s5;
	s19 =	sadd.s32 $0x10, s18  }
0xec: {  	[hbm4b:s19+s3] =	stream.linear.scatter [tilespmem:s17], [sflag:$0x6], $0x80, $0x38;
	[tilespmem:$0x1AE00] =	vst v63  }
0xed: {  	s17 =	sadd.s32 $0x10510, s5;
	s19 =	sadd.s32 $0x20, s18  }
0xee: {  	[hbm4b:s19+s3] =	stream.linear.scatter [tilespmem:s17], [sflag:$0x6], $0x80, $0x38;
	[tilespmem:$0x1AE00] =	vst v63  }
0xef: {  	s17 =	sadd.s32 $0x10598, s5;
	s19 =	sadd.s32 $0x30, s18  }
0xf0: {  	[hbm4b:s19+s3] =	stream.linear.scatter [tilespmem:s17], [sflag:$0x6], $0x80, $0x38;
	[tilespmem:$0x1AE00] =	vst v63  }
0xf1: {  	s17 =	sadd.s32 $0x10620, s5;
	s19 =	sadd.s32 $0x40, s18  }
0xf2: {  	[hbm4b:s19+s3] =	stream.linear.scatter [tilespmem:s17], [sflag:$0x6], $0x80, $0x38;
	[tilespmem:$0x1AE00] =	vst v63  }
0xf3: {  	s13 =	sadd.s32 $0x4, s13;
	s17 =	sadd.s32 $0x106A8, s5;
	s19 =	sadd.s32 $0x50, s18  }
0xf4: {  	[hbm4b:s19+s3] =	stream.linear.scatter [tilespmem:s17], [sflag:$0x6], $0x80, $0x38;
	[tilespmem:$0x1AE00] =	vst v63  }
0xf5: {  	s15 =	simm.s32 $0x0;
	s17 =	sadd.s32 $0x10730, s5;
	s19 =	sadd.s32 $0x60, s18  }
0xf6: {  	[hbm4b:s19+s3] =	stream.linear.scatter [tilespmem:s17], [sflag:$0x6], $0x80, $0x38;
	[tilespmem:$0x1AE00] =	vst v63  }
0xf7: {  	s14 =	sshll.u32 s13, $0x7;
	s17 =	sadd.s32 $0x107B8, s5;
	s19 =	sadd.s32 $0x70, s18  }
0xf8: {  	[hbm4b:s19+s3] =	stream.linear.scatter [tilespmem:s17], [sflag:$0x6], $0x80, $0x38;
	[tilespmem:$0x1AE00] =	vst v63  }
0xf9: {  	v0 =	vmov s15;
	s15 =	simm.s32 $0x4;
	s5 =	sand.u32 $0x3FFFFF80, s14  }
0xfa: {  	[tilespmem:s22], [sflag:$0x5] =	stream.indirect.gather [hbm4b:s4+s11], $0x40, s5, s11, $0xb8;
	[tilespmem:$0x1AE00] =	vst v63  }
0xfb: {  	v0 =	vshrl.u32 v0, $0x3;
	v35 =	vmov s15;
	_ =	swait.ge [sflag:s23], $0x2000  }
0xfc: {  	v0 =	vshll.u32 v0, v1;
	v35 =	vshrl.u32 v35, $0x3;
	s18 =	simm.s32 $0x2;
	s17 =	simm.s32 $0x1;
	[sflag:s23] =	ssyncset.done $0x0  }
0xfd: {  	v39 =	vbroadcast v0, $0x0;
	v35 =	vshll.u32 v35, v1;
	s14 =	simm.s32 $0x7;
	v2 =	vmov s17;
	s17 =	simm.s32 @!p0 $0x7;
	[sflag:s23] =	ssyncadd.s32 $0xFFFFE000  }
0xfe: {  	v35 =	vbroadcast v35, $0x0;
	v33 =	vmov s18;
	s18 =	simm.s32 $0x5;
	v38 =	vmov s14;
	_ =	swait.ge @!p0 [sflag:s17], $0x2000  }
0xff: {  	v45 =	vadd.s32 v9, v39;
	s19 =	simm.s32 $0x3;
	v36 =	vmov s18;
	v38 =	vshrl.u32 v38, $0x3;
	[sflag:s17] =	ssyncset.done @!p0 $0x0  }
0x100: {  	v33 =	vshrl.u32 v33, $0x3;
	s18 =	simm.s32 $0x8500;
	v34 =	vmov s19;
	v38 =	vshll.u32 v38, v1;
	[sflag:s17] =	ssyncadd.s32 @!p0 $0xFFFFE000  }
0x101: {  	s19 =	simm.s32 $0x6;
	v36 =	vshrl.u32 v36, $0x3;
	v2 =	vshrl.u32 v2, $0x3;
	v41 =	vbroadcast v38, $0x0;
	v0 =	vld [tilespmem:s18+$0xC0]  }
0x102: {  	v33 =	vshll.u32 v33, v1;
	v37 =	vmov s19;
	v2 =	vshll.u32 v2, v1;
	v58 =	vld [tilespmem:s18+$0xFFFFFF00]  }
0x103: {  	v34 =	vshrl.u32 v34, $0x3;
	v6 =	vbroadcast v2, $0x0;
	v2 =	vadd.s32 v15, v41;
	v43 =	vld [tilespmem:s18+$0xFFFFFF40]  }
0x104: {  	v42 =	vshrl.u32 v37, $0x3;
	v34 =	vshll.u32 v34, v1;
	v37 =	vbroadcast v33, $0x0;
	v46 =	vld [tilespmem:s18+$0xFFFFFF80]  }
0x105: {  	v44 =	vshll.u32 v36, v1;
	v36 =	vbroadcast v34, $0x0;
	v47 =	vadd.s32 v13, v6;
	v48 =	vld [tilespmem:s18+$0xFFFFFFC0]  }
0x106: {  	v33 =	vbroadcast v44, $0x0;
	v49 =	vadd.s32 v20, v37;
	v50 =	vld [tilespmem:s18+$0x0];
	v0 =	vmul.f32 $8.000000000e+00, v0  }
0x107: {  	v42 =	vshll.u32 v42, v1;
	v51 =	vadd.s32 v24, v36;
	v52 =	vld [tilespmem:s18+$0x40];
	v38 =	vmul.f32 $8.000000000e+00, v58  }
0x108: {  	v44 =	vadd.s32 v28, v35;
	v34 =	vbroadcast v42, $0x0;
	v53 =	vld [tilespmem:s18+$0x80];
	v43 =	vmul.f32 $8.000000000e+00, v43;
	[tilespmem:v2+s24+$0x0] =	vst.idx.msk $0xffff, v0  }
0x109: {  	[tilespmem:v45+s24+$0x0] =	vst.idx.msk $0xffff, v38;
	v2 =	vmul.f32 $8.000000000e+00, v46;
	v38 =	vadd.s32 v32, v33;
	v42 =	vld [tilespmem:s18+$0xD0]  }
0x10a: {  	v59 =	vmul.f32 $8.000000000e+00, v48;
	[tilespmem:v47+s24+$0x0] =	vst.idx.msk $0xffff, v43;
	v46 =	vadd.s32 v19, v34;
	v45 =	vld [tilespmem:s18+$0xFFFFFF10]  }
0x10b: {  	v48 =	vld [tilespmem:s18+$0xFFFFFF50];
	[tilespmem:v49+s24+$0x0] =	vst.idx.msk $0xffff, v2;
	v2 =	vmul.f32 $8.000000000e+00, v50;
	v49 =	vadd.s32 v22, v41  }
0x10c: {  	v54 =	vadd.s32 v17, v39;
	[tilespmem:v51+s24+$0x0] =	vst.idx.msk $0xffff, v59;
	v43 =	vmul.f32 $8.000000000e+00, v52;
	v55 =	vld [tilespmem:s18+$0xFFFFFF90]  }
0x10d: {  	s15 =	simm.s32 $0x8;
	v52 =	vadd.s32 v14, v6;
	v56 =	vld [tilespmem:s18+$0xFFFFFFD0];
	[tilespmem:v44+s24+$0x0] =	vst.idx.msk $0xffff, v2;
	v2 =	vmul.f32 $8.000000000e+00, v53  }
0x10e: {  	s17 =	simm.s32 $0x9;
	v0 =	vmov s15;
	v53 =	vadd.s32 v21, v37;
	v57 =	vld [tilespmem:s18+$0x10];
	[tilespmem:v38+s24+$0x0] =	vst.idx.msk $0xffff, v43;
	v38 =	vmul.f32 $8.000000000e+00, v42  }
0x10f: {  	s14 =	simm.s32 $0xB;
	v47 =	vmov s17;
	v43 =	vmul.f32 $8.000000000e+00, v45;
	v45 =	vadd.s32 v26, v36;
	v58 =	vld [tilespmem:s18+$0x50];
	[tilespmem:v46+s24+$0x0] =	vst.idx.msk $0xffff, v2  }
0x110: {  	v51 =	vmov s14;
	v46 =	vmul.f32 $8.000000000e+00, v48;
	v48 =	vadd.s32 v25, v35;
	v59 =	vld [tilespmem:s18+$0x90];
	[tilespmem:v49+s24+$0x0] =	vst.idx.msk $0xffff, v38  }
0x111: {  	s19 =	simm.s32 $0xA;
	v0 =	vshrl.u32 v0, $0x3;
	[tilespmem:v54+s24+$0x0] =	vst.idx.msk $0xffff, v43;
	v38 =	vmul.f32 $8.000000000e+00, v55;
	v43 =	vadd.s32 v60, v33;
	v49 =	vld [tilespmem:s18+$0xE0]  }
0x112: {  	v30 =	vmovc v60;
	v50 =	vmov s19;
	[tilespmem:v52+s24+$0x0] =	vst.idx.msk $0xffff, v46;
	v60 =	vmul.f32 $8.000000000e+00, v56;
	v52 =	vadd.s32 v4, v34;
	v54 =	vld [tilespmem:s18+$0xFFFFFF20]  }
0x113: {  	v0 =	vshll.u32 v0, v1;
	v55 =	vld [tilespmem:s18+$0xFFFFFF60];
	[tilespmem:v53+s24+$0x0] =	vst.idx.msk $0xffff, v38;
	v38 =	vmul.f32 $8.000000000e+00, v57;
	v53 =	vadd.s32 v62, v41  }
0x114: {  	s17 =	simm.s32 $0xD;
	v57 =	vshrl.u32 v51, $0x3;
	v51 =	vadd.s32 v11, v39;
	v56 =	vld [tilespmem:s18+$0xFFFFFFA0];
	[tilespmem:v45+s24+$0x0] =	vst.idx.msk $0xffff, v60;
	v40 =	vmul.f32 $8.000000000e+00, v58  }
0x115: {  	s19 =	simm.s32 $0xE;
	v42 =	vmov s17;
	v58 =	vadd.s32 v61, v6;
	[tilespmem:v48+s24+$0x0] =	vst.idx.msk $0xffff, v38;
	v38 =	vmul.f32 $8.000000000e+00, v59  }
0x116: {  	v2 =	vmov s19;
	v48 =	vadd.s32 v63, v37;
	[tilespmem:v43+s24+$0x0] =	vst.idx.msk $0xffff, v40;
	v49 =	vmul.f32 $8.000000000e+00, v49  }
0x117: {  	v60 =	vld [tilespmem:s18+$0xFFFFFFE0];
	v59 =	vshrl.u32 v42, $0x3;
	v42 =	vshrl.u32 v2, $0x3;
	v2 =	vmul.f32 $8.000000000e+00, v54;
	[tilespmem:v52+s24+$0x0] =	vst.idx.msk $0xffff, v38  }
0x118: {  	v5 =	vmovc v22;
	v22 =	vmovc v26;
	v26 =	vmov v25;
	v38 =	vbroadcast v0, $0x0;
	v0 =	vmul.f32 $8.000000000e+00, v55;
	v25 =	vld [tilespmem:$0x1FF50];
	[tilespmem:v53+s24+$0x0] =	vst.idx.msk $0xffff, v49  }
0x119: {  	v12 =	vmov v13;
	v13 =	vmov v61;
	v61 =	vld [tilespmem:s18+$0x20];
	[tilespmem:v51+s24+$0x0] =	vst.idx.msk $0xffff, v2;
	v2 =	vmul.f32 $8.000000000e+00, v56  }
0x11a: {  	v23 =	vmov v62;
	v62 =	vld [tilespmem:s18+$0x60];
	[tilespmem:v58+s24+$0x0] =	vst.idx.msk $0xffff, v0  }
0x11b: {  	v7 =	vld [tilespmem:$0x1FFB0];
	[tilespmem:v48+s24+$0x0] =	vst.idx.msk $0xffff, v2  }
0x11c: {  	v18 =	vmov v21;
	s15 =	simm.s32 $0xC;
	v21 =	vmov v3;
	v54 =	vadd.s32 v3, v36;
	v3 =	vld [tilespmem:$0x1FFF0]  }
0x11d: {  	v44 =	vmov s15;
	v40 =	vld [tilespmem:s18+$0xA0]  }
0x11e: {  	v50 =	vshrl.u32 v50, $0x3;
	v46 =	vshrl.u32 v44, $0x3;
	v56 =	vld [tilespmem:s18+$0xF0]  }
0x11f: {  	v16 =	vmovc v20;
	v20 =	vmovc v63;
	v44 =	vshll.u32 v50, v1;
	v50 =	vld [tilespmem:s18+$0xFFFFFF30];
	v0 =	vmul.f32 $8.000000000e+00, v60;
	v63 =	vadd.s32 v25, v35  }
0x120: {  	v52 =	vld [tilespmem:s18+$0xFFFFFF70]  }
0x121: {  	v53 =	vadd.s32 v3, v41;
	v3 =	vld [tilespmem:$0x1FE20];
	[tilespmem:v54+s24+$0x0] =	vst.idx.msk $0xffff, v0  }
0x122: {  	v2 =	vmul.f32 $8.000000000e+00, v61;
	v0 =	vld [tilespmem:$0x1FEF0]  }
0x123: {  	v49 =	vld [tilespmem:s18+$0xFFFFFFB0]  }
0x124: {  	v54 =	vld [tilespmem:s18+$0xFFFFFFF0];
	[tilespmem:v63+s24+$0x0] =	vst.idx.msk $0xffff, v2  }
0x125: {  	v8 =	vmov v9;
	v9 =	vld [tilespmem:$0x1FE40]  }
0x126: {  	v47 =	vshrl.u32 v47, $0x3;
	v55 =	vadd.s32 v29, v33;
	v27 =	vld [tilespmem:$0x1FE70]  }
0x127: {  	v47 =	vshll.u32 v47, v1;
	v51 =	vadd.s32 v7, v34;
	v41 =	vadd.s32 v0, v6;
	v6 =	vld [tilespmem:$0x1FE80]  }
0x128: {  	v46 =	vshll.u32 v46, v1;
	v45 =	vshll.u32 v57, v1;
	v43 =	vshll.u32 v59, v1;
	v31 =	vld [tilespmem:$0x1FE90]  }
0x129: {  	v10 =	vmovc v17;
	s5 =	simm.s32 $0x10;
	s14 =	simm.s32 $0xF;
	v40 =	vmul.f32 $8.000000000e+00, v40;
	v17 =	vld [tilespmem:$0x1FEA0];
	v48 =	vadd.s32 v3, v39;
	v39 =	vmul.f32 $8.000000000e+00, v62  }
.LBB2_7:
0x12a: {  	v0 =	vmov s14  }
0x12b: {  	v2 =	vadd.s32 v9, v37;
	v59 =	vld [tilespmem:s18+$0x30];
	v36 =	vadd.s32 v27, v36;
	[tilespmem:v55+s24+$0x0] =	vst.idx.msk $0xffff, v39;
	v62 =	vmul.f32 $8.000000000e+00, v56  }
0x12c: {  	v35 =	vadd.s32 v6, v35;
	v0 =	vshrl.u32 v0, $0x3;
	[tilespmem:v51+s24+$0x0] =	vst.idx.msk $0xffff, v40;
	v63 =	vmul.f32 $8.000000000e+00, v50;
	v56 =	vld [tilespmem:s18+$0x70]  }
0x12d: {  	v33 =	vadd.s32 v31, v33;
	v0 =	vshll.u32 v0, v1;
	v58 =	vld [tilespmem:s18+$0xB0];
	v57 =	vmul.f32 $8.000000000e+00, v52;
	s18 =	sadd.s32 $0x200, s18;
	[tilespmem:v53+s24+$0x0] =	vst.idx.msk $0xffff, v62  }
0x12e: {  	v42 =	vshll.u32 v42, v1;
	v40 =	vbroadcast v0, $0x0;
	v0 =	vmul.f32 $8.000000000e+00, v49;
	[tilespmem:v48+s24+$0x0] =	vst.idx.msk $0xffff, v63;
	v53 =	vld [tilespmem:s18+$0xC0]  }
0x12f: {  	v34 =	vadd.s32 v17, v34;
	v39 =	vmov v38;
	v60 =	vmul.f32 $8.000000000e+00, v54;
	[tilespmem:v41+s24+$0x0] =	vst.idx.msk $0xffff, v57;
	v38 =	vld [tilespmem:s18+$0xFFFFFF00]  }
0x130: {  	v61 =	vadd.s32 v15, v40;
	v41 =	vbroadcast v47, $0x0;
	[tilespmem:v2+s24+$0x0] =	vst.idx.msk $0xffff, v0;
	v0 =	vmul.f32 $8.000000000e+00, v59;
	v49 =	vld [tilespmem:s18+$0xFFFFFF40]  }
0x131: {  	v37 =	vbroadcast v44, $0x0;
	v2 =	vadd.s32 v8, v39;
	[tilespmem:v36+s24+$0x0] =	vst.idx.msk $0xffff, v60;
	v62 =	vld [tilespmem:s18+$0xFFFFFF80];
	v59 =	vmul.f32 $8.000000000e+00, v56  }
0x132: {  	v36 =	vbroadcast v45, $0x0;
	v63 =	vld [tilespmem:s18+$0xFFFFFFC0];
	v60 =	vadd.s32 v12, v41;
	[tilespmem:v35+s24+$0x0] =	vst.idx.msk $0xffff, v0;
	v0 =	vmul.f32 $8.000000000e+00, v58  }
0x133: {  	v45 =	vadd.s32 v16, v37;
	v35 =	vbroadcast v46, $0x0;
	v56 =	vld [tilespmem:s18+$0x0];
	[tilespmem:v33+s24+$0x0] =	vst.idx.msk $0xffff, v59;
	v57 =	vmul.f32 $8.000000000e+00, v53  }
0x134: {  	v58 =	vadd.s32 v24, v36;
	[tilespmem:v34+s24+$0x0] =	vst.idx.msk $0xffff, v0;
	v33 =	vbroadcast v43, $0x0;
	v38 =	vmul.f32 $8.000000000e+00, v38;
	v59 =	vld [tilespmem:s18+$0x40]  }
0x135: {  	v34 =	vbroadcast v42, $0x0;
	v43 =	vadd.s32 v28, v35;
	v0 =	vmul.f32 $8.000000000e+00, v49;
	v49 =	vld [tilespmem:s18+$0x80];
	[tilespmem:v61+s24+$0x0] =	vst.idx.msk $0xffff, v57  }
0x136: {  	[tilespmem:v2+s24+$0x0] =	vst.idx.msk $0xffff, v38;
	v2 =	vmul.f32 $8.000000000e+00, v62;
	v38 =	vadd.s32 v32, v33;
	v46 =	vld [tilespmem:s18+$0xD0]  }
0x137: {  	[tilespmem:v60+s24+$0x0] =	vst.idx.msk $0xffff, v0;
	v0 =	vmul.f32 $8.000000000e+00, v63;
	v63 =	vadd.s32 v19, v34;
	v62 =	vld [tilespmem:s18+$0xFFFFFF10]  }
0x138: {  	v61 =	vmov s5;
	v60 =	vld [tilespmem:s18+$0xFFFFFF50];
	[tilespmem:v45+s24+$0x0] =	vst.idx.msk $0xffff, v2;
	v2 =	vmul.f32 $8.000000000e+00, v56;
	v45 =	vadd.s32 v5, v40  }
0x139: {  	v54 =	vadd.s32 v10, v39;
	v42 =	vshrl.u32 v61, $0x3;
	[tilespmem:v58+s24+$0x0] =	vst.idx.msk $0xffff, v0;
	v61 =	vld [tilespmem:s18+$0xFFFFFF90];
	v0 =	vmul.f32 $8.000000000e+00, v59  }
0x13a: {  	v53 =	vadd.s32 v14, v41;
	[tilespmem:v43+s24+$0x0] =	vst.idx.msk $0xffff, v2;
	v2 =	vmul.f32 $8.000000000e+00, v49  }
0x13b: {  	v56 =	vld [tilespmem:s18+$0xFFFFFFD0];
	v49 =	vadd.s32 v18, v37;
	[tilespmem:v38+s24+$0x0] =	vst.idx.msk $0xffff, v0;
	v0 =	vmul.f32 $8.000000000e+00, v46  }
0x13c: {  	v57 =	vld [tilespmem:s18+$0x10];
	v62 =	vmul.f32 $8.000000000e+00, v62;
	[tilespmem:v63+s24+$0x0] =	vst.idx.msk $0xffff, v2  }
0x13d: {  	s19 =	sadd.s32 $0x3, s5;
	v47 =	vadd.s32 v22, v36;
	v58 =	vld [tilespmem:s18+$0x50];
	v63 =	vmul.f32 $8.000000000e+00, v60;
	[tilespmem:v45+s24+$0x0] =	vst.idx.msk $0xffff, v0  }
0x13e: {  	s17 =	sadd.s32 $0x2, s5;
	v44 =	vmov s19;
	v60 =	vadd.s32 v26, v35;
	v59 =	vld [tilespmem:s18+$0x90];
	[tilespmem:v54+s24+$0x0] =	vst.idx.msk $0xffff, v62;
	v61 =	vmul.f32 $8.000000000e+00, v61  }
0x13f: {  	v52 =	vmov s17;
	s17 =	sadd.s32 $0x5, s5;
	v48 =	vadd.s32 v13, v41;
	v45 =	vadd.s32 v30, v33;
	[tilespmem:v53+s24+$0x0] =	vst.idx.msk $0xffff, v63;
	v54 =	vld [tilespmem:s18+$0xFFFFFF20]  }
0x140: {  	v38 =	vmov s17;
	v62 =	vmul.f32 $8.000000000e+00, v56;
	v53 =	vadd.s32 v4, v34;
	v55 =	vld [tilespmem:s18+$0xFFFFFF60];
	[tilespmem:v49+s24+$0x0] =	vst.idx.msk $0xffff, v61  }
0x141: {  	s19 =	sadd.s32 $0x6, s5;
	v63 =	vmul.f32 $8.000000000e+00, v57;
	v57 =	vshrl.u32 v44, $0x3;
	v44 =	vadd.s32 v11, v39;
	v56 =	vld [tilespmem:s18+$0xFFFFFFA0]  }
0x142: {  	v2 =	vmov s19;
	v0 =	vshll.u32 v42, v1;
	v46 =	vld [tilespmem:s18+$0xE0];
	[tilespmem:v47+s24+$0x0] =	vst.idx.msk $0xffff, v62;
	v47 =	vmul.f32 $8.000000000e+00, v58  }
0x143: {  	v42 =	vshrl.u32 v2, $0x3;
	v58 =	vld [tilespmem:s18+$0xFFFFFFE0];
	[tilespmem:v60+s24+$0x0] =	vst.idx.msk $0xffff, v63;
	v51 =	vmul.f32 $8.000000000e+00, v59;
	v60 =	vadd.s32 v20, v37  }
0x144: {  	v49 =	vadd.s32 v23, v40;
	v59 =	vshrl.u32 v38, $0x3;
	v61 =	vld [tilespmem:s18+$0x20];
	[tilespmem:v45+s24+$0x0] =	vst.idx.msk $0xffff, v47;
	v2 =	vmul.f32 $8.000000000e+00, v54  }
0x145: {  	v38 =	vbroadcast v0, $0x0;
	v54 =	vadd.s32 v21, v36;
	[tilespmem:v53+s24+$0x0] =	vst.idx.msk $0xffff, v51;
	v0 =	vmul.f32 $8.000000000e+00, v55  }
0x146: {  	v62 =	vld [tilespmem:s18+$0x60];
	[tilespmem:v44+s24+$0x0] =	vst.idx.msk $0xffff, v2;
	v2 =	vmul.f32 $8.000000000e+00, v56  }
0x147: {  	v45 =	vmul.f32 $8.000000000e+00, v46;
	v3 =	vld [tilespmem:s18+$0xA0];
	[tilespmem:v48+s24+$0x0] =	vst.idx.msk $0xffff, v0  }
0x148: {  	s15 =	sadd.s32 $0x1, s5;
	v0 =	vmul.f32 $8.000000000e+00, v58;
	[tilespmem:v60+s24+$0x0] =	vst.idx.msk $0xffff, v2;
	v60 =	vld [tilespmem:$0x1FFF0]  }
0x149: {  	v50 =	vmov s15;
	s15 =	sadd.s32 $0x4, s5;
	[tilespmem:v49+s24+$0x0] =	vst.idx.msk $0xffff, v45;
	v2 =	vmul.f32 $8.000000000e+00, v61;
	v61 =	vld [tilespmem:$0x1FE20]  }
0x14a: {  	p1 =	slt.u32 s5, $0x78;
	v43 =	vmov s15;
	v63 =	vadd.s32 v25, v35;
	[tilespmem:v54+s24+$0x0] =	vst.idx.msk $0xffff, v0;
	v0 =	vld [tilespmem:$0x1FEF0]  }
.Ltmp4:
0x14b: {  	v50 =	vshrl.u32 v50, $0x3;
	v52 =	vshrl.u32 v52, $0x3;
	v43 =	vshrl.u32 v43, $0x3;
	v56 =	vld [tilespmem:s18+$0xF0];
	(pc) =	sbr.rel @p1 .LBB2_7-.Ltmp4, $4  }
0x14c: {  	v47 =	vshll.u32 v50, v1;
	v55 =	vadd.s32 v29, v33;
	v51 =	vadd.s32 v7, v34;
	v50 =	vld [tilespmem:s18+$0xFFFFFF30]  }
0x14d: {  	v46 =	vshll.u32 v43, v1;
	v43 =	vshll.u32 v59, v1;
	v44 =	vshll.u32 v52, v1;
	v52 =	vld [tilespmem:s18+$0xFFFFFF70]  }
0x14e: {  	v45 =	vshll.u32 v57, v1;
	v49 =	vld [tilespmem:s18+$0xFFFFFFB0];
	v53 =	vadd.s32 v60, v40;
	v48 =	vadd.s32 v61, v39  }
0x14f: {  	s14 =	sadd.s32 $0x7, s5;
	s5 =	sadd.s32 $0x8, s5;
	v54 =	vld [tilespmem:s18+$0xFFFFFFF0];
	[tilespmem:v63+s24+$0x0] =	vst.idx.msk $0xffff, v2;
	v39 =	vmul.f32 $8.000000000e+00, v62;
	v40 =	vmul.f32 $8.000000000e+00, v3;
	v41 =	vadd.s32 v0, v41  }
0x150: {  	_ =	sdelay $0x3  }
0x151: {  	v0 =	vmov s14;
	v2 =	vadd.s32 v9, v37;
	v3 =	vld [tilespmem:s18+$0x30];
	v61 =	vmul.f32 $8.000000000e+00, v56;
	[tilespmem:v55+s24+$0x0] =	vst.idx.msk $0xffff, v39  }
0x152: {  	v36 =	vadd.s32 v27, v36;
	v0 =	vshrl.u32 v0, $0x3;
	v62 =	vmul.f32 $8.000000000e+00, v50;
	[tilespmem:v51+s24+$0x0] =	vst.idx.msk $0xffff, v40;
	v50 =	vld [tilespmem:s18+$0x70]  }
0x153: {  	v35 =	vadd.s32 v6, v35;
	s5 =	sadd.s32 $0x200, s18;
	v0 =	vshll.u32 v0, v1;
	v63 =	vmul.f32 $8.000000000e+00, v52;
	v51 =	vld [tilespmem:s18+$0xB0];
	[tilespmem:v53+s24+$0x0] =	vst.idx.msk $0xffff, v61  }
0x154: {  	v33 =	vadd.s32 v31, v33;
	v37 =	vld [tilespmem:s5+$0xC0];
	v0 =	vbroadcast v0, $0x0;
	[tilespmem:v48+s24+$0x0] =	vst.idx.msk $0xffff, v62;
	v52 =	vmul.f32 $8.000000000e+00, v49  }
0x155: {  	v42 =	vshll.u32 v42, v1;
	v34 =	vadd.s32 v17, v34;
	v48 =	vld [tilespmem:s5+$0xFFFFFF00];
	[tilespmem:v41+s24+$0x0] =	vst.idx.msk $0xffff, v63;
	v53 =	vmul.f32 $8.000000000e+00, v54  }
0x156: {  	v47 =	vbroadcast v47, $0x0;
	v41 =	vld [tilespmem:s5+$0xFFFFFF40];
	v49 =	vadd.s32 v15, v0;
	[tilespmem:v2+s24+$0x0] =	vst.idx.msk $0xffff, v52;
	v2 =	vmul.f32 $8.000000000e+00, v3  }
0x157: {  	v44 =	vbroadcast v44, $0x0;
	v61 =	vld [tilespmem:s5+$0xFFFFFF80];
	v3 =	vadd.s32 v8, v38;
	[tilespmem:v36+s24+$0x0] =	vst.idx.msk $0xffff, v53;
	v63 =	vmul.f32 $8.000000000e+00, v50  }
0x158: {  	v45 =	vbroadcast v45, $0x0;
	v40 =	vadd.s32 v12, v47;
	v50 =	vld [tilespmem:s5+$0xFFFFFFC0];
	[tilespmem:v35+s24+$0x0] =	vst.idx.msk $0xffff, v2;
	v2 =	vmul.f32 $8.000000000e+00, v51  }
0x159: {  	v46 =	vbroadcast v46, $0x0;
	v55 =	vld [tilespmem:s5+$0x0];
	v54 =	vadd.s32 v16, v44;
	v37 =	vmul.f32 $8.000000000e+00, v37;
	[tilespmem:v33+s24+$0x0] =	vst.idx.msk $0xffff, v63  }
0x15a: {  	v43 =	vbroadcast v43, $0x0;
	v36 =	vadd.s32 v24, v45;
	v62 =	vmul.f32 $8.000000000e+00, v48;
	v48 =	vld [tilespmem:s5+$0x40];
	[tilespmem:v34+s24+$0x0] =	vst.idx.msk $0xffff, v2  }
0x15b: {  	v42 =	vbroadcast v42, $0x0;
	v2 =	vmul.f32 $8.000000000e+00, v41;
	v34 =	vadd.s32 v28, v46;
	v41 =	vld [tilespmem:s5+$0x80];
	[tilespmem:v49+s24+$0x0] =	vst.idx.msk $0xffff, v37  }
0x15c: {  	v63 =	vadd.s32 v32, v43;
	[tilespmem:v3+s24+$0x0] =	vst.idx.msk $0xffff, v62;
	v3 =	vmul.f32 $8.000000000e+00, v61;
	v37 =	vld [tilespmem:s5+$0xD0]  }
0x15d: {  	v61 =	vld [tilespmem:s5+$0xFFFFFF10];
	[tilespmem:v40+s24+$0x0] =	vst.idx.msk $0xffff, v2;
	v40 =	vadd.s32 v19, v42;
	v2 =	vmul.f32 $8.000000000e+00, v50  }
0x15e: {  	v35 =	vadd.s32 v5, v0;
	v62 =	vld [tilespmem:s5+$0xFFFFFF50];
	[tilespmem:v54+s24+$0x0] =	vst.idx.msk $0xffff, v3;
	v3 =	vmul.f32 $8.000000000e+00, v55  }
0x15f: {  	v50 =	vadd.s32 v10, v38;
	v51 =	vld [tilespmem:s5+$0xFFFFFF90];
	[tilespmem:v36+s24+$0x0] =	vst.idx.msk $0xffff, v2;
	v2 =	vmul.f32 $8.000000000e+00, v48  }
0x160: {  	v36 =	vadd.s32 v14, v47;
	[tilespmem:v34+s24+$0x0] =	vst.idx.msk $0xffff, v3;
	v3 =	vmul.f32 $8.000000000e+00, v41;
	v48 =	vld [tilespmem:s5+$0xFFFFFFD0]  }
0x161: {  	v34 =	vadd.s32 v18, v44;
	v41 =	vld [tilespmem:s5+$0x10];
	[tilespmem:v63+s24+$0x0] =	vst.idx.msk $0xffff, v2;
	v2 =	vmul.f32 $8.000000000e+00, v37  }
0x162: {  	v63 =	vmul.f32 $8.000000000e+00, v61;
	v37 =	vadd.s32 v22, v45;
	[tilespmem:v40+s24+$0x0] =	vst.idx.msk $0xffff, v3;
	v61 =	vld [tilespmem:s5+$0x50]  }
0x163: {  	v40 =	vadd.s32 v26, v46;
	v3 =	vmul.f32 $8.000000000e+00, v62;
	v62 =	vld [tilespmem:s5+$0x90];
	[tilespmem:v35+s24+$0x0] =	vst.idx.msk $0xffff, v2  }
0x164: {  	[tilespmem:v50+s24+$0x0] =	vst.idx.msk $0xffff, v63;
	v2 =	vmul.f32 $8.000000000e+00, v51;
	v63 =	vadd.s32 v30, v43;
	v35 =	vld [tilespmem:s5+$0xE0]  }
0x165: {  	v50 =	vld [tilespmem:s5+$0xFFFFFF20];
	[tilespmem:v36+s24+$0x0] =	vst.idx.msk $0xffff, v3;
	v36 =	vadd.s32 v4, v42;
	v3 =	vmul.f32 $8.000000000e+00, v48  }
0x166: {  	v48 =	vld [tilespmem:s5+$0xFFFFFF60];
	[tilespmem:v34+s24+$0x0] =	vst.idx.msk $0xffff, v2;
	v2 =	vmul.f32 $8.000000000e+00, v41;
	v34 =	vadd.s32 v23, v0  }
0x167: {  	v41 =	vadd.s32 v11, v38;
	v51 =	vld [tilespmem:s5+$0xFFFFFFA0];
	[tilespmem:v37+s24+$0x0] =	vst.idx.msk $0xffff, v3;
	v3 =	vmul.f32 $8.000000000e+00, v61  }
0x168: {  	v37 =	vadd.s32 v13, v47;
	[tilespmem:v40+s24+$0x0] =	vst.idx.msk $0xffff, v2;
	v2 =	vmul.f32 $8.000000000e+00, v62  }
0x169: {  	v40 =	vadd.s32 v20, v44;
	[tilespmem:v63+s24+$0x0] =	vst.idx.msk $0xffff, v3;
	v3 =	vmul.f32 $8.000000000e+00, v35  }
0x16a: {  	v62 =	vmul.f32 $8.000000000e+00, v50;
	[tilespmem:v36+s24+$0x0] =	vst.idx.msk $0xffff, v2  }
0x16b: {  	v2 =	vmul.f32 $8.000000000e+00, v48;
	[tilespmem:v34+s24+$0x0] =	vst.idx.msk $0xffff, v3  }
0x16c: {  	[tilespmem:v41+s24+$0x0] =	vst.idx.msk $0xffff, v62;
	v3 =	vmul.f32 $8.000000000e+00, v51  }
0x16d: {  	[tilespmem:v37+s24+$0x0] =	vst.idx.msk $0xffff, v2  }
0x16e: {  	[tilespmem:v40+s24+$0x0] =	vst.idx.msk $0xffff, v3  }
0x16f: {  	v5 =	vld [tilespmem:$0x1FFF0];
	_ =	sdelay $0x1  }
0x170: {  	v61 =	vld [tilespmem:s5+$0xFFFFFFE0];
	_ =	sdelay $0x1  }
0x171: {  	v35 =	vadd.s32 v21, v45  }
0x172: {  	v0 =	vadd.s32 v5, v0;
	v5 =	vld [tilespmem:$0x1FE20];
	_ =	sdelay $0x1  }
0x173: {  	v49 =	vld [tilespmem:s5+$0x20];
	v2 =	vmul.f32 $8.000000000e+00, v61  }
0x174: {  	v63 =	vld [tilespmem:s5+$0x60]  }
0x175: {  	v55 =	vmovc v22;
	v22 =	vmovc v26;
	v26 =	vmov v30;
	v30 =	vmov v4;
	v4 =	vmov v7;
	v48 =	vld [tilespmem:s5+$0xA0];
	[tilespmem:v35+s24+$0x0] =	vst.idx.msk $0xffff, v2  }
0x176: {  	v36 =	vadd.s32 v25, v46;
	v61 =	vadd.s32 v7, v42;
	v7 =	vmovc v5;
	v38 =	vadd.s32 v5, v38;
	v5 =	vld [tilespmem:$0x1FEF0]  }
0x177: {  	v51 =	vadd.s32 v29, v43;
	v34 =	vld [tilespmem:s5+$0xF0]  }
0x178: {  	v41 =	vld [tilespmem:s5+$0xFFFFFF30]  }
0x179: {  	v62 =	vld [tilespmem:s5+$0xFFFFFF70];
	v3 =	vmul.f32 $8.000000000e+00, v49  }
0x17a: {  	v40 =	vld [tilespmem:s5+$0xFFFFFFB0];
	v2 =	vmul.f32 $8.000000000e+00, v63  }
0x17b: {  	v63 =	vld [tilespmem:s5+$0xFFFFFFF0];
	[tilespmem:v36+s24+$0x0] =	vst.idx.msk $0xffff, v3;
	v3 =	vmul.f32 $8.000000000e+00, v48;
	v35 =	vadd.s32 v5, v47  }
0x17c: {  	v36 =	vadd.s32 v9, v44;
	[tilespmem:v51+s24+$0x0] =	vst.idx.msk $0xffff, v2;
	v2 =	vmul.f32 $8.000000000e+00, v34;
	v48 =	vld [tilespmem:s5+$0x30]  }
0x17d: {  	v50 =	vadd.s32 v27, v45;
	v49 =	vmul.f32 $8.000000000e+00, v41;
	v51 =	vld [tilespmem:s5+$0x70];
	[tilespmem:v61+s24+$0x0] =	vst.idx.msk $0xffff, v3  }
0x17e: {  	v3 =	vmul.f32 $8.000000000e+00, v62;
	v61 =	vadd.s32 v6, v46;
	[tilespmem:v0+s24+$0x0] =	vst.idx.msk $0xffff, v2;
	v62 =	vld [tilespmem:s5+$0xB0]  }
0x17f: {  	v0 =	vmul.f32 $8.000000000e+00, v40;
	v2 =	vadd.s32 v31, v43;
	[tilespmem:v38+s24+$0x0] =	vst.idx.msk $0xffff, v49  }
0x180: {  	[tilespmem:v35+s24+$0x0] =	vst.idx.msk $0xffff, v3;
	v3 =	vmul.f32 $8.000000000e+00, v63;
	v63 =	vadd.s32 v17, v42  }
0x181: {  	[tilespmem:v36+s24+$0x0] =	vst.idx.msk $0xffff, v0;
	v0 =	vmul.f32 $8.000000000e+00, v48  }
0x182: {  	[tilespmem:v50+s24+$0x0] =	vst.idx.msk $0xffff, v3;
	v3 =	vmul.f32 $8.000000000e+00, v51  }
0x183: {  	s18 =	sadd.s32 s7, s16;
	[tilespmem:v61+s24+$0x0] =	vst.idx.msk $0xffff, v0;
	v0 =	vmul.f32 $8.000000000e+00, v62  }
0x184: {  	s5 =	sshrl.u32 s18, $0x3;
	[tilespmem:v2+s24+$0x0] =	vst.idx.msk $0xffff, v3  }
0x185: {  	s19 =	simm.s32 $0x12600;
	s18 =	sadd.s32 s2, s5;
	[tilespmem:v63+s24+$0x0] =	vst.idx.msk $0xffff, v0  }
0x186: {  	[hbm4b:s18+s3] =	stream.linear.scatter [tilespmem:s19], [sflag:$0x7], $0x80, $0x38;
	[tilespmem:$0x1AE00] =	vst v63  }
0x187: {  	s14 =	simm.s32 $0x12688;
	s15 =	sadd.s32 $0x10, s18  }
0x188: {  	[hbm4b:s15+s3] =	stream.linear.scatter [tilespmem:s14], [sflag:$0x7], $0x80, $0x38;
	[tilespmem:$0x1AE00] =	vst v63  }
0x189: {  	s17 =	simm.s32 $0x12710;
	s19 =	sadd.s32 $0x20, s18  }
0x18a: {  	[hbm4b:s19+s3] =	stream.linear.scatter [tilespmem:s17], [sflag:$0x7], $0x80, $0x38;
	[tilespmem:$0x1AE00] =	vst v63  }
0x18b: {  	s14 =	simm.s32 $0x12798;
	s15 =	sadd.s32 $0x30, s18  }
0x18c: {  	[hbm4b:s15+s3] =	stream.linear.scatter [tilespmem:s14], [sflag:$0x7], $0x80, $0x38;
	[tilespmem:$0x1AE00] =	vst v63  }
0x18d: {  	s17 =	simm.s32 $0x12820;
	s19 =	sadd.s32 $0x40, s18  }
0x18e: {  	[hbm4b:s19+s3] =	stream.linear.scatter [tilespmem:s17], [sflag:$0x7], $0x80, $0x38;
	[tilespmem:$0x1AE00] =	vst v63  }
0x18f: {  	s5 =	simm.s32 $0x440;
	s14 =	simm.s32 $0x128A8;
	s15 =	sadd.s32 $0x50, s18  }
0x190: {  	v60 =	vmovc v15;
	v56 =	vmov v8;
	v57 =	vmov v12;
	v58 =	vmov v16;
	[hbm4b:s15+s3] =	stream.linear.scatter [tilespmem:s14], [sflag:$0x7], $0x80, $0x38;
	[tilespmem:$0x1AE00] =	vst v63  }
0x191: {  	v59 =	vmovc v24;
	v12 =	vmovc v13;
	v16 =	vmov v20;
	v24 =	vmov v28;
	v52 =	vmov v10;
	s17 =	simm.s32 $0x12930;
	s19 =	sadd.s32 $0x60, s18;
	s14 =	simm.s32 $0x2200  }
0x192: {  	v53 =	vmovc v14;
	v28 =	vmovc v32;
	v32 =	vmov v19;
	v54 =	vmov v18;
	v10 =	vmov v11;
	[hbm4b:s19+s3] =	stream.linear.scatter [tilespmem:s17], [sflag:$0x7], $0x80, $0x38;
	[tilespmem:$0x1AE00] =	vst v63  }
0x193: {  	v18 =	vmovc v21;
	v13 =	vmovc v23;
	v21 =	vmov v25;
	v25 =	vmov v29;
	v14 =	vmov v5;
	s15 =	simm.s32 $0x129B8;
	s17 =	sadd.s32 $0x70, s18;
	s18 =	sadd.s32 $0x1000, s18  }
.LBB2_9:
0x194: {  	[hbm4b:s17+s3] =	stream.linear.scatter [tilespmem:s15], [sflag:$0x7], $0x80, $0x38;
	[tilespmem:$0x1AE00] =	vst v63  }
0x195: {  	s15 =	smov.u32 s5;
	s5 =	smov.u32 s14  }
0x196: {  	s19 =	sadd.s32 $0x1100, s14;
	s5 =	sshra.s32 s5, $0x2;
	s17 =	sadd.s32 $0x12600, s15  }
0x197: {  	[hbm4b:s18+s3] =	stream.linear.scatter [tilespmem:s17], [sflag:$0x7], $0x80, $0x38;
	[tilespmem:$0x1AE00] =	vst v63  }
0x198: {  	p1 =	sne.s32 s14, $0x7700;
	s14 =	sadd.s32 $0x12688, s15;
	s17 =	sadd.s32 $0x10, s18  }
0x199: {  	[hbm4b:s17+s3] =	stream.linear.scatter [tilespmem:s14], [sflag:$0x7], $0x80, $0x38;
	[tilespmem:$0x1AE00] =	vst v63  }
0x19a: {  	s14 =	sadd.s32 $0x12710, s15;
	s17 =	sadd.s32 $0x20, s18  }
0x19b: {  	[hbm4b:s17+s3] =	stream.linear.scatter [tilespmem:s14], [sflag:$0x7], $0x80, $0x38;
	[tilespmem:$0x1AE00] =	vst v63  }
0x19c: {  	s14 =	sadd.s32 $0x12798, s15;
	s17 =	sadd.s32 $0x30, s18  }
0x19d: {  	[hbm4b:s17+s3] =	stream.linear.scatter [tilespmem:s14], [sflag:$0x7], $0x80, $0x38;
	[tilespmem:$0x1AE00] =	vst v63  }
0x19e: {  	s14 =	sadd.s32 $0x12820, s15;
	s17 =	sadd.s32 $0x40, s18  }
0x19f: {  	[hbm4b:s17+s3] =	stream.linear.scatter [tilespmem:s14], [sflag:$0x7], $0x80, $0x38;
	[tilespmem:$0x1AE00] =	vst v63  }
.Ltmp5:
0x1a0: {  	s14 =	sadd.s32 $0x128A8, s15;
	s17 =	sadd.s32 $0x50, s18;
	(pc) =	sbr.rel @p1 .LBB2_9-.Ltmp5, $4  }
0x1a1: {  	[hbm4b:s17+s3] =	stream.linear.scatter [tilespmem:s14], [sflag:$0x7], $0x80, $0x38;
	[tilespmem:$0x1AE00] =	vst v63  }
0x1a2: {  	s14 =	sadd.s32 $0x12930, s15;
	s17 =	sadd.s32 $0x60, s18;
	s15 =	sadd.s32 $0x129B8, s15  }
0x1a3: {  	[hbm4b:s17+s3] =	stream.linear.scatter [tilespmem:s14], [sflag:$0x7], $0x80, $0x38;
	[tilespmem:$0x1AE00] =	vst v63  }
0x1a4: {  	s17 =	sadd.s32 $0x70, s18;
	s18 =	sadd.s32 $0x1000, s18;
	s14 =	smov.u32 s19  }
0x1a5: {  	[hbm4b:s17+s3] =	stream.linear.scatter [tilespmem:s15], [sflag:$0x7], $0x80, $0x38;
	[tilespmem:$0x1AE00] =	vst v63  }
0x1a6: {  	s14 =	sadd.s32 $0x12600, s5  }
0x1a7: {  	[hbm4b:s18+s3] =	stream.linear.scatter [tilespmem:s14], [sflag:$0x7], $0x80, $0x38;
	[tilespmem:$0x1AE00] =	vst v63  }
0x1a8: {  	s17 =	sadd.s32 $0x12688, s5;
	s19 =	sadd.s32 $0x10, s18  }
0x1a9: {  	[hbm4b:s19+s3] =	stream.linear.scatter [tilespmem:s17], [sflag:$0x7], $0x80, $0x38;
	[tilespmem:$0x1AE00] =	vst v63  }
0x1aa: {  	s17 =	sadd.s32 $0x12710, s5;
	s19 =	sadd.s32 $0x20, s18  }
0x1ab: {  	[hbm4b:s19+s3] =	stream.linear.scatter [tilespmem:s17], [sflag:$0x7], $0x80, $0x38;
	[tilespmem:$0x1AE00] =	vst v63  }
0x1ac: {  	s17 =	sadd.s32 $0x12798, s5;
	s19 =	sadd.s32 $0x30, s18  }
0x1ad: {  	[hbm4b:s19+s3] =	stream.linear.scatter [tilespmem:s17], [sflag:$0x7], $0x80, $0x38;
	[tilespmem:$0x1AE00] =	vst v63  }
0x1ae: {  	s17 =	sadd.s32 $0x12820, s5;
	s19 =	sadd.s32 $0x40, s18  }
0x1af: {  	[hbm4b:s19+s3] =	stream.linear.scatter [tilespmem:s17], [sflag:$0x7], $0x80, $0x38;
	[tilespmem:$0x1AE00] =	vst v63  }
0x1b0: {  	p1 =	sne.s32 s10, $0x27;
	s17 =	sadd.s32 $0x128A8, s5;
	s19 =	sadd.s32 $0x50, s18  }
0x1b1: {  	[hbm4b:s19+s3] =	stream.linear.scatter [tilespmem:s17], [sflag:$0x7], $0x80, $0x38;
	[tilespmem:$0x1AE00] =	vst v63  }
.Ltmp6:
0x1b2: {  	_ = 	snop;
	(pc) =	sbr.rel @p1 .LBB2_12-.Ltmp6, $4  }
0x1b3: {  	s17 =	sadd.s32 $0x12930, s5;
	s19 =	sadd.s32 $0x60, s18  }
0x1b4: {  	[hbm4b:s19+s3] =	stream.linear.scatter [tilespmem:s17], [sflag:$0x7], $0x80, $0x38;
	[tilespmem:$0x1AE00] =	vst v63  }
0x1b5: {  	s17 =	sadd.s32 $0x129B8, s5;
	s19 =	sadd.s32 $0x70, s18  }
0x1b6: {  	[hbm4b:s19+s3] =	stream.linear.scatter [tilespmem:s17], [sflag:$0x7], $0x80, $0x38;
	[tilespmem:$0x1AE00] =	vst v63  }
.Ltmp7:
0x1b7: {  	(pc) =	sbr.rel .LBB2_13-.Ltmp7, $4  }
0x1b8: {  	_ = 	snop  }
0x1b9: {  	_ =	swait.ge [sflag:s25], $0x2000;
	v6 =	vmov v52;
	v23 =	vmov v53;
	v15 =	vmov v54  }
0x1ba: {  	v17 =	vmovc v18;
	v19 =	vmovc v55;
	v18 =	vmov v21;
	v21 =	vmov v25;
	v8 =	vmov v56;
	[sflag:s25] =	ssyncset.done $0x0  }
0x1bb: {  	v9 =	vmovc v7;
	v7 =	vmovc v57;
	v5 =	vmov v58;
	v20 =	vmov v59;
	v25 =	vmov v24;
	v27 =	vld [tilespmem:$0x1FFF0];
	[sflag:s25] =	ssyncadd.s32 $0xFFFFE000  }
.LBB2_12:
0x1bc: {  	s5 =	smul.u32 $0xA00, s10;
	_ =	sdelay $0x1  }
0x1bd: {  	s5 =	sshra.s32 s5, $0x2  }
.Ltmp8:
0x1be: {  	s14 =	simm.s32 $0x6400;
	s5 =	sadd.s32 $0x280, s5;
	(pc) =	sbr.rel @p0 .LBB2_14-.Ltmp8, $4  }
0x1bf: {  	[tilespmem:s14], [sflag:$0x1] =	stream.indirect.gather [hbm4b:s4+s11], $0x40, s5, s11, $0xb8;
	[tilespmem:$0x1AE00] =	vst v63  }
0x1c0: {  	v6 =	vmov v52;
	v23 =	vmov v53;
	v15 =	vmov v54;
	_ =	swait.ge [sflag:s25], $0x2000  }
0x1c1: {  	v17 =	vmovc v18;
	v19 =	vmovc v55;
	v18 =	vmov v21;
	v21 =	vmov v25;
	v8 =	vmov v56;
	[sflag:s25] =	ssyncset.done $0x0  }
0x1c2: {  	v9 =	vmovc v7;
	v7 =	vmovc v57;
	v5 =	vmov v58;
	v20 =	vmov v59;
	v25 =	vmov v24;
	v27 =	vld [tilespmem:$0x1FFF0];
	[sflag:s25] =	ssyncadd.s32 $0xFFFFE000  }
.LBB2_13:
0x1c3: {  	_ =	swait.ge [sflag:s26], $0x2000  }
0x1c4: {  	[sflag:s26] =	ssyncset.done $0x0  }
0x1c5: {  	[sflag:s26] =	ssyncadd.s32 $0xFFFFE000  }
.LBB2_14:
0x1c6: {  	s5 =	simm.s32 $0x0;
	s19 =	simm.s32 $0x1;
	s14 =	simm.s32 $0x2  }
0x1c7: {  	s15 =	simm.s32 $0x3;
	v0 =	vmov s5;
	v2 =	vmov s19;
	v3 =	vmov s14;
	s14 =	simm.s32 $0x7  }
0x1c8: {  	s18 =	simm.s32 $0x5;
	v33 =	vmov s15;
	v0 =	vshrl.u32 v0, $0x3;
	v37 =	vmov s14  }
0x1c9: {  	v35 =	vmov s18;
	s18 =	simm.s32 $0xA500;
	v0 =	vshll.u32 v0, v1;
	v37 =	vshrl.u32 v37, $0x3  }
0x1ca: {  	v2 =	vshrl.u32 v2, $0x3;
	v38 =	vld [tilespmem:s18+$0xFFFFFF00];
	v37 =	vshll.u32 v37, v1;
	v39 =	vbroadcast v0, $0x0  }
0x1cb: {  	v3 =	vshrl.u32 v3, $0x3;
	v2 =	vshll.u32 v2, v1;
	v0 =	vld [tilespmem:s18+$0xC0];
	v41 =	vbroadcast v37, $0x0  }
0x1cc: {  	s17 =	simm.s32 $0x4;
	v42 =	vld [tilespmem:s18+$0xFFFFFF40];
	v3 =	vshll.u32 v3, v1;
	v24 =	vbroadcast v2, $0x0;
	v44 =	vadd.s32 v8, v39  }
0x1cd: {  	s19 =	simm.s32 $0x6;
	v34 =	vmov s17;
	v45 =	vld [tilespmem:s18+$0xFFFFFF80];
	v37 =	vbroadcast v3, $0x0;
	v2 =	vadd.s32 v60, v41  }
0x1ce: {  	v36 =	vmov s19;
	v33 =	vshrl.u32 v33, $0x3;
	v46 =	vadd.s32 v7, v24  }
0x1cf: {  	v35 =	vshrl.u32 v35, $0x3;
	v48 =	vadd.s32 v5, v37;
	v38 =	vmul.f32 $8.000000000e+00, v38  }
0x1d0: {  	v36 =	vshrl.u32 v36, $0x3;
	v33 =	vshll.u32 v33, v1;
	v0 =	vmul.f32 $8.000000000e+00, v0  }
0x1d1: {  	v47 =	vld [tilespmem:s18+$0xFFFFFFC0];
	v3 =	vshll.u32 v36, v1;
	v36 =	vbroadcast v33, $0x0;
	v42 =	vmul.f32 $8.000000000e+00, v42;
	[tilespmem:v44+s28+$0x0] =	vst.idx.msk $0xffff, v38  }
0x1d2: {  	v34 =	vshrl.u32 v34, $0x3;
	v49 =	vld [tilespmem:s18+$0x0];
	v43 =	vshll.u32 v35, v1;
	[tilespmem:v2+s28+$0x0] =	vst.idx.msk $0xffff, v0;
	v2 =	vmul.f32 $8.000000000e+00, v45  }
0x1d3: {  	v51 =	vld [tilespmem:s18+$0x40];
	v34 =	vshll.u32 v34, v1;
	v33 =	vbroadcast v43, $0x0;
	v50 =	vadd.s32 v20, v36;
	[tilespmem:v46+s28+$0x0] =	vst.idx.msk $0xffff, v42  }
0x1d4: {  	v35 =	vbroadcast v34, $0x0;
	v44 =	vld [tilespmem:s18+$0xFFFFFF10];
	[tilespmem:v48+s28+$0x0] =	vst.idx.msk $0xffff, v2  }
0x1d5: {  	v34 =	vbroadcast v3, $0x0;
	v3 =	vadd.s32 v28, v33;
	v11 =	vld [tilespmem:$0x1FFD0]  }
0x1d6: {  	v29 =	vmov v60;
	v52 =	vld [tilespmem:s18+$0x80];
	v59 =	vadd.s32 v25, v35;
	v60 =	vmul.f32 $8.000000000e+00, v47  }
0x1d7: {  	v53 =	vadd.s32 v6, v39;
	v61 =	vld [tilespmem:s18+$0xFFFFFF50]  }
0x1d8: {  	v62 =	vmul.f32 $8.000000000e+00, v51;
	v45 =	vadd.s32 v32, v34;
	v38 =	vld [tilespmem:s18+$0xD0];
	[tilespmem:v50+s28+$0x0] =	vst.idx.msk $0xffff, v60  }
0x1d9: {  	s17 =	simm.s32 $0x9;
	v63 =	vadd.s32 v23, v24;
	v51 =	vadd.s32 v30, v34;
	v2 =	vmul.f32 $8.000000000e+00, v49;
	v55 =	vld [tilespmem:s18+$0xFFFFFFD0]  }
0x1da: {  	v31 =	vmovc v32;
	v46 =	vmov s17;
	v54 =	vld [tilespmem:s18+$0xFFFFFF90];
	[tilespmem:v3+s28+$0x0] =	vst.idx.msk $0xffff, v62;
	v32 =	vmul.f32 $8.000000000e+00, v44;
	v48 =	vadd.s32 v11, v41  }
0x1db: {  	s15 =	simm.s32 $0x8;
	v42 =	vadd.s32 v26, v33;
	v60 =	vadd.s32 v19, v36;
	[tilespmem:v59+s28+$0x0] =	vst.idx.msk $0xffff, v2;
	v2 =	vmul.f32 $8.000000000e+00, v52;
	v57 =	vld [tilespmem:s18+$0x50]  }
0x1dc: {  	s19 =	simm.s32 $0xA;
	v0 =	vmov s15;
	v52 =	vadd.s32 v15, v37;
	v56 =	vld [tilespmem:s18+$0x10];
	v61 =	vmul.f32 $8.000000000e+00, v61;
	[tilespmem:v53+s28+$0x0] =	vst.idx.msk $0xffff, v32  }
0x1dd: {  	s14 =	simm.s32 $0xB;
	v0 =	vshrl.u32 v0, $0x3;
	v49 =	vmov s19;
	v3 =	vmul.f32 $8.000000000e+00, v38;
	[tilespmem:v45+s28+$0x0] =	vst.idx.msk $0xffff, v2;
	v53 =	vld [tilespmem:s18+$0xFFFFFF20]  }
0x1de: {  	v50 =	vmov s14;
	v62 =	vadd.s32 v22, v35;
	v58 =	vld [tilespmem:s18+$0x90];
	[tilespmem:v63+s28+$0x0] =	vst.idx.msk $0xffff, v61;
	v63 =	vmul.f32 $8.000000000e+00, v55  }
0x1df: {  	s17 =	simm.s32 $0xD;
	v59 =	vshrl.u32 v50, $0x3;
	v50 =	vadd.s32 v10, v39;
	[tilespmem:v48+s28+$0x0] =	vst.idx.msk $0xffff, v3;
	v3 =	vmul.f32 $8.000000000e+00, v54;
	v54 =	vld [tilespmem:s18+$0xFFFFFF60]  }
0x1e0: {  	s19 =	simm.s32 $0xE;
	v0 =	vshll.u32 v0, v1;
	v38 =	vmov s17;
	v44 =	vmul.f32 $8.000000000e+00, v57;
	[tilespmem:v60+s28+$0x0] =	vst.idx.msk $0xffff, v63;
	v48 =	vld [tilespmem:s18+$0xE0]  }
0x1e1: {  	v2 =	vmov s19;
	v45 =	vadd.s32 v12, v24;
	v57 =	vld [tilespmem:s18+$0xFFFFFFE0];
	[tilespmem:v52+s28+$0x0] =	vst.idx.msk $0xffff, v3;
	v3 =	vmul.f32 $8.000000000e+00, v56  }
0x1e2: {  	[tilespmem:v42+s28+$0x0] =	vst.idx.msk $0xffff, v44;
	v42 =	vshrl.u32 v2, $0x3;
	v2 =	vmul.f32 $8.000000000e+00, v53;
	v52 =	vadd.s32 v13, v41;
	v55 =	vld [tilespmem:s18+$0xFFFFFFA0]  }
0x1e3: {  	v32 =	vadd.s32 v16, v37;
	[tilespmem:v62+s28+$0x0] =	vst.idx.msk $0xffff, v3;
	v3 =	vmul.f32 $8.000000000e+00, v58;
	v62 =	vadd.s32 v17, v36  }
0x1e4: {  	[tilespmem:v50+s28+$0x0] =	vst.idx.msk $0xffff, v2;
	v58 =	vshrl.u32 v38, $0x3;
	v38 =	vbroadcast v0, $0x0;
	v61 =	vld [tilespmem:s18+$0x20];
	v0 =	vmul.f32 $8.000000000e+00, v54  }
0x1e5: {  	v63 =	vld [tilespmem:s18+$0x60];
	v56 =	vmul.f32 $8.000000000e+00, v48;
	[tilespmem:v51+s28+$0x0] =	vst.idx.msk $0xffff, v3  }
0x1e6: {  	v50 =	vld [tilespmem:s18+$0xFFFFFF30];
	v3 =	vadd.s32 v18, v35;
	[tilespmem:v45+s28+$0x0] =	vst.idx.msk $0xffff, v0;
	v0 =	vmul.f32 $8.000000000e+00, v57  }
0x1e7: {  	s15 =	simm.s32 $0xC;
	v46 =	vshrl.u32 v46, $0x3;
	v40 =	vld [tilespmem:s18+$0xA0];
	[tilespmem:v52+s28+$0x0] =	vst.idx.msk $0xffff, v56;
	v2 =	vmul.f32 $8.000000000e+00, v55  }
0x1e8: {  	v43 =	vmov s15;
	v47 =	vshll.u32 v46, v1;
	v52 =	vld [tilespmem:s18+$0xFFFFFF70];
	[tilespmem:v62+s28+$0x0] =	vst.idx.msk $0xffff, v0  }
0x1e9: {  	v43 =	vshrl.u32 v43, $0x3;
	v49 =	vshrl.u32 v49, $0x3;
	v56 =	vld [tilespmem:s18+$0xF0];
	[tilespmem:v32+s28+$0x0] =	vst.idx.msk $0xffff, v2;
	v2 =	vmul.f32 $8.000000000e+00, v61  }
0x1ea: {  	v46 =	vshll.u32 v43, v1;
	v44 =	vshll.u32 v49, v1;
	v53 =	vadd.s32 v27, v41;
	v54 =	vld [tilespmem:s18+$0xFFFFFFF0]  }
0x1eb: {  	v27 =	vmovc v22;
	v41 =	vadd.s32 v14, v24;
	v24 =	vmov v30;
	v30 =	vmov v31;
	v49 =	vld [tilespmem:s18+$0xFFFFFFB0];
	[tilespmem:v3+s28+$0x0] =	vst.idx.msk $0xffff, v2  }
0x1ec: {  	v43 =	vshll.u32 v58, v1;
	v51 =	vadd.s32 v4, v34;
	v48 =	vadd.s32 v9, v39;
	v0 =	vmovc v20;
	v31 =	vld [tilespmem:$0x1FE40]  }
0x1ed: {  	v22 =	vmovc v25;
	v14 =	vmovc v5;
	v39 =	vmul.f32 $8.000000000e+00, v63;
	v45 =	vshll.u32 v59, v1;
	v55 =	vadd.s32 v21, v33;
	v11 =	vld [tilespmem:$0x1FE70]  }
0x1ee: {  	v32 =	vmovc v29;
	v29 =	vmovc v18;
	v20 =	vmov v17;
	v40 =	vmul.f32 $8.000000000e+00, v40;
	v3 =	vmov v13;
	v25 =	vld [tilespmem:$0x1FE80]  }
0x1ef: {  	v13 =	vmovc v26;
	v26 =	vmovc v28;
	v18 =	vmov v0;
	v9 =	vld [tilespmem:$0x1FE90];
	v2 =	vmov v7;
	v0 =	vmov v10  }
0x1f0: {  	s5 =	simm.s32 $0x10;
	s14 =	simm.s32 $0xF;
	v17 =	vld [tilespmem:$0x1FEA0];
	v28 =	vmovc v3;
	v7 =	vmovc v6;
	v6 =	vmov v8;
	v10 =	vmov v2;
	v8 =	vmov v0  }
.LBB2_15:
0x1f1: {  	_ = 	snop  }
0x1f2: {  	v0 =	vmov s14;
	v3 =	vld [tilespmem:s18+$0x30]  }
0x1f3: {  	v2 =	vadd.s32 v31, v37;
	v36 =	vadd.s32 v11, v36;
	v4 =	vld [tilespmem:$0x1FFD0];
	[tilespmem:v55+s28+$0x0] =	vst.idx.msk $0xffff, v39;
	v63 =	vmul.f32 $8.000000000e+00, v56  }
0x1f4: {  	v35 =	vadd.s32 v25, v35;
	v0 =	vshrl.u32 v0, $0x3;
	[tilespmem:v51+s28+$0x0] =	vst.idx.msk $0xffff, v40;
	v57 =	vld [tilespmem:s18+$0x70];
	v56 =	vmul.f32 $8.000000000e+00, v50  }
0x1f5: {  	v33 =	vadd.s32 v9, v33;
	v0 =	vshll.u32 v0, v1;
	v59 =	vld [tilespmem:s18+$0xB0];
	s18 =	sadd.s32 $0x200, s18;
	v58 =	vmul.f32 $8.000000000e+00, v52;
	[tilespmem:v53+s28+$0x0] =	vst.idx.msk $0xffff, v63  }
0x1f6: {  	v42 =	vshll.u32 v42, v1;
	v40 =	vbroadcast v0, $0x0;
	v0 =	vmul.f32 $8.000000000e+00, v49;
	[tilespmem:v48+s28+$0x0] =	vst.idx.msk $0xffff, v56;
	v53 =	vld [tilespmem:s18+$0xC0]  }
0x1f7: {  	v34 =	vadd.s32 v17, v34;
	v39 =	vmov v38;
	v61 =	vmul.f32 $8.000000000e+00, v54;
	[tilespmem:v41+s28+$0x0] =	vst.idx.msk $0xffff, v58;
	v38 =	vld [tilespmem:s18+$0xFFFFFF00]  }
0x1f8: {  	v41 =	vbroadcast v47, $0x0;
	v63 =	vadd.s32 v32, v40;
	[tilespmem:v2+s28+$0x0] =	vst.idx.msk $0xffff, v0;
	v0 =	vmul.f32 $8.000000000e+00, v3;
	v62 =	vld [tilespmem:s18+$0xFFFFFF40]  }
0x1f9: {  	v37 =	vbroadcast v44, $0x0;
	v2 =	vadd.s32 v6, v39;
	[tilespmem:v36+s28+$0x0] =	vst.idx.msk $0xffff, v61;
	v3 =	vld [tilespmem:s18+$0xFFFFFF80];
	v60 =	vmul.f32 $8.000000000e+00, v57  }
0x1fa: {  	v36 =	vbroadcast v45, $0x0;
	v61 =	vld [tilespmem:s18+$0xFFFFFFC0];
	v48 =	vadd.s32 v10, v41;
	[tilespmem:v35+s28+$0x0] =	vst.idx.msk $0xffff, v0;
	v0 =	vmul.f32 $8.000000000e+00, v59  }
0x1fb: {  	v45 =	vadd.s32 v14, v37;
	v35 =	vbroadcast v46, $0x0;
	v51 =	vld [tilespmem:s18+$0x0];
	[tilespmem:v33+s28+$0x0] =	vst.idx.msk $0xffff, v60;
	v56 =	vmul.f32 $8.000000000e+00, v53  }
0x1fc: {  	v44 =	vadd.s32 v18, v36;
	v33 =	vbroadcast v43, $0x0;
	v57 =	vld [tilespmem:s18+$0x40];
	[tilespmem:v34+s28+$0x0] =	vst.idx.msk $0xffff, v0;
	v38 =	vmul.f32 $8.000000000e+00, v38  }
0x1fd: {  	v58 =	vadd.s32 v22, v35;
	v34 =	vbroadcast v42, $0x0;
	v59 =	vld [tilespmem:s18+$0x80];
	v0 =	vmul.f32 $8.000000000e+00, v62;
	[tilespmem:v63+s28+$0x0] =	vst.idx.msk $0xffff, v56  }
0x1fe: {  	[tilespmem:v2+s28+$0x0] =	vst.idx.msk $0xffff, v38;
	v2 =	vmul.f32 $8.000000000e+00, v3;
	v3 =	vadd.s32 v26, v33;
	v63 =	vld [tilespmem:s18+$0xD0]  }
0x1ff: {  	v47 =	vadd.s32 v30, v34;
	[tilespmem:v48+s28+$0x0] =	vst.idx.msk $0xffff, v0;
	v0 =	vmul.f32 $8.000000000e+00, v61;
	v60 =	vld [tilespmem:s18+$0xFFFFFF10]  }
0x200: {  	v61 =	vld [tilespmem:s18+$0xFFFFFF50];
	[tilespmem:v45+s28+$0x0] =	vst.idx.msk $0xffff, v2;
	v2 =	vmul.f32 $8.000000000e+00, v51;
	v45 =	vadd.s32 v4, v40  }
0x201: {  	v62 =	vmov s5;
	v53 =	vadd.s32 v7, v39;
	[tilespmem:v44+s28+$0x0] =	vst.idx.msk $0xffff, v0;
	v0 =	vmul.f32 $8.000000000e+00, v57  }
0x202: {  	v52 =	vadd.s32 v23, v41;
	v42 =	vshrl.u32 v62, $0x3;
	v62 =	vld [tilespmem:s18+$0xFFFFFF90];
	[tilespmem:v58+s28+$0x0] =	vst.idx.msk $0xffff, v2;
	v2 =	vmul.f32 $8.000000000e+00, v59  }
0x203: {  	v55 =	vld [tilespmem:s18+$0xFFFFFFD0];
	[tilespmem:v3+s28+$0x0] =	vst.idx.msk $0xffff, v0;
	v0 =	vmul.f32 $8.000000000e+00, v63  }
0x204: {  	v49 =	vadd.s32 v15, v37;
	v56 =	vld [tilespmem:s18+$0x10];
	v63 =	vmul.f32 $8.000000000e+00, v60;
	[tilespmem:v47+s28+$0x0] =	vst.idx.msk $0xffff, v2  }
0x205: {  	v60 =	vadd.s32 v19, v36;
	v57 =	vld [tilespmem:s18+$0x50];
	v61 =	vmul.f32 $8.000000000e+00, v61;
	[tilespmem:v45+s28+$0x0] =	vst.idx.msk $0xffff, v0  }
0x206: {  	v50 =	vadd.s32 v27, v35;
	v58 =	vld [tilespmem:s18+$0x90];
	[tilespmem:v53+s28+$0x0] =	vst.idx.msk $0xffff, v63  }
0x207: {  	s19 =	sadd.s32 $0x3, s5;
	v0 =	vshll.u32 v42, v1;
	v62 =	vmul.f32 $8.000000000e+00, v62;
	v42 =	vadd.s32 v13, v33;
	[tilespmem:v52+s28+$0x0] =	vst.idx.msk $0xffff, v61;
	v53 =	vld [tilespmem:s18+$0xFFFFFF20]  }
0x208: {  	v44 =	vmov s19;
	v63 =	vmul.f32 $8.000000000e+00, v55;
	v52 =	vadd.s32 v24, v34;
	v54 =	vld [tilespmem:s18+$0xFFFFFF60]  }
0x209: {  	v59 =	vshrl.u32 v44, $0x3;
	v44 =	vadd.s32 v8, v39;
	v45 =	vld [tilespmem:s18+$0xE0];
	[tilespmem:v49+s28+$0x0] =	vst.idx.msk $0xffff, v62;
	v38 =	vmul.f32 $8.000000000e+00, v56  }
0x20a: {  	s19 =	sadd.s32 $0x6, s5;
	v55 =	vld [tilespmem:s18+$0xFFFFFFA0];
	[tilespmem:v60+s28+$0x0] =	vst.idx.msk $0xffff, v63;
	v46 =	vmul.f32 $8.000000000e+00, v57;
	v57 =	vadd.s32 v12, v41  }
0x20b: {  	v2 =	vmov s19;
	v49 =	vadd.s32 v28, v40;
	v60 =	vld [tilespmem:s18+$0xFFFFFFE0];
	[tilespmem:v50+s28+$0x0] =	vst.idx.msk $0xffff, v38;
	v50 =	vmul.f32 $8.000000000e+00, v58  }
0x20c: {  	v58 =	vadd.s32 v16, v37;
	v61 =	vld [tilespmem:s18+$0x20];
	[tilespmem:v42+s28+$0x0] =	vst.idx.msk $0xffff, v46;
	v42 =	vshrl.u32 v2, $0x3;
	v2 =	vmul.f32 $8.000000000e+00, v53  }
0x20d: {  	v62 =	vadd.s32 v20, v36;
	v38 =	vbroadcast v0, $0x0;
	v63 =	vld [tilespmem:s18+$0x60];
	[tilespmem:v52+s28+$0x0] =	vst.idx.msk $0xffff, v50;
	v0 =	vmul.f32 $8.000000000e+00, v54  }
0x20e: {  	v45 =	vmul.f32 $8.000000000e+00, v45;
	v5 =	vld [tilespmem:s18+$0xA0];
	[tilespmem:v44+s28+$0x0] =	vst.idx.msk $0xffff, v2  }
0x20f: {  	s15 =	sadd.s32 $0x1, s5;
	v2 =	vmul.f32 $8.000000000e+00, v55;
	[tilespmem:v57+s28+$0x0] =	vst.idx.msk $0xffff, v0;
	v57 =	vld [tilespmem:$0x1FFB0]  }
0x210: {  	s17 =	sadd.s32 $0x2, s5;
	v48 =	vmov s15;
	s15 =	sadd.s32 $0x4, s5;
	[tilespmem:v49+s28+$0x0] =	vst.idx.msk $0xffff, v45;
	v0 =	vmul.f32 $8.000000000e+00, v60;
	v60 =	vld [tilespmem:$0x1FFF0]  }
0x211: {  	v43 =	vmov s15;
	v51 =	vmov s17;
	s17 =	sadd.s32 $0x5, s5;
	[tilespmem:v58+s28+$0x0] =	vst.idx.msk $0xffff, v2;
	v2 =	vmul.f32 $8.000000000e+00, v61;
	v61 =	vld [tilespmem:$0x1FE20]  }
0x212: {  	p2 =	slt.u32 s5, $0x78;
	v48 =	vshrl.u32 v48, $0x3;
	v4 =	vadd.s32 v29, v35;
	v3 =	vmov s17;
	[tilespmem:v62+s28+$0x0] =	vst.idx.msk $0xffff, v0;
	v0 =	vld [tilespmem:$0x1FEF0]  }
.Ltmp9:
0x213: {  	v43 =	vshrl.u32 v43, $0x3;
	v51 =	vshrl.u32 v51, $0x3;
	v3 =	vshrl.u32 v3, $0x3;
	v56 =	vld [tilespmem:s18+$0xF0];
	(pc) =	sbr.rel @p2 .LBB2_15-.Ltmp9, $4  }
0x214: {  	v47 =	vshll.u32 v48, v1;
	v46 =	vshll.u32 v43, v1;
	v43 =	vshll.u32 v3, v1;
	v50 =	vld [tilespmem:s18+$0xFFFFFF30]  }
0x215: {  	v55 =	vadd.s32 v21, v33;
	v44 =	vshll.u32 v51, v1;
	v45 =	vshll.u32 v59, v1;
	v52 =	vld [tilespmem:s18+$0xFFFFFF70]  }
0x216: {  	v49 =	vld [tilespmem:s18+$0xFFFFFFB0];
	v51 =	vadd.s32 v57, v34;
	v53 =	vadd.s32 v60, v40;
	v40 =	vmul.f32 $8.000000000e+00, v5  }
0x217: {  	s14 =	sadd.s32 $0x7, s5;
	s5 =	sadd.s32 $0x8, s5;
	v54 =	vld [tilespmem:s18+$0xFFFFFFF0];
	[tilespmem:v4+s28+$0x0] =	vst.idx.msk $0xffff, v2;
	v48 =	vadd.s32 v61, v39;
	v39 =	vmul.f32 $8.000000000e+00, v63;
	v41 =	vadd.s32 v0, v41  }
0x218: {  	_ =	sdelay $0x3  }
0x219: {  	v0 =	vmov s14;
	v2 =	vadd.s32 v31, v37;
	v3 =	vld [tilespmem:s18+$0x30];
	v4 =	vmul.f32 $8.000000000e+00, v56;
	[tilespmem:v55+s28+$0x0] =	vst.idx.msk $0xffff, v39  }
0x21a: {  	v36 =	vadd.s32 v11, v36;
	[tilespmem:v51+s28+$0x0] =	vst.idx.msk $0xffff, v40;
	v0 =	vshrl.u32 v0, $0x3;
	v5 =	vmul.f32 $8.000000000e+00, v50;
	v55 =	vld [tilespmem:s18+$0x70]  }
0x21b: {  	v35 =	vadd.s32 v25, v35;
	s5 =	sadd.s32 $0x200, s18;
	v40 =	vld [tilespmem:s18+$0xB0];
	v0 =	vshll.u32 v0, v1;
	v56 =	vmul.f32 $8.000000000e+00, v52;
	[tilespmem:v53+s28+$0x0] =	vst.idx.msk $0xffff, v4  }
0x21c: {  	v33 =	vadd.s32 v9, v33;
	v57 =	vld [tilespmem:s5+$0xC0];
	v0 =	vbroadcast v0, $0x0;
	[tilespmem:v48+s28+$0x0] =	vst.idx.msk $0xffff, v5;
	v58 =	vmul.f32 $8.000000000e+00, v49  }
0x21d: {  	v34 =	vadd.s32 v17, v34;
	v59 =	vld [tilespmem:s5+$0xFFFFFF00];
	[tilespmem:v41+s28+$0x0] =	vst.idx.msk $0xffff, v56;
	v60 =	vmul.f32 $8.000000000e+00, v54  }
0x21e: {  	v47 =	vbroadcast v47, $0x0;
	v61 =	vld [tilespmem:s5+$0xFFFFFF40];
	v62 =	vadd.s32 v32, v0;
	[tilespmem:v2+s28+$0x0] =	vst.idx.msk $0xffff, v58;
	v2 =	vmul.f32 $8.000000000e+00, v3  }
0x21f: {  	v44 =	vbroadcast v44, $0x0;
	v63 =	vld [tilespmem:s5+$0xFFFFFF80];
	v3 =	vadd.s32 v6, v38;
	[tilespmem:v36+s28+$0x0] =	vst.idx.msk $0xffff, v60;
	v51 =	vmul.f32 $8.000000000e+00, v55  }
0x220: {  	v52 =	vadd.s32 v10, v47;
	[tilespmem:v35+s28+$0x0] =	vst.idx.msk $0xffff, v2;
	v2 =	vmul.f32 $8.000000000e+00, v40  }
0x221: {  	v54 =	vadd.s32 v14, v44;
	v4 =	vmul.f32 $8.000000000e+00, v57;
	[tilespmem:v33+s28+$0x0] =	vst.idx.msk $0xffff, v51  }
0x222: {  	v56 =	vmul.f32 $8.000000000e+00, v59;
	[tilespmem:v34+s28+$0x0] =	vst.idx.msk $0xffff, v2  }
0x223: {  	v45 =	vbroadcast v45, $0x0;
	v53 =	vld [tilespmem:s5+$0xFFFFFFC0];
	v2 =	vmul.f32 $8.000000000e+00, v61;
	[tilespmem:v62+s28+$0x0] =	vst.idx.msk $0xffff, v4  }
0x224: {  	v58 =	vld [tilespmem:s5+$0x40];
	[tilespmem:v3+s28+$0x0] =	vst.idx.msk $0xffff, v56;
	v3 =	vmul.f32 $8.000000000e+00, v63  }
0x225: {  	v46 =	vbroadcast v46, $0x0;
	v57 =	vadd.s32 v18, v45;
	v55 =	vld [tilespmem:s5+$0x0];
	[tilespmem:v52+s28+$0x0] =	vst.idx.msk $0xffff, v2  }
0x226: {  	v42 =	vshll.u32 v42, v1;
	v43 =	vbroadcast v43, $0x0;
	v60 =	vld [tilespmem:s5+$0x80];
	[tilespmem:v54+s28+$0x0] =	vst.idx.msk $0xffff, v3  }
0x227: {  	v42 =	vbroadcast v42, $0x0;
	v59 =	vadd.s32 v22, v46;
	v14 =	vld [tilespmem:$0x1FFD0]  }
0x228: {  	v61 =	vadd.s32 v26, v43;
	v33 =	vld [tilespmem:s5+$0xFFFFFF10];
	v2 =	vmul.f32 $8.000000000e+00, v53  }
0x229: {  	v63 =	vadd.s32 v30, v42;
	v10 =	vld [tilespmem:s5+$0xFFFFFF50]  }
0x22a: {  	v22 =	vadd.s32 v7, v38;
	v62 =	vld [tilespmem:s5+$0xD0];
	v3 =	vmul.f32 $8.000000000e+00, v55;
	[tilespmem:v57+s28+$0x0] =	vst.idx.msk $0xffff, v2  }
0x22b: {  	v30 =	vadd.s32 v23, v47;
	v2 =	vmul.f32 $8.000000000e+00, v58;
	v52 =	vld [tilespmem:s5+$0xFFFFFFD0]  }
0x22c: {  	v26 =	vld [tilespmem:s5+$0xFFFFFF90];
	[tilespmem:v59+s28+$0x0] =	vst.idx.msk $0xffff, v3;
	v3 =	vmul.f32 $8.000000000e+00, v60;
	v18 =	vadd.s32 v14, v0  }
0x22d: {  	v56 =	vadd.s32 v19, v45;
	[tilespmem:v61+s28+$0x0] =	vst.idx.msk $0xffff, v2;
	v55 =	vmul.f32 $8.000000000e+00, v33  }
0x22e: {  	v53 =	vadd.s32 v15, v44;
	v57 =	vld [tilespmem:s5+$0x50];
	[tilespmem:v63+s28+$0x0] =	vst.idx.msk $0xffff, v3;
	v3 =	vmul.f32 $8.000000000e+00, v10  }
0x22f: {  	v54 =	vld [tilespmem:s5+$0x10];
	v2 =	vmul.f32 $8.000000000e+00, v62;
	[tilespmem:v22+s28+$0x0] =	vst.idx.msk $0xffff, v55  }
0x230: {  	v60 =	vadd.s32 v13, v43;
	v40 =	vld [tilespmem:s5+$0xFFFFFF20];
	[tilespmem:v30+s28+$0x0] =	vst.idx.msk $0xffff, v3;
	v3 =	vmul.f32 $8.000000000e+00, v52  }
0x231: {  	v58 =	vadd.s32 v27, v46;
	v59 =	vld [tilespmem:s5+$0x90];
	[tilespmem:v18+s28+$0x0] =	vst.idx.msk $0xffff, v2;
	v2 =	vmul.f32 $8.000000000e+00, v26  }
0x232: {  	v10 =	vadd.s32 v8, v38;
	[tilespmem:v56+s28+$0x0] =	vst.idx.msk $0xffff, v3;
	v35 =	vld [tilespmem:s5+$0xE0]  }
0x233: {  	v61 =	vadd.s32 v24, v42;
	v62 =	vld [tilespmem:s5+$0xFFFFFF60];
	v3 =	vmul.f32 $8.000000000e+00, v57;
	[tilespmem:v53+s28+$0x0] =	vst.idx.msk $0xffff, v2  }
0x234: {  	v63 =	vadd.s32 v28, v0;
	v2 =	vmul.f32 $8.000000000e+00, v54;
	v13 =	vld [tilespmem:s5+$0xFFFFFFA0]  }
0x235: {  	v14 =	vadd.s32 v12, v47;
	[tilespmem:v60+s28+$0x0] =	vst.idx.msk $0xffff, v3;
	v19 =	vmul.f32 $8.000000000e+00, v40  }
0x236: {  	v16 =	vadd.s32 v16, v44;
	v15 =	vld [tilespmem:s5+$0xFFFFFFE0];
	[tilespmem:v58+s28+$0x0] =	vst.idx.msk $0xffff, v2;
	v2 =	vmul.f32 $8.000000000e+00, v59  }
0x237: {  	[tilespmem:v10+s28+$0x0] =	vst.idx.msk $0xffff, v19;
	v3 =	vmul.f32 $8.000000000e+00, v35  }
0x238: {  	v22 =	vadd.s32 v20, v45;
	v23 =	vld [tilespmem:s5+$0x60];
	[tilespmem:v61+s28+$0x0] =	vst.idx.msk $0xffff, v2;
	v2 =	vmul.f32 $8.000000000e+00, v62  }
0x239: {  	v18 =	vld [tilespmem:s5+$0x20];
	[tilespmem:v63+s28+$0x0] =	vst.idx.msk $0xffff, v3;
	v3 =	vmul.f32 $8.000000000e+00, v13  }
0x23a: {  	v26 =	vld [tilespmem:s5+$0xA0];
	[tilespmem:v14+s28+$0x0] =	vst.idx.msk $0xffff, v2  }
0x23b: {  	v2 =	vmul.f32 $8.000000000e+00, v15;
	v28 =	vld [tilespmem:$0x1FFB0];
	[tilespmem:v16+s28+$0x0] =	vst.idx.msk $0xffff, v3  }
0x23c: {  	v49 =	vld [tilespmem:$0x1FFF0]  }
0x23d: {  	v50 =	vld [tilespmem:$0x1FE20];
	[tilespmem:v22+s28+$0x0] =	vst.idx.msk $0xffff, v2  }
0x23e: {  	v24 =	vadd.s32 v29, v46;
	v53 =	vld [tilespmem:$0x1FEF0]  }
0x23f: {  	v27 =	vadd.s32 v21, v43;
	v34 =	vld [tilespmem:s5+$0xF0]  }
0x240: {  	v41 =	vld [tilespmem:s5+$0xFFFFFF30];
	v29 =	vadd.s32 v28, v42  }
0x241: {  	v30 =	vld [tilespmem:s5+$0xFFFFFF70];
	v3 =	vmul.f32 $8.000000000e+00, v18;
	v0 =	vadd.s32 v49, v0  }
0x242: {  	v52 =	vld [tilespmem:s5+$0xFFFFFFB0];
	v2 =	vmul.f32 $8.000000000e+00, v23;
	v51 =	vadd.s32 v50, v38  }
0x243: {  	v55 =	vld [tilespmem:s5+$0xFFFFFFF0];
	[tilespmem:v24+s28+$0x0] =	vst.idx.msk $0xffff, v3;
	v3 =	vmul.f32 $8.000000000e+00, v26;
	v54 =	vadd.s32 v53, v47  }
0x244: {  	v56 =	vadd.s32 v31, v44;
	v57 =	vld [tilespmem:s5+$0x30];
	[tilespmem:v27+s28+$0x0] =	vst.idx.msk $0xffff, v2;
	v2 =	vmul.f32 $8.000000000e+00, v34  }
0x245: {  	v59 =	vadd.s32 v11, v45;
	v58 =	vmul.f32 $8.000000000e+00, v41;
	v60 =	vld [tilespmem:s5+$0x70];
	[tilespmem:v29+s28+$0x0] =	vst.idx.msk $0xffff, v3  }
0x246: {  	v61 =	vadd.s32 v25, v46;
	v3 =	vmul.f32 $8.000000000e+00, v30;
	v62 =	vld [tilespmem:s5+$0xB0];
	[tilespmem:v0+s28+$0x0] =	vst.idx.msk $0xffff, v2  }
0x247: {  	[tilespmem:v51+s28+$0x0] =	vst.idx.msk $0xffff, v58;
	v0 =	vmul.f32 $8.000000000e+00, v52;
	v2 =	vadd.s32 v9, v43  }
0x248: {  	v63 =	vadd.s32 v17, v42;
	[tilespmem:v54+s28+$0x0] =	vst.idx.msk $0xffff, v3;
	v3 =	vmul.f32 $8.000000000e+00, v55  }
0x249: {  	[tilespmem:v56+s28+$0x0] =	vst.idx.msk $0xffff, v0;
	v0 =	vmul.f32 $8.000000000e+00, v57  }
0x24a: {  	[tilespmem:v59+s28+$0x0] =	vst.idx.msk $0xffff, v3;
	v3 =	vmul.f32 $8.000000000e+00, v60  }
0x24b: {  	s18 =	sadd.s32 s8, s16;
	[tilespmem:v61+s28+$0x0] =	vst.idx.msk $0xffff, v0;
	v0 =	vmul.f32 $8.000000000e+00, v62  }
0x24c: {  	s5 =	sshrl.u32 s18, $0x3;
	[tilespmem:v2+s28+$0x0] =	vst.idx.msk $0xffff, v3  }
0x24d: {  	s19 =	simm.s32 $0x14800;
	s18 =	sadd.s32 s2, s5;
	[tilespmem:v63+s28+$0x0] =	vst.idx.msk $0xffff, v0  }
0x24e: {  	[hbm4b:s18+s3] =	stream.linear.scatter [tilespmem:s19], [sflag:$0x8], $0x80, $0x38;
	[tilespmem:$0x1AE00] =	vst v63  }
0x24f: {  	s14 =	simm.s32 $0x14888;
	s15 =	sadd.s32 $0x10, s18  }
0x250: {  	[hbm4b:s15+s3] =	stream.linear.scatter [tilespmem:s14], [sflag:$0x8], $0x80, $0x38;
	[tilespmem:$0x1AE00] =	vst v63  }
0x251: {  	s17 =	simm.s32 $0x14910;
	s19 =	sadd.s32 $0x20, s18  }
0x252: {  	[hbm4b:s19+s3] =	stream.linear.scatter [tilespmem:s17], [sflag:$0x8], $0x80, $0x38;
	[tilespmem:$0x1AE00] =	vst v63  }
0x253: {  	s14 =	simm.s32 $0x14998;
	s15 =	sadd.s32 $0x30, s18  }
0x254: {  	[hbm4b:s15+s3] =	stream.linear.scatter [tilespmem:s14], [sflag:$0x8], $0x80, $0x38;
	[tilespmem:$0x1AE00] =	vst v63  }
0x255: {  	s17 =	simm.s32 $0x14A20;
	s19 =	sadd.s32 $0x40, s18  }
0x256: {  	[hbm4b:s19+s3] =	stream.linear.scatter [tilespmem:s17], [sflag:$0x8], $0x80, $0x38;
	[tilespmem:$0x1AE00] =	vst v63  }
0x257: {  	s5 =	simm.s32 $0x440;
	s14 =	simm.s32 $0x14AA8;
	s15 =	sadd.s32 $0x50, s18  }
0x258: {  	[hbm4b:s15+s3] =	stream.linear.scatter [tilespmem:s14], [sflag:$0x8], $0x80, $0x38;
	[tilespmem:$0x1AE00] =	vst v63  }
0x259: {  	s17 =	simm.s32 $0x14B30;
	s19 =	sadd.s32 $0x60, s18;
	s14 =	simm.s32 $0x2200  }
0x25a: {  	[hbm4b:s19+s3] =	stream.linear.scatter [tilespmem:s17], [sflag:$0x8], $0x80, $0x38;
	[tilespmem:$0x1AE00] =	vst v63  }
0x25b: {  	s15 =	simm.s32 $0x14BB8;
	s17 =	sadd.s32 $0x70, s18;
	s18 =	sadd.s32 $0x1000, s18  }
.LBB2_17:
0x25c: {  	[hbm4b:s17+s3] =	stream.linear.scatter [tilespmem:s15], [sflag:$0x8], $0x80, $0x38;
	[tilespmem:$0x1AE00] =	vst v63  }
0x25d: {  	s15 =	smov.u32 s5;
	s5 =	smov.u32 s14  }
0x25e: {  	s19 =	sadd.s32 $0x1100, s14;
	s5 =	sshra.s32 s5, $0x2;
	s17 =	sadd.s32 $0x14800, s15  }
0x25f: {  	[hbm4b:s18+s3] =	stream.linear.scatter [tilespmem:s17], [sflag:$0x8], $0x80, $0x38;
	[tilespmem:$0x1AE00] =	vst v63  }
0x260: {  	p2 =	sne.s32 s14, $0x7700;
	s14 =	sadd.s32 $0x14888, s15;
	s17 =	sadd.s32 $0x10, s18  }
0x261: {  	[hbm4b:s17+s3] =	stream.linear.scatter [tilespmem:s14], [sflag:$0x8], $0x80, $0x38;
	[tilespmem:$0x1AE00] =	vst v63  }
0x262: {  	s14 =	sadd.s32 $0x14910, s15;
	s17 =	sadd.s32 $0x20, s18  }
0x263: {  	[hbm4b:s17+s3] =	stream.linear.scatter [tilespmem:s14], [sflag:$0x8], $0x80, $0x38;
	[tilespmem:$0x1AE00] =	vst v63  }
0x264: {  	s14 =	sadd.s32 $0x14998, s15;
	s17 =	sadd.s32 $0x30, s18  }
0x265: {  	[hbm4b:s17+s3] =	stream.linear.scatter [tilespmem:s14], [sflag:$0x8], $0x80, $0x38;
	[tilespmem:$0x1AE00] =	vst v63  }
0x266: {  	s14 =	sadd.s32 $0x14A20, s15;
	s17 =	sadd.s32 $0x40, s18  }
0x267: {  	[hbm4b:s17+s3] =	stream.linear.scatter [tilespmem:s14], [sflag:$0x8], $0x80, $0x38;
	[tilespmem:$0x1AE00] =	vst v63  }
.Ltmp10:
0x268: {  	s14 =	sadd.s32 $0x14AA8, s15;
	s17 =	sadd.s32 $0x50, s18;
	(pc) =	sbr.rel @p2 .LBB2_17-.Ltmp10, $4  }
0x269: {  	[hbm4b:s17+s3] =	stream.linear.scatter [tilespmem:s14], [sflag:$0x8], $0x80, $0x38;
	[tilespmem:$0x1AE00] =	vst v63  }
0x26a: {  	s14 =	sadd.s32 $0x14B30, s15;
	s17 =	sadd.s32 $0x60, s18;
	s15 =	sadd.s32 $0x14BB8, s15  }
0x26b: {  	[hbm4b:s17+s3] =	stream.linear.scatter [tilespmem:s14], [sflag:$0x8], $0x80, $0x38;
	[tilespmem:$0x1AE00] =	vst v63  }
0x26c: {  	s17 =	sadd.s32 $0x70, s18;
	s18 =	sadd.s32 $0x1000, s18;
	s14 =	smov.u32 s19  }
0x26d: {  	[hbm4b:s17+s3] =	stream.linear.scatter [tilespmem:s15], [sflag:$0x8], $0x80, $0x38;
	[tilespmem:$0x1AE00] =	vst v63  }
0x26e: {  	s14 =	sadd.s32 $0x14800, s5  }
0x26f: {  	[hbm4b:s18+s3] =	stream.linear.scatter [tilespmem:s14], [sflag:$0x8], $0x80, $0x38;
	[tilespmem:$0x1AE00] =	vst v63  }
0x270: {  	s17 =	sadd.s32 $0x14888, s5;
	s19 =	sadd.s32 $0x10, s18  }
0x271: {  	[hbm4b:s19+s3] =	stream.linear.scatter [tilespmem:s17], [sflag:$0x8], $0x80, $0x38;
	[tilespmem:$0x1AE00] =	vst v63  }
0x272: {  	s17 =	sadd.s32 $0x14910, s5;
	s19 =	sadd.s32 $0x20, s18  }
0x273: {  	[hbm4b:s19+s3] =	stream.linear.scatter [tilespmem:s17], [sflag:$0x8], $0x80, $0x38;
	[tilespmem:$0x1AE00] =	vst v63  }
0x274: {  	s17 =	sadd.s32 $0x14998, s5;
	s19 =	sadd.s32 $0x30, s18  }
0x275: {  	[hbm4b:s19+s3] =	stream.linear.scatter [tilespmem:s17], [sflag:$0x8], $0x80, $0x38;
	[tilespmem:$0x1AE00] =	vst v63  }
0x276: {  	s17 =	sadd.s32 $0x14A20, s5;
	s19 =	sadd.s32 $0x40, s18  }
0x277: {  	[hbm4b:s19+s3] =	stream.linear.scatter [tilespmem:s17], [sflag:$0x8], $0x80, $0x38;
	[tilespmem:$0x1AE00] =	vst v63  }
0x278: {  	s17 =	sadd.s32 $0x14AA8, s5;
	s19 =	sadd.s32 $0x50, s18  }
0x279: {  	[hbm4b:s19+s3] =	stream.linear.scatter [tilespmem:s17], [sflag:$0x8], $0x80, $0x38;
	[tilespmem:$0x1AE00] =	vst v63  }
.Ltmp11:
0x27a: {  	_ = 	snop;
	(pc) =	sbr.rel @p1 .LBB2_20-.Ltmp11, $4  }
0x27b: {  	s17 =	sadd.s32 $0x14B30, s5;
	s19 =	sadd.s32 $0x60, s18  }
0x27c: {  	[hbm4b:s19+s3] =	stream.linear.scatter [tilespmem:s17], [sflag:$0x8], $0x80, $0x38;
	[tilespmem:$0x1AE00] =	vst v63  }
0x27d: {  	s17 =	sadd.s32 $0x14BB8, s5;
	s19 =	sadd.s32 $0x70, s18  }
0x27e: {  	[hbm4b:s19+s3] =	stream.linear.scatter [tilespmem:s17], [sflag:$0x8], $0x80, $0x38;
	[tilespmem:$0x1AE00] =	vst v63  }
0x27f: {  	_ =	swait.ge [sflag:s29], $0x2000  }
0x280: {  	v10 =	vld [tilespmem:$0x1FEC0]  }
0x281: {  	v12 =	vld [tilespmem:$0x1FEE0]  }
.Ltmp12:
0x282: {  	v16 =	vld [tilespmem:$0x1FF10];
	(pc) =	sbr.rel .LBB2_21-.Ltmp12, $4  }
0x283: {  	v22 =	vld [tilespmem:$0x1FF30]  }
0x284: {  	v26 =	vld [tilespmem:$0x1FF60]  }
0x285: {  	[sflag:s29] =	ssyncset.done $0x0;
	v30 =	vld [tilespmem:$0x1FF90]  }
0x286: {  	v14 =	vld [tilespmem:$0x1FFC0];
	[sflag:s29] =	ssyncadd.s32 $0xFFFFE000  }
.LBB2_20:
0x287: {  	s5 =	smul.u32 $0xA00, s10;
	_ =	sdelay $0x1  }
0x288: {  	s5 =	sshra.s32 s5, $0x2  }
0x289: {  	s14 =	simm.s32 $0x8400;
	s5 =	sadd.s32 $0x300, s5  }
0x28a: {  	[tilespmem:s14], [sflag:$0x2] =	stream.indirect.gather [hbm4b:s4+s11], $0x40, s5, s11, $0xb8;
	[tilespmem:$0x1AE00] =	vst v63  }
0x28b: {  	_ =	swait.ge [sflag:s29], $0x2000  }
0x28c: {  	v10 =	vld [tilespmem:$0x1FEC0]  }
0x28d: {  	v12 =	vld [tilespmem:$0x1FEE0]  }
.Ltmp13:
0x28e: {  	v16 =	vld [tilespmem:$0x1FF10];
	(pc) =	sbr.rel @p0 .LBB2_22-.Ltmp13, $4  }
0x28f: {  	v22 =	vld [tilespmem:$0x1FF30]  }
0x290: {  	v26 =	vld [tilespmem:$0x1FF60]  }
0x291: {  	[sflag:s29] =	ssyncset.done $0x0;
	v30 =	vld [tilespmem:$0x1FF90]  }
0x292: {  	v14 =	vld [tilespmem:$0x1FFC0];
	[sflag:s29] =	ssyncadd.s32 $0xFFFFE000  }
.LBB2_21:
0x293: {  	_ =	swait.ge [sflag:s30], $0x2000  }
0x294: {  	[sflag:s30] =	ssyncset.done $0x0  }
0x295: {  	[sflag:s30] =	ssyncadd.s32 $0xFFFFE000  }
.LBB2_22:
0x296: {  	s5 =	simm.s32 $0x0  }
0x297: {  	s19 =	simm.s32 $0x1;
	s14 =	simm.s32 $0x2;
	s15 =	simm.s32 $0x3;
	v0 =	vmov s5  }
0x298: {  	s17 =	simm.s32 $0x4;
	s18 =	simm.s32 $0x5;
	v2 =	vmov s19;
	v3 =	vmov s14;
	v4 =	vmov s15  }
0x299: {  	v6 =	vld [tilespmem:$0x1FEB0];
	v5 =	vmov s17;
	v33 =	vmov s18;
	s14 =	simm.s32 $0x7;
	s18 =	simm.s32 $0xC500;
	v0 =	vshrl.u32 v0, $0x3  }
0x29a: {  	v2 =	vshrl.u32 v2, $0x3;
	v35 =	vmov s14;
	v4 =	vshrl.u32 v4, $0x3;
	v38 =	vld [tilespmem:s18+$0xFFFFFF00]  }
0x29b: {  	v42 =	vld [tilespmem:s18+$0xFFFFFF40];
	v0 =	vshll.u32 v0, v1;
	v35 =	vshrl.u32 v35, $0x3;
	v4 =	vshll.u32 v4, v1  }
0x29c: {  	v35 =	vshll.u32 v35, v1;
	v39 =	vbroadcast v0, $0x0;
	v36 =	vbroadcast v4, $0x0;
	v4 =	vld [tilespmem:$0x1FF00]  }
0x29d: {  	v3 =	vshrl.u32 v3, $0x3;
	v2 =	vshll.u32 v2, v1;
	v0 =	vld [tilespmem:s18+$0xC0];
	v41 =	vbroadcast v35, $0x0  }
0x29e: {  	v44 =	vld [tilespmem:s18+$0xFFFFFF80];
	v3 =	vshll.u32 v3, v1;
	v40 =	vbroadcast v2, $0x0;
	v43 =	vadd.s32 v6, v39  }
0x29f: {  	v5 =	vshrl.u32 v5, $0x3;
	v37 =	vbroadcast v3, $0x0;
	v6 =	vld [tilespmem:$0x1FF20];
	v2 =	vadd.s32 v14, v41  }
0x2a0: {  	v5 =	vshll.u32 v5, v1;
	v45 =	vadd.s32 v10, v40  }
0x2a1: {  	v35 =	vbroadcast v5, $0x0;
	v5 =	vmul.f32 $8.000000000e+00, v38;
	v4 =	vadd.s32 v4, v37  }
0x2a2: {  	v46 =	vld [tilespmem:s18+$0xFFFFFFC0];
	v0 =	vmul.f32 $8.000000000e+00, v0  }
0x2a3: {  	v47 =	vld [tilespmem:s18+$0x0];
	v42 =	vmul.f32 $8.000000000e+00, v42;
	[tilespmem:v43+s31+$0x0] =	vst.idx.msk $0xffff, v5  }
0x2a4: {  	v48 =	vld [tilespmem:s18+$0x40];
	v57 =	vadd.s32 v6, v36;
	[tilespmem:v2+s31+$0x0] =	vst.idx.msk $0xffff, v0;
	v2 =	vmul.f32 $8.000000000e+00, v44  }
0x2a5: {  	s19 =	simm.s32 $0x6;
	v50 =	vld [tilespmem:s18+$0x80];
	v49 =	vadd.s32 v22, v35;
	[tilespmem:v45+s31+$0x0] =	vst.idx.msk $0xffff, v42  }
0x2a6: {  	v34 =	vmov s19;
	v33 =	vshrl.u32 v33, $0x3;
	v43 =	vld [tilespmem:s18+$0xFFFFFF10];
	[tilespmem:v4+s31+$0x0] =	vst.idx.msk $0xffff, v2  }
0x2a7: {  	v34 =	vshrl.u32 v34, $0x3;
	v33 =	vshll.u32 v33, v1;
	v58 =	vmul.f32 $8.000000000e+00, v46;
	v4 =	vld [tilespmem:$0x1FFD0]  }
0x2a8: {  	v3 =	vshll.u32 v34, v1;
	v33 =	vbroadcast v33, $0x0;
	v2 =	vmul.f32 $8.000000000e+00, v47;
	v6 =	vld [tilespmem:$0x1FE00]  }
0x2a9: {  	v34 =	vbroadcast v3, $0x0;
	v5 =	vld [tilespmem:s18+$0xD0];
	[tilespmem:v57+s31+$0x0] =	vst.idx.msk $0xffff, v58  }
0x2aa: {  	v3 =	vadd.s32 v26, v33;
	v11 =	vld [tilespmem:$0x1FED0];
	[tilespmem:v49+s31+$0x0] =	vst.idx.msk $0xffff, v2  }
0x2ab: {  	v59 =	vadd.s32 v30, v34;
	v15 =	vld [tilespmem:$0x1FE30]  }
0x2ac: {  	v60 =	vld [tilespmem:s18+$0xFFFFFF50];
	v4 =	vadd.s32 v4, v41  }
0x2ad: {  	v61 =	vmul.f32 $8.000000000e+00, v48;
	v52 =	vld [tilespmem:s18+$0xFFFFFF90];
	v51 =	vadd.s32 v6, v39  }
0x2ae: {  	v53 =	vld [tilespmem:s18+$0xFFFFFFD0];
	v2 =	vmul.f32 $8.000000000e+00, v50  }
0x2af: {  	v54 =	vld [tilespmem:s18+$0x10];
	[tilespmem:v3+s31+$0x0] =	vst.idx.msk $0xffff, v61;
	v3 =	vmul.f32 $8.000000000e+00, v5;
	v48 =	vadd.s32 v11, v40  }
0x2b0: {  	v62 =	vmul.f32 $8.000000000e+00, v43;
	v19 =	vld [tilespmem:$0x1FE50];
	[tilespmem:v59+s31+$0x0] =	vst.idx.msk $0xffff, v2;
	v50 =	vadd.s32 v15, v37  }
0x2b1: {  	v23 =	vld [tilespmem:$0x1FF40];
	[tilespmem:v4+s31+$0x0] =	vst.idx.msk $0xffff, v3  }
0x2b2: {  	v32 =	vmul.f32 $8.000000000e+00, v60;
	v55 =	vld [tilespmem:s18+$0x50];
	[tilespmem:v51+s31+$0x0] =	vst.idx.msk $0xffff, v62  }
0x2b3: {  	v3 =	vmul.f32 $8.000000000e+00, v52;
	v27 =	vld [tilespmem:$0x1FF70]  }
0x2b4: {  	v56 =	vld [tilespmem:s18+$0x90];
	[tilespmem:v48+s31+$0x0] =	vst.idx.msk $0xffff, v32  }
0x2b5: {  	v31 =	vld [tilespmem:$0x1FFA0];
	[tilespmem:v50+s31+$0x0] =	vst.idx.msk $0xffff, v3  }
0x2b6: {  	v63 =	vadd.s32 v19, v36;
	v6 =	vld [tilespmem:$0x1FFE0]  }
0x2b7: {  	v60 =	vadd.s32 v23, v35;
	v8 =	vld [tilespmem:$0x1FE10]  }
0x2b8: {  	s19 =	simm.s32 $0xA;
	v61 =	vld [tilespmem:s18+$0xE0];
	v4 =	vadd.s32 v27, v33  }
0x2b9: {  	v47 =	vmov s19;
	v62 =	vmul.f32 $8.000000000e+00, v53;
	v51 =	vld [tilespmem:s18+$0xFFFFFF20]  }
0x2ba: {  	v52 =	vshrl.u32 v47, $0x3;
	v47 =	vld [tilespmem:s18+$0xFFFFFF60];
	v3 =	vmul.f32 $8.000000000e+00, v54;
	v48 =	vadd.s32 v31, v34  }
0x2bb: {  	v57 =	vld [tilespmem:s18+$0xFFFFFFA0];
	[tilespmem:v63+s31+$0x0] =	vst.idx.msk $0xffff, v62;
	v63 =	vmul.f32 $8.000000000e+00, v55;
	v50 =	vadd.s32 v6, v41  }
0x2bc: {  	s15 =	simm.s32 $0x8;
	s14 =	simm.s32 $0xB;
	v58 =	vld [tilespmem:s18+$0xFFFFFFE0];
	[tilespmem:v60+s31+$0x0] =	vst.idx.msk $0xffff, v3;
	v54 =	vadd.s32 v8, v39  }
0x2bd: {  	v42 =	vmov s14;
	v0 =	vmov s15;
	s19 =	simm.s32 $0xE;
	v3 =	vmul.f32 $8.000000000e+00, v56;
	v59 =	vld [tilespmem:s18+$0x20];
	[tilespmem:v4+s31+$0x0] =	vst.idx.msk $0xffff, v63  }
0x2be: {  	v2 =	vmov s19;
	v53 =	vshrl.u32 v42, $0x3;
	v4 =	vmul.f32 $8.000000000e+00, v61;
	v20 =	vld [tilespmem:$0x1FE60]  }
0x2bf: {  	v42 =	vshrl.u32 v2, $0x3;
	v32 =	vadd.s32 v12, v40;
	v2 =	vmul.f32 $8.000000000e+00, v51;
	v61 =	vld [tilespmem:s18+$0x60];
	[tilespmem:v48+s31+$0x0] =	vst.idx.msk $0xffff, v3  }
0x2c0: {  	v0 =	vshrl.u32 v0, $0x3;
	v24 =	vld [tilespmem:$0x1FF50];
	[tilespmem:v50+s31+$0x0] =	vst.idx.msk $0xffff, v4  }
0x2c1: {  	v46 =	vadd.s32 v16, v37;
	v0 =	vshll.u32 v0, v1;
	v62 =	vld [tilespmem:s18+$0xA0];
	[tilespmem:v54+s31+$0x0] =	vst.idx.msk $0xffff, v2  }
0x2c2: {  	v38 =	vbroadcast v0, $0x0;
	v0 =	vmul.f32 $8.000000000e+00, v47;
	v28 =	vld [tilespmem:$0x1FF80]  }
0x2c3: {  	v56 =	vld [tilespmem:s18+$0xF0]  }
0x2c4: {  	v2 =	vmul.f32 $8.000000000e+00, v57;
	v50 =	vld [tilespmem:s18+$0xFFFFFF30];
	[tilespmem:v32+s31+$0x0] =	vst.idx.msk $0xffff, v0;
	v60 =	vadd.s32 v20, v36  }
0x2c5: {  	v32 =	vld [tilespmem:$0x1FFB0]  }
0x2c6: {  	v44 =	vshll.u32 v52, v1;
	v52 =	vld [tilespmem:s18+$0xFFFFFF70];
	[tilespmem:v46+s31+$0x0] =	vst.idx.msk $0xffff, v2;
	v3 =	vadd.s32 v24, v35  }
0x2c7: {  	s15 =	simm.s32 $0xC;
	v0 =	vmul.f32 $8.000000000e+00, v58;
	v7 =	vld [tilespmem:$0x1FFF0]  }
0x2c8: {  	v49 =	vmov s15;
	v9 =	vld [tilespmem:$0x1FE20]  }
0x2c9: {  	v43 =	vshrl.u32 v49, $0x3;
	v2 =	vmul.f32 $8.000000000e+00, v59;
	v49 =	vld [tilespmem:s18+$0xFFFFFFB0];
	[tilespmem:v60+s31+$0x0] =	vst.idx.msk $0xffff, v0  }
0x2ca: {  	s17 =	simm.s32 $0x9;
	v13 =	vld [tilespmem:$0x1FEF0]  }
0x2cb: {  	v45 =	vmov s17;
	s17 =	simm.s32 $0xD;
	v54 =	vld [tilespmem:s18+$0xFFFFFFF0];
	[tilespmem:v3+s31+$0x0] =	vst.idx.msk $0xffff, v2  }
0x2cc: {  	v45 =	vshrl.u32 v45, $0x3;
	v5 =	vmov s17;
	v17 =	vld [tilespmem:$0x1FE40]  }
0x2cd: {  	v5 =	vshrl.u32 v5, $0x3;
	v47 =	vshll.u32 v45, v1;
	v45 =	vshll.u32 v53, v1;
	v21 =	vld [tilespmem:$0x1FE70]  }
0x2ce: {  	v46 =	vshll.u32 v43, v1;
	v43 =	vshll.u32 v5, v1;
	v55 =	vadd.s32 v28, v33;
	v25 =	vld [tilespmem:$0x1FE80]  }
0x2cf: {  	v51 =	vadd.s32 v32, v34;
	v53 =	vadd.s32 v7, v41;
	v48 =	vadd.s32 v9, v39;
	v29 =	vld [tilespmem:$0x1FE90]  }
0x2d0: {  	s5 =	simm.s32 $0x10;
	s14 =	simm.s32 $0xF;
	v39 =	vmul.f32 $8.000000000e+00, v61;
	v18 =	vld [tilespmem:$0x1FEA0];
	v41 =	vadd.s32 v13, v40;
	v40 =	vmul.f32 $8.000000000e+00, v62  }
.LBB2_23:
0x2d1: {  	_ = 	snop  }
0x2d2: {  	v0 =	vmov s14;
	v2 =	vadd.s32 v17, v37  }
0x2d3: {  	v3 =	vld [tilespmem:s18+$0x30];
	v0 =	vshrl.u32 v0, $0x3  }
0x2d4: {  	v62 =	vld [tilespmem:$0x1FF20];
	[tilespmem:v55+s31+$0x0] =	vst.idx.msk $0xffff, v39;
	v0 =	vshll.u32 v0, v1  }
0x2d5: {  	[tilespmem:v51+s31+$0x0] =	vst.idx.msk $0xffff, v40;
	v55 =	vld [tilespmem:s18+$0x70];
	v40 =	vbroadcast v0, $0x0;
	v0 =	vmul.f32 $8.000000000e+00, v49  }
0x2d6: {  	v36 =	vadd.s32 v21, v36;
	v57 =	vld [tilespmem:s18+$0xB0];
	v4 =	vmul.f32 $8.000000000e+00, v56;
	v56 =	vmul.f32 $8.000000000e+00, v52  }
0x2d7: {  	v35 =	vadd.s32 v25, v35;
	v5 =	vmul.f32 $8.000000000e+00, v50;
	[tilespmem:v2+s31+$0x0] =	vst.idx.msk $0xffff, v0;
	v2 =	vld [tilespmem:$0x1FEB0]  }
0x2d8: {  	s18 =	sadd.s32 $0x200, s18;
	v59 =	vmul.f32 $8.000000000e+00, v54;
	v54 =	vld [tilespmem:$0x1FF00];
	[tilespmem:v41+s31+$0x0] =	vst.idx.msk $0xffff, v56  }
0x2d9: {  	v34 =	vadd.s32 v18, v34;
	[tilespmem:v48+s31+$0x0] =	vst.idx.msk $0xffff, v5;
	v41 =	vbroadcast v47, $0x0;
	v60 =	vld [tilespmem:s18+$0xFFFFFF40]  }
0x2da: {  	[tilespmem:v53+s31+$0x0] =	vst.idx.msk $0xffff, v4;
	v5 =	vadd.s32 v29, v33;
	v0 =	vmul.f32 $8.000000000e+00, v3;
	v58 =	vld [tilespmem:s18+$0xFFFFFF00]  }
0x2db: {  	v39 =	vmov v38;
	[tilespmem:v36+s31+$0x0] =	vst.idx.msk $0xffff, v59;
	v4 =	vld [tilespmem:s18+$0xC0];
	v53 =	vadd.s32 v10, v41  }
0x2dc: {  	v37 =	vbroadcast v44, $0x0;
	v3 =	vld [tilespmem:s18+$0xFFFFFF80];
	[tilespmem:v35+s31+$0x0] =	vst.idx.msk $0xffff, v0;
	v0 =	vmul.f32 $8.000000000e+00, v57;
	v2 =	vadd.s32 v2, v39  }
0x2dd: {  	v52 =	vadd.s32 v14, v40;
	v38 =	vmul.f32 $8.000000000e+00, v55;
	v48 =	vld [tilespmem:s18+$0xFFFFFFC0]  }
0x2de: {  	v36 =	vbroadcast v45, $0x0;
	v55 =	vadd.s32 v54, v37;
	v61 =	vld [tilespmem:s18+$0x0];
	[tilespmem:v34+s31+$0x0] =	vst.idx.msk $0xffff, v0;
	v0 =	vmul.f32 $8.000000000e+00, v60  }
0x2df: {  	[tilespmem:v5+s31+$0x0] =	vst.idx.msk $0xffff, v38;
	v57 =	vld [tilespmem:s18+$0x80];
	v5 =	vmul.f32 $8.000000000e+00, v58  }
0x2e0: {  	v38 =	vadd.s32 v62, v36;
	v62 =	vld [tilespmem:$0x1FE00];
	v4 =	vmul.f32 $8.000000000e+00, v4;
	[tilespmem:v53+s31+$0x0] =	vst.idx.msk $0xffff, v0  }
0x2e1: {  	v35 =	vbroadcast v46, $0x0;
	v63 =	vld [tilespmem:s18+$0x40];
	[tilespmem:v2+s31+$0x0] =	vst.idx.msk $0xffff, v5;
	v2 =	vmul.f32 $8.000000000e+00, v3  }
0x2e2: {  	v42 =	vshll.u32 v42, v1;
	v33 =	vbroadcast v43, $0x0;
	[tilespmem:v52+s31+$0x0] =	vst.idx.msk $0xffff, v4;
	v60 =	vld [tilespmem:s18+$0xFFFFFF50]  }
0x2e3: {  	v56 =	vadd.s32 v22, v35;
	v34 =	vbroadcast v42, $0x0;
	[tilespmem:v55+s31+$0x0] =	vst.idx.msk $0xffff, v2;
	v2 =	vmul.f32 $8.000000000e+00, v61;
	v61 =	vld [tilespmem:$0x1FFD0]  }
0x2e4: {  	v0 =	vmul.f32 $8.000000000e+00, v48;
	v3 =	vadd.s32 v26, v33;
	v5 =	vld [tilespmem:s18+$0xD0]  }
0x2e5: {  	v59 =	vadd.s32 v30, v34;
	v58 =	vld [tilespmem:s18+$0xFFFFFF10]  }
0x2e6: {  	v46 =	vadd.s32 v11, v41;
	[tilespmem:v38+s31+$0x0] =	vst.idx.msk $0xffff, v0  }
0x2e7: {  	v51 =	vadd.s32 v62, v39;
	v0 =	vmul.f32 $8.000000000e+00, v63;
	v63 =	vld [tilespmem:s18+$0xFFFFFFD0]  }
0x2e8: {  	s17 =	sadd.s32 $0x2, s5;
	v52 =	vld [tilespmem:s18+$0xFFFFFF90];
	[tilespmem:v56+s31+$0x0] =	vst.idx.msk $0xffff, v2;
	v2 =	vmul.f32 $8.000000000e+00, v57;
	v45 =	vadd.s32 v61, v40  }
0x2e9: {  	v50 =	vmov s17;
	v42 =	vadd.s32 v19, v36;
	v60 =	vmul.f32 $8.000000000e+00, v60;
	[tilespmem:v3+s31+$0x0] =	vst.idx.msk $0xffff, v0  }
0x2ea: {  	v49 =	vadd.s32 v15, v37;
	v54 =	vld [tilespmem:s18+$0x10];
	v0 =	vmul.f32 $8.000000000e+00, v5;
	v5 =	vmul.f32 $8.000000000e+00, v58;
	[tilespmem:v59+s31+$0x0] =	vst.idx.msk $0xffff, v2  }
0x2eb: {  	v50 =	vshrl.u32 v50, $0x3;
	v4 =	vmov s5;
	v55 =	vld [tilespmem:s18+$0x50];
	[tilespmem:v46+s31+$0x0] =	vst.idx.msk $0xffff, v60  }
0x2ec: {  	v4 =	vshrl.u32 v4, $0x3;
	v63 =	vmul.f32 $8.000000000e+00, v63;
	v61 =	vadd.s32 v23, v35;
	v62 =	vld [tilespmem:s18+$0x90];
	[tilespmem:v51+s31+$0x0] =	vst.idx.msk $0xffff, v5  }
0x2ed: {  	s15 =	sadd.s32 $0x1, s5;
	v5 =	vadd.s32 v27, v33;
	v51 =	vld [tilespmem:s18+$0xFFFFFF20];
	[tilespmem:v45+s31+$0x0] =	vst.idx.msk $0xffff, v0;
	v0 =	vshll.u32 v4, v1;
	v4 =	vmul.f32 $8.000000000e+00, v52  }
0x2ee: {  	v47 =	vmov s15;
	v44 =	vshll.u32 v50, v1;
	v46 =	vadd.s32 v31, v34;
	[tilespmem:v42+s31+$0x0] =	vst.idx.msk $0xffff, v63;
	v52 =	vld [tilespmem:s18+$0xFFFFFF60]  }
0x2ef: {  	s19 =	sadd.s32 $0x3, s5;
	v48 =	vadd.s32 v16, v37;
	v45 =	vld [tilespmem:s18+$0xE0];
	[tilespmem:v49+s31+$0x0] =	vst.idx.msk $0xffff, v4;
	v4 =	vmul.f32 $8.000000000e+00, v54;
	v54 =	vadd.s32 v8, v39  }
0x2f0: {  	v38 =	vmov s19;
	s19 =	sadd.s32 $0x6, s5;
	v58 =	vadd.s32 v12, v41;
	v59 =	vld [tilespmem:s18+$0xFFFFFFE0];
	v55 =	vmul.f32 $8.000000000e+00, v55  }
0x2f1: {  	v2 =	vmov s19;
	v49 =	vadd.s32 v6, v40;
	v57 =	vld [tilespmem:s18+$0xFFFFFFA0];
	[tilespmem:v61+s31+$0x0] =	vst.idx.msk $0xffff, v4;
	v4 =	vmul.f32 $8.000000000e+00, v62  }
0x2f2: {  	v42 =	vshrl.u32 v2, $0x3;
	[tilespmem:v5+s31+$0x0] =	vst.idx.msk $0xffff, v55;
	v2 =	vmul.f32 $8.000000000e+00, v51;
	v61 =	vadd.s32 v20, v36  }
0x2f3: {  	s15 =	sadd.s32 $0x4, s5;
	v53 =	vshrl.u32 v38, $0x3;
	v38 =	vbroadcast v0, $0x0;
	v60 =	vld [tilespmem:s18+$0x20];
	v0 =	vmul.f32 $8.000000000e+00, v52;
	[tilespmem:v46+s31+$0x0] =	vst.idx.msk $0xffff, v4  }
0x2f4: {  	v43 =	vmov s15;
	v47 =	vshrl.u32 v47, $0x3;
	v62 =	vld [tilespmem:s18+$0x60];
	v5 =	vmul.f32 $8.000000000e+00, v45;
	[tilespmem:v54+s31+$0x0] =	vst.idx.msk $0xffff, v2  }
0x2f5: {  	p2 =	slt.u32 s5, $0x78;
	s17 =	sadd.s32 $0x5, s5;
	v43 =	vshrl.u32 v43, $0x3;
	v4 =	vadd.s32 v24, v35;
	v63 =	vld [tilespmem:s18+$0xA0];
	[tilespmem:v58+s31+$0x0] =	vst.idx.msk $0xffff, v0;
	v0 =	vmul.f32 $8.000000000e+00, v59  }
.Ltmp14:
0x2f6: {  	v47 =	vshll.u32 v47, v1;
	v3 =	vmov s17;
	[tilespmem:v49+s31+$0x0] =	vst.idx.msk $0xffff, v5;
	v2 =	vmul.f32 $8.000000000e+00, v57;
	v50 =	vld [tilespmem:s18+$0xFFFFFF30];
	(pc) =	sbr.rel @p2 .LBB2_23-.Ltmp14, $4  }
0x2f7: {  	v3 =	vshrl.u32 v3, $0x3;
	v41 =	vadd.s32 v13, v41;
	v55 =	vadd.s32 v28, v33;
	v52 =	vld [tilespmem:s18+$0xFFFFFF70];
	[tilespmem:v61+s31+$0x0] =	vst.idx.msk $0xffff, v0  }
0x2f8: {  	v51 =	vadd.s32 v32, v34;
	v45 =	vshll.u32 v53, v1;
	v56 =	vld [tilespmem:s18+$0xF0];
	[tilespmem:v48+s31+$0x0] =	vst.idx.msk $0xffff, v2;
	v2 =	vmul.f32 $8.000000000e+00, v60  }
0x2f9: {  	v53 =	vadd.s32 v7, v40;
	v46 =	vshll.u32 v43, v1;
	v43 =	vshll.u32 v3, v1;
	v54 =	vld [tilespmem:s18+$0xFFFFFFF0]  }
0x2fa: {  	s14 =	sadd.s32 $0x7, s5;
	s5 =	sadd.s32 $0x8, s5;
	v48 =	vadd.s32 v9, v39;
	v39 =	vmul.f32 $8.000000000e+00, v62;
	v49 =	vld [tilespmem:s18+$0xFFFFFFB0];
	[tilespmem:v4+s31+$0x0] =	vst.idx.msk $0xffff, v2;
	v40 =	vmul.f32 $8.000000000e+00, v63  }
0x2fb: {  	_ =	sdelay $0x3  }
0x2fc: {  	v2 =	vadd.s32 v17, v37;
	v3 =	vld [tilespmem:s18+$0x30];
	v5 =	vmul.f32 $8.000000000e+00, v50;
	[tilespmem:v55+s31+$0x0] =	vst.idx.msk $0xffff, v39  }
0x2fd: {  	v36 =	vadd.s32 v21, v36;
	[tilespmem:v51+s31+$0x0] =	vst.idx.msk $0xffff, v40;
	v4 =	vmul.f32 $8.000000000e+00, v56  }
0x2fe: {  	v35 =	vadd.s32 v25, v35;
	v63 =	vmul.f32 $8.000000000e+00, v52;
	[tilespmem:v48+s31+$0x0] =	vst.idx.msk $0xffff, v5  }
0x2ff: {  	v62 =	vld [tilespmem:s18+$0x70];
	[tilespmem:v53+s31+$0x0] =	vst.idx.msk $0xffff, v4;
	v53 =	vmul.f32 $8.000000000e+00, v49  }
0x300: {  	s5 =	sadd.s32 $0x200, s18;
	[tilespmem:v41+s31+$0x0] =	vst.idx.msk $0xffff, v63;
	v56 =	vmul.f32 $8.000000000e+00, v54  }
0x301: {  	v0 =	vmov s14;
	v52 =	vld [tilespmem:s5+$0xC0];
	[tilespmem:v2+s31+$0x0] =	vst.idx.msk $0xffff, v53;
	v2 =	vmul.f32 $8.000000000e+00, v3  }
0x302: {  	v0 =	vshrl.u32 v0, $0x3;
	v3 =	vld [tilespmem:$0x1FEB0];
	[tilespmem:v36+s31+$0x0] =	vst.idx.msk $0xffff, v56  }
0x303: {  	v0 =	vshll.u32 v0, v1;
	v40 =	vld [tilespmem:s18+$0xB0];
	[tilespmem:v35+s31+$0x0] =	vst.idx.msk $0xffff, v2  }
0x304: {  	v33 =	vadd.s32 v29, v33;
	v0 =	vbroadcast v0, $0x0;
	v59 =	vmul.f32 $8.000000000e+00, v62;
	v62 =	vld [tilespmem:$0x1FF00]  }
0x305: {  	v34 =	vadd.s32 v18, v34;
	v55 =	vld [tilespmem:s5+$0xFFFFFF00]  }
0x306: {  	v47 =	vbroadcast v47, $0x0;
	v57 =	vld [tilespmem:s5+$0xFFFFFF40];
	v49 =	vadd.s32 v14, v0  }
0x307: {  	v44 =	vbroadcast v44, $0x0;
	v58 =	vld [tilespmem:s5+$0xFFFFFF80];
	v3 =	vadd.s32 v3, v38  }
0x308: {  	v60 =	vadd.s32 v10, v47;
	v2 =	vmul.f32 $8.000000000e+00, v40  }
0x309: {  	v4 =	vmul.f32 $8.000000000e+00, v52;
	[tilespmem:v33+s31+$0x0] =	vst.idx.msk $0xffff, v59;
	v63 =	vadd.s32 v62, v44  }
0x30a: {  	v52 =	vmul.f32 $8.000000000e+00, v55;
	v53 =	vld [tilespmem:$0x1FF20];
	[tilespmem:v34+s31+$0x0] =	vst.idx.msk $0xffff, v2  }
0x30b: {  	v14 =	vld [tilespmem:s5+$0x0];
	v2 =	vmul.f32 $8.000000000e+00, v57;
	[tilespmem:v49+s31+$0x0] =	vst.idx.msk $0xffff, v4  }
0x30c: {  	[tilespmem:v3+s31+$0x0] =	vst.idx.msk $0xffff, v52;
	v3 =	vmul.f32 $8.000000000e+00, v58  }
0x30d: {  	v61 =	vld [tilespmem:s5+$0xFFFFFFC0];
	[tilespmem:v60+s31+$0x0] =	vst.idx.msk $0xffff, v2  }
0x30e: {  	v45 =	vbroadcast v45, $0x0;
	v55 =	vld [tilespmem:s5+$0x40];
	[tilespmem:v63+s31+$0x0] =	vst.idx.msk $0xffff, v3  }
0x30f: {  	v42 =	vshll.u32 v42, v1;
	v46 =	vbroadcast v46, $0x0;
	v62 =	vld [tilespmem:$0x1FFD0]  }
0x310: {  	v43 =	vbroadcast v43, $0x0;
	v54 =	vadd.s32 v53, v45;
	v3 =	vmul.f32 $8.000000000e+00, v14;
	v14 =	vld [tilespmem:$0x1FE00]  }
0x311: {  	v42 =	vbroadcast v42, $0x0;
	v56 =	vadd.s32 v22, v46;
	v57 =	vld [tilespmem:s5+$0x80]  }
0x312: {  	v59 =	vld [tilespmem:s5+$0xD0];
	v58 =	vadd.s32 v26, v43  }
0x313: {  	v2 =	vmul.f32 $8.000000000e+00, v61;
	v60 =	vadd.s32 v30, v42;
	v33 =	vld [tilespmem:s5+$0xFFFFFF10]  }
0x314: {  	v61 =	vld [tilespmem:s5+$0xFFFFFF50];
	v63 =	vadd.s32 v62, v0  }
0x315: {  	v26 =	vld [tilespmem:s5+$0xFFFFFF90];
	[tilespmem:v54+s31+$0x0] =	vst.idx.msk $0xffff, v2;
	v2 =	vmul.f32 $8.000000000e+00, v55;
	v22 =	vadd.s32 v14, v38  }
0x316: {  	v30 =	vadd.s32 v11, v47;
	v52 =	vld [tilespmem:s5+$0xFFFFFFD0];
	[tilespmem:v56+s31+$0x0] =	vst.idx.msk $0xffff, v3;
	v3 =	vmul.f32 $8.000000000e+00, v57  }
0x317: {  	v53 =	vadd.s32 v15, v44;
	v54 =	vld [tilespmem:s5+$0x10];
	[tilespmem:v58+s31+$0x0] =	vst.idx.msk $0xffff, v2;
	v2 =	vmul.f32 $8.000000000e+00, v59  }
0x318: {  	v56 =	vadd.s32 v19, v45;
	v55 =	vmul.f32 $8.000000000e+00, v33;
	v57 =	vld [tilespmem:s5+$0x50];
	[tilespmem:v60+s31+$0x0] =	vst.idx.msk $0xffff, v3  }
0x319: {  	v58 =	vadd.s32 v23, v46;
	v3 =	vmul.f32 $8.000000000e+00, v61;
	v59 =	vld [tilespmem:s5+$0x90];
	[tilespmem:v63+s31+$0x0] =	vst.idx.msk $0xffff, v2  }
0x31a: {  	v60 =	vadd.s32 v27, v43;
	[tilespmem:v22+s31+$0x0] =	vst.idx.msk $0xffff, v55;
	v2 =	vmul.f32 $8.000000000e+00, v26;
	v35 =	vld [tilespmem:s5+$0xE0]  }
0x31b: {  	v61 =	vadd.s32 v31, v42;
	[tilespmem:v30+s31+$0x0] =	vst.idx.msk $0xffff, v3;
	v3 =	vmul.f32 $8.000000000e+00, v52;
	v40 =	vld [tilespmem:s5+$0xFFFFFF20]  }
0x31c: {  	v62 =	vld [tilespmem:s5+$0xFFFFFF60];
	v63 =	vadd.s32 v6, v0;
	[tilespmem:v53+s31+$0x0] =	vst.idx.msk $0xffff, v2;
	v2 =	vmul.f32 $8.000000000e+00, v54  }
0x31d: {  	v10 =	vadd.s32 v8, v38;
	[tilespmem:v56+s31+$0x0] =	vst.idx.msk $0xffff, v3;
	v3 =	vmul.f32 $8.000000000e+00, v57;
	v11 =	vld [tilespmem:s5+$0xFFFFFFA0]  }
0x31e: {  	v14 =	vadd.s32 v12, v47;
	v15 =	vld [tilespmem:s5+$0xFFFFFFE0];
	[tilespmem:v58+s31+$0x0] =	vst.idx.msk $0xffff, v2;
	v2 =	vmul.f32 $8.000000000e+00, v59  }
0x31f: {  	v19 =	vadd.s32 v16, v44;
	[tilespmem:v60+s31+$0x0] =	vst.idx.msk $0xffff, v3;
	v22 =	vld [tilespmem:s5+$0x20];
	v3 =	vmul.f32 $8.000000000e+00, v35  }
0x320: {  	v26 =	vadd.s32 v20, v45;
	v27 =	vld [tilespmem:s5+$0x60];
	v23 =	vmul.f32 $8.000000000e+00, v40;
	[tilespmem:v61+s31+$0x0] =	vst.idx.msk $0xffff, v2  }
0x321: {  	v30 =	vadd.s32 v24, v46;
	v2 =	vmul.f32 $8.000000000e+00, v62;
	v31 =	vld [tilespmem:s5+$0xA0];
	[tilespmem:v63+s31+$0x0] =	vst.idx.msk $0xffff, v3  }
0x322: {  	v49 =	vadd.s32 v28, v43;
	[tilespmem:v10+s31+$0x0] =	vst.idx.msk $0xffff, v23;
	v3 =	vmul.f32 $8.000000000e+00, v11;
	v34 =	vld [tilespmem:s5+$0xF0]  }
0x323: {  	v50 =	vadd.s32 v32, v42;
	[tilespmem:v14+s31+$0x0] =	vst.idx.msk $0xffff, v2;
	v2 =	vmul.f32 $8.000000000e+00, v15;
	v41 =	vld [tilespmem:s5+$0xFFFFFF30]  }
0x324: {  	v0 =	vadd.s32 v7, v0;
	v51 =	vld [tilespmem:s5+$0xFFFFFF70];
	[tilespmem:v19+s31+$0x0] =	vst.idx.msk $0xffff, v3;
	v3 =	vmul.f32 $8.000000000e+00, v22  }
0x325: {  	v52 =	vadd.s32 v9, v38;
	[tilespmem:v26+s31+$0x0] =	vst.idx.msk $0xffff, v2;
	v2 =	vmul.f32 $8.000000000e+00, v27;
	v53 =	vld [tilespmem:s5+$0xFFFFFFB0]  }
0x326: {  	v54 =	vadd.s32 v13, v47;
	v55 =	vld [tilespmem:s5+$0xFFFFFFF0];
	[tilespmem:v30+s31+$0x0] =	vst.idx.msk $0xffff, v3;
	v3 =	vmul.f32 $8.000000000e+00, v31  }
0x327: {  	v56 =	vadd.s32 v17, v44;
	[tilespmem:v49+s31+$0x0] =	vst.idx.msk $0xffff, v2;
	v57 =	vld [tilespmem:s5+$0x30];
	v2 =	vmul.f32 $8.000000000e+00, v34  }
0x328: {  	v59 =	vadd.s32 v21, v45;
	v60 =	vld [tilespmem:s5+$0x70];
	v58 =	vmul.f32 $8.000000000e+00, v41;
	[tilespmem:v50+s31+$0x0] =	vst.idx.msk $0xffff, v3  }
0x329: {  	v61 =	vadd.s32 v25, v46;
	v3 =	vmul.f32 $8.000000000e+00, v51;
	v62 =	vld [tilespmem:s5+$0xB0];
	[tilespmem:v0+s31+$0x0] =	vst.idx.msk $0xffff, v2  }
0x32a: {  	[tilespmem:v52+s31+$0x0] =	vst.idx.msk $0xffff, v58;
	v0 =	vmul.f32 $8.000000000e+00, v53;
	v2 =	vadd.s32 v29, v43  }
0x32b: {  	v63 =	vadd.s32 v18, v42;
	[tilespmem:v54+s31+$0x0] =	vst.idx.msk $0xffff, v3;
	v3 =	vmul.f32 $8.000000000e+00, v55  }
0x32c: {  	[tilespmem:v56+s31+$0x0] =	vst.idx.msk $0xffff, v0;
	v0 =	vmul.f32 $8.000000000e+00, v57  }
0x32d: {  	[tilespmem:v59+s31+$0x0] =	vst.idx.msk $0xffff, v3;
	v3 =	vmul.f32 $8.000000000e+00, v60  }
0x32e: {  	s19 =	sadd.s32 s9, s16;
	[tilespmem:v61+s31+$0x0] =	vst.idx.msk $0xffff, v0;
	v0 =	vmul.f32 $8.000000000e+00, v62  }
0x32f: {  	s5 =	sshrl.u32 s19, $0x3;
	[tilespmem:v2+s31+$0x0] =	vst.idx.msk $0xffff, v3  }
0x330: {  	s14 =	simm.s32 $0x16A00;
	s16 =	sadd.s32 s2, s5;
	[tilespmem:v63+s31+$0x0] =	vst.idx.msk $0xffff, v0  }
0x331: {  	[hbm4b:s16+s3] =	stream.linear.scatter [tilespmem:s14], [sflag:$0x9], $0x80, $0x38;
	[tilespmem:$0x1AE00] =	vst v63  }
0x332: {  	s15 =	simm.s32 $0x16A88;
	s17 =	sadd.s32 $0x10, s16  }
0x333: {  	[hbm4b:s17+s3] =	stream.linear.scatter [tilespmem:s15], [sflag:$0x9], $0x80, $0x38;
	[tilespmem:$0x1AE00] =	vst v63  }
0x334: {  	s18 =	simm.s32 $0x16B10;
	s5 =	simm.s32 $0x440;
	s19 =	sadd.s32 $0x20, s16  }
0x335: {  	[hbm4b:s19+s3] =	stream.linear.scatter [tilespmem:s18], [sflag:$0x9], $0x80, $0x38;
	[tilespmem:$0x1AE00] =	vst v63  }
0x336: {  	s14 =	simm.s32 $0x2200;
	s15 =	simm.s32 $0x16B98;
	s17 =	sadd.s32 $0x30, s16  }
0x337: {  	[hbm4b:s17+s3] =	stream.linear.scatter [tilespmem:s15], [sflag:$0x9], $0x80, $0x38;
	[tilespmem:$0x1AE00] =	vst v63  }
0x338: {  	s18 =	simm.s32 $0x16C20;
	s19 =	sadd.s32 $0x40, s16;
	s15 =	simm.s32 $0x16CA8  }
0x339: {  	[hbm4b:s19+s3] =	stream.linear.scatter [tilespmem:s18], [sflag:$0x9], $0x80, $0x38;
	[tilespmem:$0x1AE00] =	vst v63  }
0x33a: {  	s17 =	sadd.s32 $0x50, s16;
	s18 =	simm.s32 $0x16D30;
	s19 =	sadd.s32 $0x60, s16  }
0x33b: {  	[hbm4b:s17+s3] =	stream.linear.scatter [tilespmem:s15], [sflag:$0x9], $0x80, $0x38;
	[tilespmem:$0x1AE00] =	vst v63  }
0x33c: {  	s15 =	simm.s32 $0x16DB8;
	s17 =	sadd.s32 $0x70, s16;
	s16 =	sadd.s32 $0x1000, s16  }
0x33d: {  	[hbm4b:s19+s3] =	stream.linear.scatter [tilespmem:s18], [sflag:$0x9], $0x80, $0x38;
	[tilespmem:$0x1AE00] =	vst v63  }
.LBB2_25:
0x33e: {  	[hbm4b:s17+s3] =	stream.linear.scatter [tilespmem:s15], [sflag:$0x9], $0x80, $0x38;
	[tilespmem:$0x1AE00] =	vst v63  }
0x33f: {  	s15 =	smov.u32 s5;
	s5 =	smov.u32 s14  }
0x340: {  	s18 =	sadd.s32 $0x1100, s14;
	s5 =	sshra.s32 s5, $0x2;
	s17 =	sadd.s32 $0x16A00, s15  }
0x341: {  	[hbm4b:s16+s3] =	stream.linear.scatter [tilespmem:s17], [sflag:$0x9], $0x80, $0x38;
	[tilespmem:$0x1AE00] =	vst v63  }
0x342: {  	p2 =	sne.s32 s14, $0x7700;
	s14 =	sadd.s32 $0x16A88, s15;
	s17 =	sadd.s32 $0x10, s16  }
0x343: {  	[hbm4b:s17+s3] =	stream.linear.scatter [tilespmem:s14], [sflag:$0x9], $0x80, $0x38;
	[tilespmem:$0x1AE00] =	vst v63  }
0x344: {  	s14 =	sadd.s32 $0x16B10, s15;
	s17 =	sadd.s32 $0x20, s16  }
0x345: {  	[hbm4b:s17+s3] =	stream.linear.scatter [tilespmem:s14], [sflag:$0x9], $0x80, $0x38;
	[tilespmem:$0x1AE00] =	vst v63  }
0x346: {  	s14 =	sadd.s32 $0x16B98, s15;
	s17 =	sadd.s32 $0x30, s16  }
0x347: {  	[hbm4b:s17+s3] =	stream.linear.scatter [tilespmem:s14], [sflag:$0x9], $0x80, $0x38;
	[tilespmem:$0x1AE00] =	vst v63  }
0x348: {  	s14 =	sadd.s32 $0x16C20, s15;
	s17 =	sadd.s32 $0x40, s16  }
0x349: {  	[hbm4b:s17+s3] =	stream.linear.scatter [tilespmem:s14], [sflag:$0x9], $0x80, $0x38;
	[tilespmem:$0x1AE00] =	vst v63  }
.Ltmp15:
0x34a: {  	s14 =	sadd.s32 $0x16CA8, s15;
	s17 =	sadd.s32 $0x50, s16;
	(pc) =	sbr.rel @p2 .LBB2_25-.Ltmp15, $4  }
0x34b: {  	[hbm4b:s17+s3] =	stream.linear.scatter [tilespmem:s14], [sflag:$0x9], $0x80, $0x38;
	[tilespmem:$0x1AE00] =	vst v63  }
0x34c: {  	s14 =	sadd.s32 $0x16D30, s15;
	s17 =	sadd.s32 $0x60, s16;
	s15 =	sadd.s32 $0x16DB8, s15  }
0x34d: {  	[hbm4b:s17+s3] =	stream.linear.scatter [tilespmem:s14], [sflag:$0x9], $0x80, $0x38;
	[tilespmem:$0x1AE00] =	vst v63  }
0x34e: {  	s17 =	sadd.s32 $0x70, s16;
	s16 =	sadd.s32 $0x1000, s16;
	s14 =	smov.u32 s18  }
0x34f: {  	[hbm4b:s17+s3] =	stream.linear.scatter [tilespmem:s15], [sflag:$0x9], $0x80, $0x38;
	[tilespmem:$0x1AE00] =	vst v63  }
0x350: {  	s14 =	sadd.s32 $0x16A00, s5  }
0x351: {  	[hbm4b:s16+s3] =	stream.linear.scatter [tilespmem:s14], [sflag:$0x9], $0x80, $0x38;
	[tilespmem:$0x1AE00] =	vst v63  }
0x352: {  	s18 =	sadd.s32 $0x16A88, s5;
	s19 =	sadd.s32 $0x10, s16  }
0x353: {  	[hbm4b:s19+s3] =	stream.linear.scatter [tilespmem:s18], [sflag:$0x9], $0x80, $0x38;
	[tilespmem:$0x1AE00] =	vst v63  }
0x354: {  	s15 =	sadd.s32 $0x16B10, s5;
	s17 =	sadd.s32 $0x20, s16  }
0x355: {  	[hbm4b:s17+s3] =	stream.linear.scatter [tilespmem:s15], [sflag:$0x9], $0x80, $0x38;
	[tilespmem:$0x1AE00] =	vst v63  }
0x356: {  	s18 =	sadd.s32 $0x16B98, s5;
	s19 =	sadd.s32 $0x30, s16  }
0x357: {  	[hbm4b:s19+s3] =	stream.linear.scatter [tilespmem:s18], [sflag:$0x9], $0x80, $0x38;
	[tilespmem:$0x1AE00] =	vst v63  }
0x358: {  	s15 =	sadd.s32 $0x16C20, s5;
	s17 =	sadd.s32 $0x40, s16  }
0x359: {  	[hbm4b:s17+s3] =	stream.linear.scatter [tilespmem:s15], [sflag:$0x9], $0x80, $0x38;
	[tilespmem:$0x1AE00] =	vst v63  }
0x35a: {  	s18 =	sadd.s32 $0x16CA8, s5;
	s19 =	sadd.s32 $0x50, s16  }
0x35b: {  	[hbm4b:s19+s3] =	stream.linear.scatter [tilespmem:s18], [sflag:$0x9], $0x80, $0x38;
	[tilespmem:$0x1AE00] =	vst v63  }
.Ltmp16:
0x35c: {  	_ = 	snop;
	(pc) =	sbr.rel @p1 .LBB2_28-.Ltmp16, $4  }
0x35d: {  	s15 =	sadd.s32 $0x16D30, s5;
	s17 =	sadd.s32 $0x60, s16  }
0x35e: {  	[hbm4b:s17+s3] =	stream.linear.scatter [tilespmem:s15], [sflag:$0x9], $0x80, $0x38;
	[tilespmem:$0x1AE00] =	vst v63  }
0x35f: {  	s18 =	sadd.s32 $0x16DB8, s5;
	s19 =	sadd.s32 $0x70, s16  }
0x360: {  	[hbm4b:s19+s3] =	stream.linear.scatter [tilespmem:s18], [sflag:$0x9], $0x80, $0x38;
	[tilespmem:$0x1AE00] =	vst v63  }
0x361: {  	_ =	swait.ge [sflag:s0], $0x2000  }
0x362: {  	v10 =	vld [tilespmem:$0x1FEC0]  }
0x363: {  	v12 =	vld [tilespmem:$0x1FEE0]  }
.Ltmp17:
0x364: {  	v18 =	vld [tilespmem:$0x1FF20];
	(pc) =	sbr.rel .LBB2_29-.Ltmp17, $4  }
0x365: {  	v22 =	vld [tilespmem:$0x1FF30]  }
0x366: {  	v26 =	vld [tilespmem:$0x1FF60]  }
0x367: {  	[sflag:s0] =	ssyncset.done $0x0;
	v30 =	vld [tilespmem:$0x1FF90]  }
0x368: {  	v13 =	vld [tilespmem:$0x1FFC0];
	[sflag:s0] =	ssyncadd.s32 $0xFFFFE000  }
.LBB2_28:
0x369: {  	s5 =	smul.u32 $0xA00, s10;
	_ =	sdelay $0x1  }
0x36a: {  	s5 =	sshra.s32 s5, $0x2  }
0x36b: {  	s14 =	simm.s32 $0xA400;
	s5 =	sadd.s32 $0x380, s5  }
0x36c: {  	[tilespmem:s14], [sflag:$0x3] =	stream.indirect.gather [hbm4b:s4+s11], $0x40, s5, s11, $0xb8;
	[tilespmem:$0x1AE00] =	vst v63  }
0x36d: {  	_ =	swait.ge [sflag:s0], $0x2000  }
0x36e: {  	v10 =	vld [tilespmem:$0x1FEC0]  }
0x36f: {  	v12 =	vld [tilespmem:$0x1FEE0]  }
.Ltmp18:
0x370: {  	v18 =	vld [tilespmem:$0x1FF20];
	(pc) =	sbr.rel @p0 .LBB2_30-.Ltmp18, $4  }
0x371: {  	v22 =	vld [tilespmem:$0x1FF30]  }
0x372: {  	v26 =	vld [tilespmem:$0x1FF60]  }
0x373: {  	[sflag:s0] =	ssyncset.done $0x0;
	v30 =	vld [tilespmem:$0x1FF90]  }
0x374: {  	v13 =	vld [tilespmem:$0x1FFC0];
	[sflag:s0] =	ssyncadd.s32 $0xFFFFE000  }
.LBB2_29:
0x375: {  	_ =	swait.ge [sflag:s1], $0x2000  }
0x376: {  	[sflag:s1] =	ssyncset.done $0x0  }
0x377: {  	[sflag:s1] =	ssyncadd.s32 $0xFFFFE000  }
.LBB2_30:
0x378: {  	s5 =	simm.s32 $0x0  }
0x379: {  	s19 =	simm.s32 $0x1;
	s14 =	simm.s32 $0x2;
	s15 =	simm.s32 $0x3;
	v0 =	vmov s5  }
0x37a: {  	s16 =	simm.s32 $0x6;
	s17 =	simm.s32 $0x7;
	v2 =	vmov s19;
	v3 =	vmov s14;
	v4 =	vmov s15  }
0x37b: {  	v34 =	vmov s16;
	v35 =	vmov s17;
	v0 =	vshrl.u32 v0, $0x3  }
0x37c: {  	v6 =	vld [tilespmem:$0x1FEB0];
	s16 =	simm.s32 $0xE500;
	v4 =	vshrl.u32 v4, $0x3;
	v35 =	vshrl.u32 v35, $0x3;
	v0 =	vshll.u32 v0, v1  }
0x37d: {  	v35 =	vshll.u32 v35, v1;
	v4 =	vshll.u32 v4, v1;
	v39 =	vbroadcast v0, $0x0;
	v0 =	vld [tilespmem:s16+$0xC0]  }
0x37e: {  	v2 =	vshrl.u32 v2, $0x3;
	v41 =	vbroadcast v35, $0x0;
	v36 =	vbroadcast v4, $0x0;
	v4 =	vld [tilespmem:$0x1FF00]  }
0x37f: {  	v3 =	vshrl.u32 v3, $0x3;
	v38 =	vld [tilespmem:s16+$0xFFFFFF00];
	v2 =	vshll.u32 v2, v1  }
0x380: {  	s14 =	simm.s32 $0x4;
	v42 =	vld [tilespmem:s16+$0xFFFFFF40];
	v3 =	vshll.u32 v3, v1;
	v40 =	vbroadcast v2, $0x0;
	v2 =	vadd.s32 v13, v41  }
0x381: {  	v5 =	vmov s14;
	v44 =	vld [tilespmem:s16+$0xFFFFFF80];
	v37 =	vbroadcast v3, $0x0;
	v43 =	vadd.s32 v6, v39  }
0x382: {  	v5 =	vshrl.u32 v5, $0x3;
	v45 =	vadd.s32 v10, v40  }
0x383: {  	v5 =	vshll.u32 v5, v1;
	v4 =	vadd.s32 v4, v37;
	v0 =	vmul.f32 $8.000000000e+00, v0  }
0x384: {  	v35 =	vbroadcast v5, $0x0;
	v5 =	vmul.f32 $8.000000000e+00, v38  }
0x385: {  	v42 =	vmul.f32 $8.000000000e+00, v42;
	[tilespmem:v2+s12+$0x0] =	vst.idx.msk $0xffff, v0  }
0x386: {  	v46 =	vld [tilespmem:s16+$0xFFFFFFC0];
	[tilespmem:v43+s12+$0x0] =	vst.idx.msk $0xffff, v5;
	v2 =	vmul.f32 $8.000000000e+00, v44  }
0x387: {  	[tilespmem:v45+s12+$0x0] =	vst.idx.msk $0xffff, v42  }
0x388: {  	v57 =	vadd.s32 v18, v36;
	[tilespmem:v4+s12+$0x0] =	vst.idx.msk $0xffff, v2  }
0x389: {  	v7 =	vld [tilespmem:$0x1FE00];
	_ =	sdelay $0x1  }
0x38a: {  	v47 =	vld [tilespmem:s16+$0x0];
	v58 =	vmul.f32 $8.000000000e+00, v46  }
0x38b: {  	s15 =	simm.s32 $0x5;
	v48 =	vld [tilespmem:s16+$0x40]  }
0x38c: {  	v33 =	vmov s15;
	v49 =	vadd.s32 v22, v35;
	v4 =	vld [tilespmem:$0x1FFD0];
	[tilespmem:v57+s12+$0x0] =	vst.idx.msk $0xffff, v58  }
0x38d: {  	v33 =	vshrl.u32 v33, $0x3;
	v51 =	vadd.s32 v7, v39;
	v7 =	vld [tilespmem:$0x1FED0]  }
0x38e: {  	v33 =	vshll.u32 v33, v1  }
0x38f: {  	v34 =	vshrl.u32 v34, $0x3;
	v33 =	vbroadcast v33, $0x0;
	v2 =	vmul.f32 $8.000000000e+00, v47  }
0x390: {  	v3 =	vshll.u32 v34, v1  }
0x391: {  	v50 =	vld [tilespmem:s16+$0x80];
	v34 =	vbroadcast v3, $0x0;
	v3 =	vadd.s32 v26, v33;
	[tilespmem:v49+s12+$0x0] =	vst.idx.msk $0xffff, v2  }
0x392: {  	v61 =	vmul.f32 $8.000000000e+00, v48;
	v48 =	vadd.s32 v7, v40;
	v7 =	vld [tilespmem:$0x1FE30];
	_ =	sdelay $0x3  }
0x393: {  	v59 =	vadd.s32 v30, v34;
	v5 =	vld [tilespmem:s16+$0xD0];
	[tilespmem:v3+s12+$0x0] =	vst.idx.msk $0xffff, v61  }
0x394: {  	v2 =	vmul.f32 $8.000000000e+00, v50;
	v28 =	vmov v7;
	v50 =	vadd.s32 v7, v37;
	v7 =	vld [tilespmem:$0x1FE50]  }
0x395: {  	v43 =	vld [tilespmem:s16+$0xFFFFFF10]  }
0x396: {  	v60 =	vld [tilespmem:s16+$0xFFFFFF50];
	v4 =	vadd.s32 v4, v41;
	_ =	sdelay $0x1  }
0x397: {  	[tilespmem:v59+s12+$0x0] =	vst.idx.msk $0xffff, v2  }
0x398: {  	v3 =	vmul.f32 $8.000000000e+00, v5;
	v20 =	vmov v7;
	v63 =	vadd.s32 v7, v36;
	v7 =	vld [tilespmem:$0x1FF40]  }
0x399: {  	v52 =	vld [tilespmem:s16+$0xFFFFFF90];
	v62 =	vmul.f32 $8.000000000e+00, v43  }
0x39a: {  	v32 =	vmul.f32 $8.000000000e+00, v60;
	[tilespmem:v4+s12+$0x0] =	vst.idx.msk $0xffff, v3  }
0x39b: {  	[tilespmem:v51+s12+$0x0] =	vst.idx.msk $0xffff, v62  }
0x39c: {  	v4 =	vld [tilespmem:$0x1FF70];
	[tilespmem:v48+s12+$0x0] =	vst.idx.msk $0xffff, v32  }
0x39d: {  	v24 =	vmov v7;
	v60 =	vadd.s32 v7, v35;
	v7 =	vld [tilespmem:$0x1FFA0]  }
0x39e: {  	v53 =	vld [tilespmem:s16+$0xFFFFFFD0];
	v3 =	vmul.f32 $8.000000000e+00, v52  }
0x39f: {  	v54 =	vld [tilespmem:s16+$0x10]  }
0x3a0: {  	v55 =	vld [tilespmem:s16+$0x50];
	[tilespmem:v50+s12+$0x0] =	vst.idx.msk $0xffff, v3  }
0x3a1: {  	v17 =	vld [tilespmem:$0x1FFE0]  }
0x3a2: {  	v32 =	vmov v7;
	v48 =	vadd.s32 v7, v34;
	v7 =	vld [tilespmem:$0x1FE10]  }
0x3a3: {  	v56 =	vld [tilespmem:s16+$0x90]  }
0x3a4: {  	v61 =	vld [tilespmem:s16+$0xE0];
	v8 =	vmov v4;
	v4 =	vadd.s32 v4, v33  }
0x3a5: {  	s14 =	simm.s32 $0xA;
	v62 =	vmul.f32 $8.000000000e+00, v53;
	v51 =	vld [tilespmem:s16+$0xFFFFFF20]  }
0x3a6: {  	v47 =	vmov s14;
	v3 =	vmul.f32 $8.000000000e+00, v54;
	v50 =	vadd.s32 v17, v41  }
0x3a7: {  	s19 =	simm.s32 $0x9;
	v52 =	vshrl.u32 v47, $0x3;
	v47 =	vld [tilespmem:s16+$0xFFFFFF60];
	[tilespmem:v63+s12+$0x0] =	vst.idx.msk $0xffff, v62;
	v63 =	vmul.f32 $8.000000000e+00, v55;
	v54 =	vadd.s32 v7, v39  }
0x3a8: {  	s15 =	simm.s32 $0xB;
	v45 =	vmov s19;
	s19 =	simm.s32 $0xE;
	v57 =	vld [tilespmem:s16+$0xFFFFFFA0];
	[tilespmem:v60+s12+$0x0] =	vst.idx.msk $0xffff, v3;
	v3 =	vmul.f32 $8.000000000e+00, v56  }
0x3a9: {  	v42 =	vmov s15;
	v2 =	vmov s19;
	v16 =	vld [tilespmem:$0x1FF10];
	[tilespmem:v4+s12+$0x0] =	vst.idx.msk $0xffff, v63;
	v4 =	vmul.f32 $8.000000000e+00, v61  }
0x3aa: {  	s17 =	simm.s32 $0xC;
	v53 =	vshrl.u32 v42, $0x3;
	v42 =	vshrl.u32 v2, $0x3;
	v2 =	vmul.f32 $8.000000000e+00, v51;
	v9 =	vld [tilespmem:$0x1FE60];
	[tilespmem:v48+s12+$0x0] =	vst.idx.msk $0xffff, v3  }
0x3ab: {  	s18 =	simm.s32 $0x8;
	v49 =	vmov s17;
	v3 =	vld [tilespmem:$0x1FF50];
	[tilespmem:v50+s12+$0x0] =	vst.idx.msk $0xffff, v4  }
0x3ac: {  	v0 =	vmov s18;
	v43 =	vshrl.u32 v49, $0x3;
	v49 =	vadd.s32 v12, v40;
	v58 =	vld [tilespmem:s16+$0xFFFFFFE0];
	[tilespmem:v54+s12+$0x0] =	vst.idx.msk $0xffff, v2  }
0x3ad: {  	v0 =	vshrl.u32 v0, $0x3;
	v4 =	vld [tilespmem:$0x1FF80]  }
0x3ae: {  	v0 =	vshll.u32 v0, v1;
	v59 =	vld [tilespmem:s16+$0x20]  }
0x3af: {  	v38 =	vbroadcast v0, $0x0;
	v0 =	vmul.f32 $8.000000000e+00, v47;
	v61 =	vld [tilespmem:s16+$0x60];
	v46 =	vadd.s32 v16, v37  }
0x3b0: {  	v62 =	vld [tilespmem:s16+$0xA0]  }
0x3b1: {  	v56 =	vld [tilespmem:s16+$0xF0];
	[tilespmem:v49+s12+$0x0] =	vst.idx.msk $0xffff, v0  }
0x3b2: {  	v60 =	vadd.s32 v9, v36;
	v2 =	vmul.f32 $8.000000000e+00, v57;
	v11 =	vmovc v4;
	v55 =	vadd.s32 v4, v33;
	v4 =	vld [tilespmem:$0x1FFB0]  }
0x3b3: {  	v50 =	vld [tilespmem:s16+$0xFFFFFF30]  }
0x3b4: {  	v44 =	vshll.u32 v52, v1;
	v14 =	vmov v3;
	v3 =	vadd.s32 v3, v35;
	v52 =	vld [tilespmem:s16+$0xFFFFFF70];
	[tilespmem:v46+s12+$0x0] =	vst.idx.msk $0xffff, v2  }
0x3b5: {  	v0 =	vmul.f32 $8.000000000e+00, v58;
	v27 =	vld [tilespmem:$0x1FE20]  }
0x3b6: {  	v49 =	vld [tilespmem:s16+$0xFFFFFFB0]  }
0x3b7: {  	v6 =	vmovc v7;
	v2 =	vmul.f32 $8.000000000e+00, v59;
	v7 =	vmov v4;
	v51 =	vadd.s32 v4, v34;
	v4 =	vld [tilespmem:$0x1FFF0];
	[tilespmem:v60+s12+$0x0] =	vst.idx.msk $0xffff, v0  }
0x3b8: {  	v0 =	vld [tilespmem:$0x1FEF0]  }
0x3b9: {  	s18 =	simm.s32 $0xD;
	v54 =	vld [tilespmem:s16+$0xFFFFFFF0];
	[tilespmem:v3+s12+$0x0] =	vst.idx.msk $0xffff, v2  }
0x3ba: {  	v5 =	vmov s18;
	v31 =	vld [tilespmem:$0x1FE40]  }
0x3bb: {  	v45 =	vshrl.u32 v45, $0x3;
	v5 =	vshrl.u32 v5, $0x3;
	v21 =	vld [tilespmem:$0x1FE70]  }
0x3bc: {  	v47 =	vshll.u32 v45, v1;
	v45 =	vshll.u32 v53, v1;
	v46 =	vshll.u32 v43, v1;
	v25 =	vld [tilespmem:$0x1FE80]  }
0x3bd: {  	v23 =	vmovc v9;
	v43 =	vshll.u32 v5, v1;
	v48 =	vadd.s32 v27, v39;
	v39 =	vmul.f32 $8.000000000e+00, v61;
	v29 =	vld [tilespmem:$0x1FE90]  }
0x3be: {  	s5 =	simm.s32 $0x10;
	s14 =	simm.s32 $0xF;
	v15 =	vld [tilespmem:$0x1FEA0];
	v19 =	vmovc v4;
	v53 =	vadd.s32 v4, v41;
	v9 =	vmovc v0;
	v41 =	vadd.s32 v0, v40;
	v40 =	vmul.f32 $8.000000000e+00, v62  }
.LBB2_31:
0x3bf: {  	_ = 	snop  }
0x3c0: {  	v0 =	vmov s14;
	v2 =	vadd.s32 v31, v37  }
0x3c1: {  	v0 =	vshrl.u32 v0, $0x3  }
0x3c2: {  	v3 =	vld [tilespmem:s16+$0x30];
	[tilespmem:v55+s12+$0x0] =	vst.idx.msk $0xffff, v39;
	v0 =	vshll.u32 v0, v1;
	v4 =	vmul.f32 $8.000000000e+00, v56  }
0x3c3: {  	v36 =	vadd.s32 v21, v36;
	v59 =	vld [tilespmem:$0x1FF00];
	[tilespmem:v51+s12+$0x0] =	vst.idx.msk $0xffff, v40;
	v40 =	vbroadcast v0, $0x0;
	v0 =	vmul.f32 $8.000000000e+00, v49  }
0x3c4: {  	v63 =	vmul.f32 $8.000000000e+00, v52;
	v52 =	vld [tilespmem:s16+$0xB0];
	[tilespmem:v53+s12+$0x0] =	vst.idx.msk $0xffff, v4  }
0x3c5: {  	v35 =	vadd.s32 v25, v35;
	v5 =	vmul.f32 $8.000000000e+00, v50;
	[tilespmem:v2+s12+$0x0] =	vst.idx.msk $0xffff, v0;
	v2 =	vld [tilespmem:$0x1FEB0]  }
0x3c6: {  	v62 =	vld [tilespmem:s16+$0x70];
	s16 =	sadd.s32 $0x200, s16;
	v55 =	vmul.f32 $8.000000000e+00, v54;
	[tilespmem:v41+s12+$0x0] =	vst.idx.msk $0xffff, v63  }
0x3c7: {  	v34 =	vadd.s32 v15, v34;
	[tilespmem:v48+s12+$0x0] =	vst.idx.msk $0xffff, v5;
	v41 =	vbroadcast v47, $0x0;
	v56 =	vld [tilespmem:s16+$0xFFFFFF40]  }
0x3c8: {  	v5 =	vadd.s32 v29, v33;
	v0 =	vmul.f32 $8.000000000e+00, v3;
	[tilespmem:v36+s12+$0x0] =	vst.idx.msk $0xffff, v55;
	v53 =	vld [tilespmem:s16+$0xFFFFFF00]  }
0x3c9: {  	v39 =	vmov v38;
	v36 =	vbroadcast v45, $0x0;
	v48 =	vld [tilespmem:s16+$0xFFFFFFC0];
	v58 =	vadd.s32 v10, v41  }
0x3ca: {  	v37 =	vbroadcast v44, $0x0;
	v3 =	vld [tilespmem:s16+$0xFFFFFF80];
	[tilespmem:v35+s12+$0x0] =	vst.idx.msk $0xffff, v0;
	v0 =	vmul.f32 $8.000000000e+00, v52;
	v2 =	vadd.s32 v2, v39  }
0x3cb: {  	v38 =	vmul.f32 $8.000000000e+00, v62;
	v62 =	vadd.s32 v18, v36  }
0x3cc: {  	v60 =	vadd.s32 v59, v37;
	v4 =	vld [tilespmem:s16+$0xC0];
	[tilespmem:v34+s12+$0x0] =	vst.idx.msk $0xffff, v0;
	v0 =	vmul.f32 $8.000000000e+00, v56  }
0x3cd: {  	v61 =	vld [tilespmem:s16+$0x0];
	[tilespmem:v5+s12+$0x0] =	vst.idx.msk $0xffff, v38;
	v5 =	vmul.f32 $8.000000000e+00, v53  }
0x3ce: {  	v57 =	vadd.s32 v13, v40;
	v63 =	vld [tilespmem:s16+$0x40];
	[tilespmem:v58+s12+$0x0] =	vst.idx.msk $0xffff, v0;
	v0 =	vmul.f32 $8.000000000e+00, v48  }
0x3cf: {  	v56 =	vld [tilespmem:s16+$0x80];
	[tilespmem:v2+s12+$0x0] =	vst.idx.msk $0xffff, v5;
	v2 =	vmul.f32 $8.000000000e+00, v3  }
0x3d0: {  	v35 =	vbroadcast v46, $0x0;
	[tilespmem:v62+s12+$0x0] =	vst.idx.msk $0xffff, v0;
	v62 =	vld [tilespmem:$0x1FED0]  }
0x3d1: {  	v42 =	vshll.u32 v42, v1;
	v33 =	vbroadcast v43, $0x0;
	v4 =	vmul.f32 $8.000000000e+00, v4;
	[tilespmem:v60+s12+$0x0] =	vst.idx.msk $0xffff, v2;
	v60 =	vld [tilespmem:$0x1FFD0]  }
0x3d2: {  	v43 =	vadd.s32 v22, v35;
	v34 =	vbroadcast v42, $0x0;
	v2 =	vmul.f32 $8.000000000e+00, v61;
	v61 =	vld [tilespmem:$0x1FE00]  }
0x3d3: {  	[tilespmem:v57+s12+$0x0] =	vst.idx.msk $0xffff, v4;
	v59 =	vld [tilespmem:s16+$0xFFFFFF50];
	v3 =	vadd.s32 v26, v33  }
0x3d4: {  	v58 =	vadd.s32 v30, v34;
	v5 =	vld [tilespmem:s16+$0xD0]  }
0x3d5: {  	v57 =	vld [tilespmem:s16+$0xFFFFFF10];
	v46 =	vadd.s32 v62, v41  }
0x3d6: {  	v0 =	vmul.f32 $8.000000000e+00, v63;
	v63 =	vld [tilespmem:s16+$0xFFFFFFD0];
	v45 =	vadd.s32 v60, v40  }
0x3d7: {  	v52 =	vld [tilespmem:s16+$0xFFFFFF90];
	[tilespmem:v43+s12+$0x0] =	vst.idx.msk $0xffff, v2;
	v2 =	vmul.f32 $8.000000000e+00, v56;
	v51 =	vadd.s32 v61, v39  }
0x3d8: {  	s19 =	sadd.s32 $0x2, s5;
	v42 =	vadd.s32 v20, v36;
	[tilespmem:v3+s12+$0x0] =	vst.idx.msk $0xffff, v0;
	v60 =	vmul.f32 $8.000000000e+00, v59  }
0x3d9: {  	v50 =	vmov s19;
	v49 =	vadd.s32 v28, v37;
	v54 =	vld [tilespmem:s16+$0x10];
	v0 =	vmul.f32 $8.000000000e+00, v5;
	[tilespmem:v58+s12+$0x0] =	vst.idx.msk $0xffff, v2  }
0x3da: {  	v50 =	vshrl.u32 v50, $0x3;
	v4 =	vmov s5;
	v5 =	vmul.f32 $8.000000000e+00, v57;
	v55 =	vld [tilespmem:s16+$0x50];
	[tilespmem:v46+s12+$0x0] =	vst.idx.msk $0xffff, v60  }
0x3db: {  	v4 =	vshrl.u32 v4, $0x3;
	v63 =	vmul.f32 $8.000000000e+00, v63;
	v61 =	vadd.s32 v24, v35;
	v62 =	vld [tilespmem:s16+$0x90];
	[tilespmem:v45+s12+$0x0] =	vst.idx.msk $0xffff, v0  }
0x3dc: {  	s18 =	sadd.s32 $0x1, s5;
	v0 =	vshll.u32 v4, v1;
	[tilespmem:v51+s12+$0x0] =	vst.idx.msk $0xffff, v5;
	v4 =	vmul.f32 $8.000000000e+00, v52;
	v5 =	vadd.s32 v8, v33;
	v52 =	vld [tilespmem:s16+$0xFFFFFF60]  }
0x3dd: {  	v47 =	vmov s18;
	v44 =	vshll.u32 v50, v1;
	[tilespmem:v42+s12+$0x0] =	vst.idx.msk $0xffff, v63;
	v46 =	vadd.s32 v32, v34;
	v45 =	vld [tilespmem:s16+$0xE0]  }
0x3de: {  	s15 =	sadd.s32 $0x3, s5;
	v47 =	vshrl.u32 v47, $0x3;
	v58 =	vadd.s32 v12, v41;
	v51 =	vld [tilespmem:s16+$0xFFFFFF20];
	[tilespmem:v49+s12+$0x0] =	vst.idx.msk $0xffff, v4;
	v4 =	vmul.f32 $8.000000000e+00, v54  }
0x3df: {  	v38 =	vmov s15;
	v59 =	vld [tilespmem:s16+$0xFFFFFFE0];
	v55 =	vmul.f32 $8.000000000e+00, v55;
	v49 =	vadd.s32 v17, v40  }
0x3e0: {  	v53 =	vshrl.u32 v38, $0x3;
	v54 =	vadd.s32 v6, v39;
	v57 =	vld [tilespmem:s16+$0xFFFFFFA0];
	[tilespmem:v61+s12+$0x0] =	vst.idx.msk $0xffff, v4;
	v4 =	vmul.f32 $8.000000000e+00, v62  }
0x3e1: {  	s19 =	sadd.s32 $0x6, s5;
	v38 =	vbroadcast v0, $0x0;
	v61 =	vadd.s32 v23, v36;
	[tilespmem:v5+s12+$0x0] =	vst.idx.msk $0xffff, v55;
	v0 =	vmul.f32 $8.000000000e+00, v52  }
0x3e2: {  	v48 =	vadd.s32 v16, v37;
	v2 =	vmov s19;
	v60 =	vld [tilespmem:s16+$0x20];
	v5 =	vmul.f32 $8.000000000e+00, v45;
	[tilespmem:v46+s12+$0x0] =	vst.idx.msk $0xffff, v4  }
0x3e3: {  	s17 =	sadd.s32 $0x4, s5;
	v47 =	vshll.u32 v47, v1;
	v42 =	vshrl.u32 v2, $0x3;
	v2 =	vmul.f32 $8.000000000e+00, v51;
	v62 =	vld [tilespmem:s16+$0x60];
	[tilespmem:v58+s12+$0x0] =	vst.idx.msk $0xffff, v0  }
0x3e4: {  	p0 =	slt.u32 s5, $0x78;
	s18 =	sadd.s32 $0x5, s5;
	v43 =	vmov s17;
	v4 =	vadd.s32 v14, v35;
	v63 =	vld [tilespmem:s16+$0xA0];
	v0 =	vmul.f32 $8.000000000e+00, v59;
	[tilespmem:v49+s12+$0x0] =	vst.idx.msk $0xffff, v5  }
.Ltmp19:
0x3e5: {  	v3 =	vmov s18;
	v43 =	vshrl.u32 v43, $0x3;
	[tilespmem:v54+s12+$0x0] =	vst.idx.msk $0xffff, v2;
	v2 =	vmul.f32 $8.000000000e+00, v57;
	v52 =	vld [tilespmem:s16+$0xFFFFFF70];
	(pc) =	sbr.rel @p0 .LBB2_31-.Ltmp19, $4  }
0x3e6: {  	v3 =	vshrl.u32 v3, $0x3;
	v41 =	vadd.s32 v9, v41;
	v55 =	vadd.s32 v11, v33;
	v56 =	vld [tilespmem:s16+$0xF0];
	[tilespmem:v61+s12+$0x0] =	vst.idx.msk $0xffff, v0  }
0x3e7: {  	v51 =	vadd.s32 v7, v34;
	v45 =	vshll.u32 v53, v1;
	v50 =	vld [tilespmem:s16+$0xFFFFFF30];
	[tilespmem:v48+s12+$0x0] =	vst.idx.msk $0xffff, v2;
	v2 =	vmul.f32 $8.000000000e+00, v60  }
0x3e8: {  	v53 =	vadd.s32 v19, v40;
	v46 =	vshll.u32 v43, v1;
	v43 =	vshll.u32 v3, v1;
	v54 =	vld [tilespmem:s16+$0xFFFFFFF0]  }
0x3e9: {  	s14 =	sadd.s32 $0x7, s5;
	s5 =	sadd.s32 $0x8, s5;
	v48 =	vadd.s32 v27, v39;
	v49 =	vld [tilespmem:s16+$0xFFFFFFB0];
	v39 =	vmul.f32 $8.000000000e+00, v62;
	[tilespmem:v4+s12+$0x0] =	vst.idx.msk $0xffff, v2;
	v40 =	vmul.f32 $8.000000000e+00, v63  }
0x3ea: {  	_ =	sdelay $0x3  }
0x3eb: {  	v2 =	vadd.s32 v31, v37;
	v3 =	vld [tilespmem:s16+$0x30];
	v59 =	vmul.f32 $8.000000000e+00, v52;
	[tilespmem:v55+s12+$0x0] =	vst.idx.msk $0xffff, v39  }
0x3ec: {  	v36 =	vadd.s32 v21, v36;
	v4 =	vmul.f32 $8.000000000e+00, v56;
	[tilespmem:v51+s12+$0x0] =	vst.idx.msk $0xffff, v40  }
0x3ed: {  	v35 =	vadd.s32 v25, v35;
	v5 =	vmul.f32 $8.000000000e+00, v50;
	[tilespmem:v41+s12+$0x0] =	vst.idx.msk $0xffff, v59  }
0x3ee: {  	s5 =	sadd.s32 $0x200, s16;
	[tilespmem:v53+s12+$0x0] =	vst.idx.msk $0xffff, v4;
	v63 =	vmul.f32 $8.000000000e+00, v49  }
0x3ef: {  	v60 =	vld [tilespmem:s5+$0xC0];
	v53 =	vmul.f32 $8.000000000e+00, v54;
	[tilespmem:v48+s12+$0x0] =	vst.idx.msk $0xffff, v5  }
0x3f0: {  	v0 =	vmov s14;
	v58 =	vld [tilespmem:s16+$0x70];
	[tilespmem:v2+s12+$0x0] =	vst.idx.msk $0xffff, v63;
	v2 =	vmul.f32 $8.000000000e+00, v3  }
0x3f1: {  	v0 =	vshrl.u32 v0, $0x3;
	v3 =	vld [tilespmem:$0x1FEB0];
	[tilespmem:v36+s12+$0x0] =	vst.idx.msk $0xffff, v53  }
0x3f2: {  	v0 =	vshll.u32 v0, v1;
	v40 =	vld [tilespmem:s16+$0xB0];
	[tilespmem:v35+s12+$0x0] =	vst.idx.msk $0xffff, v2  }
0x3f3: {  	v33 =	vadd.s32 v29, v33;
	v0 =	vbroadcast v0, $0x0;
	v61 =	vld [tilespmem:$0x1FF00]  }
0x3f4: {  	v34 =	vadd.s32 v15, v34;
	v52 =	vld [tilespmem:s5+$0xFFFFFF00]  }
0x3f5: {  	v47 =	vbroadcast v47, $0x0;
	v54 =	vld [tilespmem:s5+$0xFFFFFF40];
	v55 =	vadd.s32 v13, v0  }
0x3f6: {  	v44 =	vbroadcast v44, $0x0;
	v56 =	vld [tilespmem:s5+$0xFFFFFF80];
	v57 =	vmul.f32 $8.000000000e+00, v58;
	v3 =	vadd.s32 v3, v38  }
0x3f7: {  	v58 =	vadd.s32 v10, v47;
	v2 =	vmul.f32 $8.000000000e+00, v40  }
0x3f8: {  	v45 =	vbroadcast v45, $0x0;
	v59 =	vld [tilespmem:s5+$0xFFFFFFC0];
	v4 =	vmul.f32 $8.000000000e+00, v60;
	[tilespmem:v33+s12+$0x0] =	vst.idx.msk $0xffff, v57;
	v62 =	vadd.s32 v61, v44  }
0x3f9: {  	v10 =	vmul.f32 $8.000000000e+00, v52;
	[tilespmem:v34+s12+$0x0] =	vst.idx.msk $0xffff, v2  }
0x3fa: {  	v52 =	vadd.s32 v18, v45;
	v2 =	vmul.f32 $8.000000000e+00, v54;
	[tilespmem:v55+s12+$0x0] =	vst.idx.msk $0xffff, v4  }
0x3fb: {  	v41 =	vld [tilespmem:s5+$0x80];
	[tilespmem:v3+s12+$0x0] =	vst.idx.msk $0xffff, v10;
	v3 =	vmul.f32 $8.000000000e+00, v56  }
0x3fc: {  	v63 =	vld [tilespmem:s5+$0x0];
	[tilespmem:v58+s12+$0x0] =	vst.idx.msk $0xffff, v2  }
0x3fd: {  	v53 =	vld [tilespmem:s5+$0x40];
	v2 =	vmul.f32 $8.000000000e+00, v59;
	[tilespmem:v62+s12+$0x0] =	vst.idx.msk $0xffff, v3  }
0x3fe: {  	v46 =	vbroadcast v46, $0x0;
	v62 =	vld [tilespmem:$0x1FFD0]  }
0x3ff: {  	v42 =	vshll.u32 v42, v1;
	v43 =	vbroadcast v43, $0x0;
	v56 =	vld [tilespmem:$0x1FE00];
	[tilespmem:v52+s12+$0x0] =	vst.idx.msk $0xffff, v2  }
0x400: {  	v42 =	vbroadcast v42, $0x0;
	v34 =	vadd.s32 v22, v46;
	v58 =	vld [tilespmem:$0x1FED0]  }
0x401: {  	v4 =	vadd.s32 v26, v43;
	v60 =	vld [tilespmem:s5+$0xD0]  }
0x402: {  	v37 =	vadd.s32 v30, v42;
	v33 =	vld [tilespmem:s5+$0xFFFFFF10]  }
0x403: {  	v61 =	vld [tilespmem:s5+$0xFFFFFF50];
	v3 =	vmul.f32 $8.000000000e+00, v63;
	v63 =	vadd.s32 v62, v0  }
0x404: {  	v18 =	vld [tilespmem:s5+$0xFFFFFF90];
	v2 =	vmul.f32 $8.000000000e+00, v53;
	v10 =	vadd.s32 v56, v38  }
0x405: {  	v53 =	vld [tilespmem:s5+$0xFFFFFFD0];
	[tilespmem:v34+s12+$0x0] =	vst.idx.msk $0xffff, v3;
	v3 =	vmul.f32 $8.000000000e+00, v41;
	v52 =	vadd.s32 v58, v47  }
0x406: {  	v54 =	vadd.s32 v28, v44;
	v55 =	vld [tilespmem:s5+$0x10];
	[tilespmem:v4+s12+$0x0] =	vst.idx.msk $0xffff, v2;
	v2 =	vmul.f32 $8.000000000e+00, v60  }
0x407: {  	v59 =	vadd.s32 v20, v45;
	v57 =	vmul.f32 $8.000000000e+00, v33;
	v60 =	vld [tilespmem:s5+$0x50];
	[tilespmem:v37+s12+$0x0] =	vst.idx.msk $0xffff, v3  }
0x408: {  	v3 =	vmul.f32 $8.000000000e+00, v61;
	v61 =	vadd.s32 v24, v46;
	v62 =	vld [tilespmem:s5+$0x90];
	[tilespmem:v63+s12+$0x0] =	vst.idx.msk $0xffff, v2  }
0x409: {  	[tilespmem:v10+s12+$0x0] =	vst.idx.msk $0xffff, v57;
	v2 =	vmul.f32 $8.000000000e+00, v18;
	v63 =	vadd.s32 v8, v43;
	v35 =	vld [tilespmem:s5+$0xE0]  }
0x40a: {  	v10 =	vadd.s32 v32, v42;
	v40 =	vld [tilespmem:s5+$0xFFFFFF20];
	[tilespmem:v52+s12+$0x0] =	vst.idx.msk $0xffff, v3;
	v3 =	vmul.f32 $8.000000000e+00, v53  }
0x40b: {  	v52 =	vadd.s32 v17, v0;
	v18 =	vld [tilespmem:s5+$0xFFFFFF60];
	[tilespmem:v54+s12+$0x0] =	vst.idx.msk $0xffff, v2;
	v2 =	vmul.f32 $8.000000000e+00, v55  }
0x40c: {  	v53 =	vadd.s32 v6, v38;
	v54 =	vld [tilespmem:s5+$0xFFFFFFA0];
	[tilespmem:v59+s12+$0x0] =	vst.idx.msk $0xffff, v3;
	v3 =	vmul.f32 $8.000000000e+00, v60  }
0x40d: {  	v55 =	vadd.s32 v12, v47;
	v57 =	vld [tilespmem:s5+$0xFFFFFFE0];
	[tilespmem:v61+s12+$0x0] =	vst.idx.msk $0xffff, v2;
	v2 =	vmul.f32 $8.000000000e+00, v62  }
0x40e: {  	v59 =	vadd.s32 v16, v44;
	v60 =	vld [tilespmem:s5+$0x20];
	[tilespmem:v63+s12+$0x0] =	vst.idx.msk $0xffff, v3;
	v3 =	vmul.f32 $8.000000000e+00, v35  }
0x40f: {  	v62 =	vadd.s32 v23, v45;
	v61 =	vmul.f32 $8.000000000e+00, v40;
	v63 =	vld [tilespmem:s5+$0x60];
	[tilespmem:v10+s12+$0x0] =	vst.idx.msk $0xffff, v2  }
0x410: {  	v10 =	vadd.s32 v14, v46;
	v2 =	vmul.f32 $8.000000000e+00, v18;
	v16 =	vld [tilespmem:s5+$0xA0];
	[tilespmem:v52+s12+$0x0] =	vst.idx.msk $0xffff, v3  }
0x411: {  	v17 =	vadd.s32 v11, v43;
	[tilespmem:v53+s12+$0x0] =	vst.idx.msk $0xffff, v61;
	v3 =	vmul.f32 $8.000000000e+00, v54;
	v34 =	vld [tilespmem:s5+$0xF0]  }
0x412: {  	v18 =	vadd.s32 v7, v42;
	v41 =	vld [tilespmem:s5+$0xFFFFFF30];
	[tilespmem:v55+s12+$0x0] =	vst.idx.msk $0xffff, v2;
	v2 =	vmul.f32 $8.000000000e+00, v57  }
0x413: {  	v0 =	vadd.s32 v19, v0;
	v49 =	vld [tilespmem:s5+$0xFFFFFF70];
	[tilespmem:v59+s12+$0x0] =	vst.idx.msk $0xffff, v3;
	v3 =	vmul.f32 $8.000000000e+00, v60  }
0x414: {  	v50 =	vadd.s32 v27, v38;
	v51 =	vld [tilespmem:s5+$0xFFFFFFB0];
	[tilespmem:v62+s12+$0x0] =	vst.idx.msk $0xffff, v2;
	v2 =	vmul.f32 $8.000000000e+00, v63  }
0x415: {  	v52 =	vadd.s32 v9, v47;
	v53 =	vld [tilespmem:s5+$0xFFFFFFF0];
	[tilespmem:v10+s12+$0x0] =	vst.idx.msk $0xffff, v3;
	v3 =	vmul.f32 $8.000000000e+00, v16  }
0x416: {  	v54 =	vadd.s32 v31, v44;
	v55 =	vld [tilespmem:s5+$0x30];
	[tilespmem:v17+s12+$0x0] =	vst.idx.msk $0xffff, v2;
	v2 =	vmul.f32 $8.000000000e+00, v34  }
0x417: {  	v59 =	vadd.s32 v21, v45;
	v57 =	vmul.f32 $8.000000000e+00, v41;
	v60 =	vld [tilespmem:s5+$0x70];
	[tilespmem:v18+s12+$0x0] =	vst.idx.msk $0xffff, v3  }
0x418: {  	v61 =	vadd.s32 v25, v46;
	v3 =	vmul.f32 $8.000000000e+00, v49;
	v62 =	vld [tilespmem:s5+$0xB0];
	[tilespmem:v0+s12+$0x0] =	vst.idx.msk $0xffff, v2  }
0x419: {  	[tilespmem:v50+s12+$0x0] =	vst.idx.msk $0xffff, v57;
	v0 =	vmul.f32 $8.000000000e+00, v51;
	v2 =	vadd.s32 v29, v43  }
0x41a: {  	v63 =	vadd.s32 v15, v42;
	[tilespmem:v52+s12+$0x0] =	vst.idx.msk $0xffff, v3;
	v3 =	vmul.f32 $8.000000000e+00, v53  }
0x41b: {  	[tilespmem:v54+s12+$0x0] =	vst.idx.msk $0xffff, v0;
	v0 =	vmul.f32 $8.000000000e+00, v55  }
0x41c: {  	s18 =	sshll.u32 s13, $0x12;
	[tilespmem:v59+s12+$0x0] =	vst.idx.msk $0xffff, v3;
	v3 =	vmul.f32 $8.000000000e+00, v60  }
0x41d: {  	s5 =	sor.u32 s6, s18;
	[tilespmem:v61+s12+$0x0] =	vst.idx.msk $0xffff, v0;
	v0 =	vmul.f32 $8.000000000e+00, v62  }
0x41e: {  	s5 =	sshrl.u32 s5, $0x3;
	[tilespmem:v2+s12+$0x0] =	vst.idx.msk $0xffff, v3  }
0x41f: {  	s19 =	simm.s32 $0x18C00;
	s13 =	sadd.s32 s2, s5;
	[tilespmem:v63+s12+$0x0] =	vst.idx.msk $0xffff, v0  }
0x420: {  	[hbm4b:s13+s3] =	stream.linear.scatter [tilespmem:s19], [sflag:$0xA], $0x80, $0x38;
	[tilespmem:$0x1AE00] =	vst v63  }
0x421: {  	s14 =	simm.s32 $0x18C88;
	s15 =	sadd.s32 $0x10, s13  }
0x422: {  	[hbm4b:s15+s3] =	stream.linear.scatter [tilespmem:s14], [sflag:$0xA], $0x80, $0x38;
	[tilespmem:$0x1AE00] =	vst v63  }
0x423: {  	s16 =	simm.s32 $0x18D10;
	s18 =	simm.s32 $0x18D98;
	s17 =	sadd.s32 $0x20, s13  }
0x424: {  	[hbm4b:s17+s3] =	stream.linear.scatter [tilespmem:s16], [sflag:$0xA], $0x80, $0x38;
	[tilespmem:$0x1AE00] =	vst v63  }
0x425: {  	s5 =	simm.s32 $0x440;
	s19 =	sadd.s32 $0x30, s13;
	s14 =	simm.s32 $0x18E20  }
0x426: {  	[hbm4b:s19+s3] =	stream.linear.scatter [tilespmem:s18], [sflag:$0xA], $0x80, $0x38;
	[tilespmem:$0x1AE00] =	vst v63  }
0x427: {  	s15 =	sadd.s32 $0x40, s13;
	s16 =	simm.s32 $0x18EA8;
	s17 =	sadd.s32 $0x50, s13  }
0x428: {  	[hbm4b:s15+s3] =	stream.linear.scatter [tilespmem:s14], [sflag:$0xA], $0x80, $0x38;
	[tilespmem:$0x1AE00] =	vst v63  }
0x429: {  	s18 =	simm.s32 $0x18F30;
	s19 =	sadd.s32 $0x60, s13;
	s14 =	simm.s32 $0x2200  }
0x42a: {  	v30 =	vmov v24;
	[hbm4b:s17+s3] =	stream.linear.scatter [tilespmem:s16], [sflag:$0xA], $0x80, $0x38;
	[tilespmem:$0x1AE00] =	vst v63  }
0x42b: {  	v26 =	vmovc v20;
	v25 =	vmovc v7;
	v41 =	vmov v8;
	v29 =	vmov v19;
	v59 =	vmov v28;
	s15 =	simm.s32 $0x18FB8;
	s16 =	sadd.s32 $0x70, s13;
	s13 =	sadd.s32 $0x1000, s13  }
0x42c: {  	v62 =	vmovc v32;
	v2 =	vmovc v31;
	v31 =	vmov v23;
	v23 =	vmov v11;
	v0 =	vmov v6;
	[hbm4b:s19+s3] =	stream.linear.scatter [tilespmem:s18], [sflag:$0xA], $0x80, $0x38;
	[tilespmem:$0x1AE00] =	vst v63  }
.LBB2_33:
0x42d: {  	[hbm4b:s16+s3] =	stream.linear.scatter [tilespmem:s15], [sflag:$0xA], $0x80, $0x38;
	[tilespmem:$0x1AE00] =	vst v63  }
0x42e: {  	s15 =	smov.u32 s5;
	s5 =	smov.u32 s14  }
0x42f: {  	s17 =	sadd.s32 $0x1100, s14;
	s5 =	sshra.s32 s5, $0x2;
	s16 =	sadd.s32 $0x18C00, s15  }
0x430: {  	[hbm4b:s13+s3] =	stream.linear.scatter [tilespmem:s16], [sflag:$0xA], $0x80, $0x38;
	[tilespmem:$0x1AE00] =	vst v63  }
0x431: {  	p0 =	sne.s32 s14, $0x7700;
	s14 =	sadd.s32 $0x18C88, s15;
	s16 =	sadd.s32 $0x10, s13  }
0x432: {  	[hbm4b:s16+s3] =	stream.linear.scatter [tilespmem:s14], [sflag:$0xA], $0x80, $0x38;
	[tilespmem:$0x1AE00] =	vst v63  }
0x433: {  	s14 =	sadd.s32 $0x18D10, s15;
	s16 =	sadd.s32 $0x20, s13  }
0x434: {  	[hbm4b:s16+s3] =	stream.linear.scatter [tilespmem:s14], [sflag:$0xA], $0x80, $0x38;
	[tilespmem:$0x1AE00] =	vst v63  }
0x435: {  	s14 =	sadd.s32 $0x18D98, s15;
	s16 =	sadd.s32 $0x30, s13  }
0x436: {  	[hbm4b:s16+s3] =	stream.linear.scatter [tilespmem:s14], [sflag:$0xA], $0x80, $0x38;
	[tilespmem:$0x1AE00] =	vst v63  }
0x437: {  	s14 =	sadd.s32 $0x18E20, s15;
	s16 =	sadd.s32 $0x40, s13  }
0x438: {  	[hbm4b:s16+s3] =	stream.linear.scatter [tilespmem:s14], [sflag:$0xA], $0x80, $0x38;
	[tilespmem:$0x1AE00] =	vst v63  }
.Ltmp20:
0x439: {  	s14 =	sadd.s32 $0x18EA8, s15;
	s16 =	sadd.s32 $0x50, s13;
	(pc) =	sbr.rel @p0 .LBB2_33-.Ltmp20, $4  }
0x43a: {  	[hbm4b:s16+s3] =	stream.linear.scatter [tilespmem:s14], [sflag:$0xA], $0x80, $0x38;
	[tilespmem:$0x1AE00] =	vst v63  }
0x43b: {  	s14 =	sadd.s32 $0x18F30, s15;
	s16 =	sadd.s32 $0x60, s13;
	s15 =	sadd.s32 $0x18FB8, s15  }
0x43c: {  	[hbm4b:s16+s3] =	stream.linear.scatter [tilespmem:s14], [sflag:$0xA], $0x80, $0x38;
	[tilespmem:$0x1AE00] =	vst v63  }
0x43d: {  	s16 =	sadd.s32 $0x70, s13;
	s13 =	sadd.s32 $0x1000, s13;
	s14 =	smov.u32 s17  }
0x43e: {  	[hbm4b:s16+s3] =	stream.linear.scatter [tilespmem:s15], [sflag:$0xA], $0x80, $0x38;
	[tilespmem:$0x1AE00] =	vst v63  }
0x43f: {  	s14 =	sadd.s32 $0x18C00, s5  }
0x440: {  	[hbm4b:s13+s3] =	stream.linear.scatter [tilespmem:s14], [sflag:$0xA], $0x80, $0x38;
	[tilespmem:$0x1AE00] =	vst v63  }
0x441: {  	s18 =	sadd.s32 $0x18C88, s5;
	s19 =	sadd.s32 $0x10, s13  }
0x442: {  	[hbm4b:s19+s3] =	stream.linear.scatter [tilespmem:s18], [sflag:$0xA], $0x80, $0x38;
	[tilespmem:$0x1AE00] =	vst v63  }
0x443: {  	s16 =	sadd.s32 $0x18D10, s5;
	s17 =	sadd.s32 $0x20, s13  }
0x444: {  	[hbm4b:s17+s3] =	stream.linear.scatter [tilespmem:s16], [sflag:$0xA], $0x80, $0x38;
	[tilespmem:$0x1AE00] =	vst v63  }
0x445: {  	s18 =	sadd.s32 $0x18D98, s5;
	s19 =	sadd.s32 $0x30, s13  }
0x446: {  	[hbm4b:s19+s3] =	stream.linear.scatter [tilespmem:s18], [sflag:$0xA], $0x80, $0x38;
	[tilespmem:$0x1AE00] =	vst v63  }
0x447: {  	s16 =	sadd.s32 $0x18E20, s5;
	s17 =	sadd.s32 $0x40, s13  }
0x448: {  	[hbm4b:s17+s3] =	stream.linear.scatter [tilespmem:s16], [sflag:$0xA], $0x80, $0x38;
	[tilespmem:$0x1AE00] =	vst v63  }
0x449: {  	p0 =	seq.s32 s10, $0x27;
	s18 =	sadd.s32 $0x18EA8, s5;
	s19 =	sadd.s32 $0x50, s13  }
0x44a: {  	[hbm4b:s19+s3] =	stream.linear.scatter [tilespmem:s18], [sflag:$0xA], $0x80, $0x38;
	[tilespmem:$0x1AE00] =	vst v63  }
.Ltmp21:
0x44b: {  	_ = 	snop;
	(pc) =	sbr.rel @p0 .LBB2_36-.Ltmp21, $4  }
0x44c: {  	s16 =	sadd.s32 $0x18F30, s5;
	s17 =	sadd.s32 $0x60, s13  }
0x44d: {  	[hbm4b:s17+s3] =	stream.linear.scatter [tilespmem:s16], [sflag:$0xA], $0x80, $0x38;
	[tilespmem:$0x1AE00] =	vst v63  }
0x44e: {  	s18 =	sadd.s32 $0x18FB8, s5;
	s19 =	sadd.s32 $0x70, s13  }
0x44f: {  	[hbm4b:s19+s3] =	stream.linear.scatter [tilespmem:s18], [sflag:$0xA], $0x80, $0x38;
	[tilespmem:$0x1AE00] =	vst v63  }
0x450: {  	v9 =	vld [tilespmem:$0x1FEB0]  }
0x451: {  	v12 =	vld [tilespmem:$0x1FE20]  }
0x452: {  	v13 =	vld [tilespmem:$0x1FEC0]  }
0x453: {  	v16 =	vld [tilespmem:$0x1FEE0]  }
0x454: {  	v20 =	vld [tilespmem:$0x1FF00]  }
0x455: {  	v8 =	vld [tilespmem:$0x1FF10]  }
0x456: {  	v28 =	vld [tilespmem:$0x1FF20]  }
0x457: {  	s5 =	smul.u32 $0xA00, s10;
	v17 =	vld [tilespmem:$0x1FF30]  }
.Ltmp22:
0x458: {  	v19 =	vld [tilespmem:$0x1FF60];
	(pc) =	sbr.rel .LBB2_2-.Ltmp22, $4  }
0x459: {  	v57 =	vld [tilespmem:$0x1FF90]  }
0x45a: {  	v15 =	vld [tilespmem:$0x1FFC0];
	s5 =	sshra.s32 s5, $0x2  }
0x45b: {  	s13 =	simm.s32 $0xC400;
	s10 =	sadd.s32 $0x1, s10;
	v22 =	vld [tilespmem:$0x1FFD0];
	s5 =	sadd.s32 $0x400, s5  }
0x45c: {  	v27 =	vld [tilespmem:$0x1FFE0];
	v11 =	vmov v0;
	[tilespmem:s13], [sflag:$0x4] =	stream.indirect.gather [hbm4b:s4+s11], $0x40, s5, s11, $0xb8  }
.LBB2_37:
0x45d: {  	_ =	sfence.sel $0x180000  }
0x45e: {  	[bflag:$0x0] =	sbarrier.arrive $0xFFFF  }
0x45f: {  	_ =	strace $0x90000047  }
0x460: {  	s0 =	stileid.u32;
	[bflag:$0x2] =	sbarrier.arrive $0xFFFF  }
0x461: {  	p0 =	sne.s32 s0, $0x0;
	s0 =	rddreg [dreg:$0x2]  }
0x462: {  	s0 =	sadd.s32 @!p0 $0x100000, s0  }
0x463: {  	[sflag:s0] =	ssyncadd.tile.s32 @!p0 $0x1;
	_ =	shalt  }
.Lfunc_end2:
_tile_overlayer_lowered:
.L_overlay_start_2:
0x464: {  	(tag) =	ssettag $0x2  }
0x465: {  	s0 =	rddreg [dreg:$0x0];
	s2 =	stileid.u32  }
0x466: {  	s1 =	rddreg [dreg:$0x1];
	p0 =	sne.s32 s2, $0x0  }
0x467: {  	s3 =	rddreg [dreg:$0x2];
	[bflag:$0x3] =	sbarrier.arrive $0xFFFF;
	s2 =	simm.s32 @!p0 $0x1C0B  }
0x468: {  	[timem:s3], [sflag:s2] =	dma.local @!p0 [hbm:s0], s1  }
0x469: {  	s0 =	simm.s32 @!p0 $0xB  }
0x46a: {  	_ =	swait.ge @!p0 [sflag:s0], s1  }
0x46b: {  	s1 =	ssub.s32 @!p0 $0x0, s1;
	[sflag:s0] =	ssyncset.done @!p0 $0x0  }
0x46c: {  	[sflag:s0] =	ssyncadd.s32 @!p0 s1  }
0x46d: {  	[bflag:$0x3] =	sbarrier.arrive $0xFFFF  }
0x46e: {  	_ =	shalt  }

</sc_bundles>
